<compile_context>
chip_gen: v7x
topology: tpu7x:2x2x1
jax: 0.10.2.dev20260603
libtpu: 0.0.44.dev20260713+nightly
codegen_flags: <defaults>
</compile_context>

<pallas_src>
import functools

import jax
import jax.numpy as jnp
from jax import lax
from jax.experimental import pallas as pl
from jax.experimental.pallas import tpu as pltpu
from jax.experimental.pallas import tpu_sc as plsc

N = 10000
D = 128
E = 320000

NC = 2
NS = 16
NW = NC * NS
K = 128
CPB = 4
FAST_C = 0
F_BLK = 36
S_BLK = 4
F_T = F_BLK + 2
S_T = S_BLK + 2
TOTBLK = NS * (F_T + S_T)
E_PAD = NS * (F_BLK + S_BLK) * CPB * K
ROWS_PT = 632
ACC_ROWS = NS * ROWS_PT


def _sc_agg_body(x_hbm, blk_hbm, zero_hbm, out_hbm,
                 slot0, slot1, rows0, rows1, acc,
                 ssem0, ssem1, gsem0, gsem1):
    c = lax.axis_index("c")
    s = lax.axis_index("s")

    pltpu.sync_copy(zero_hbm, acc.at[pl.ds(s * ROWS_PT, ROWS_PT)])
    plsc.subcore_barrier()

    base = jnp.where(c == FAST_C, s * F_T, NS * F_T + s * S_T)
    nbody = jnp.where(c == FAST_C, F_BLK // 2, S_BLK // 2)

    slots = (slot0, slot1)
    ssems = (ssem0, ssem1)
    rows = (rows0, rows1)
    gsems = (gsem0, gsem1)

    def sl_start(q, t):
        pltpu.async_copy(blk_hbm.at[t], slots[q], ssems[q])

    def sl_wait(q):
        pltpu.make_async_copy(blk_hbm.at[0], slots[q], ssems[q]).wait()

    def g_start(q, m, r):
        return pltpu.async_copy(x_hbm.at[slots[q].at[m]], rows[r], gsems[r])

    def scat(q, m, r):
        pltpu.sync_copy(rows[r], acc.at[slots[q].at[CPB + m]], add=True)

    sl_start(0, base)
    sl_start(1, base + 1)

    def body(i, carry):
        t = base + 2 * i
        sl_wait(0)
        d0 = g_start(0, 0, 0)
        d1 = g_start(0, 1, 1)
        d0.wait()
        scat(0, 0, 0)
        d2 = g_start(0, 2, 0)
        d1.wait()
        scat(0, 1, 1)
        d3 = g_start(0, 3, 1)
        sl_wait(1)
        d2.wait()
        scat(0, 2, 0)
        d4 = g_start(1, 0, 0)
        d3.wait()
        scat(0, 3, 1)
        d5 = g_start(1, 1, 1)
        sl_start(0, t + 2)
        d4.wait()
        scat(1, 0, 0)
        d6 = g_start(1, 2, 0)
        d5.wait()
        scat(1, 1, 1)
        d7 = g_start(1, 3, 1)
        d6.wait()
        scat(1, 2, 0)
        d7.wait()
        scat(1, 3, 1)
        sl_start(1, t + 3)
        return carry

    lax.fori_loop(0, nbody, body, 0)
    sl_wait(0)
    sl_wait(1)
    plsc.subcore_barrier()

    pltpu.sync_copy(acc.at[pl.ds(s * ROWS_PT, ROWS_PT)],
                    out_hbm.at[c, pl.ds(s * ROWS_PT, ROWS_PT)])


@functools.cache
def _get_sc_agg():
    return functools.partial(
        pl.kernel,
        out_type=jax.ShapeDtypeStruct((NC, ACC_ROWS, D), jnp.float32),
        mesh=plsc.VectorSubcoreMesh(core_axis_name="c", subcore_axis_name="s",
                                    num_cores=NC, num_subcores=NS),
        scratch_types=[
            pltpu.VMEM((2 * CPB, K), jnp.int32),
            pltpu.VMEM((2 * CPB, K), jnp.int32),
            pltpu.VMEM((K, D), jnp.float32),
            pltpu.VMEM((K, D), jnp.float32),
            pltpu.VMEM_SHARED((ACC_ROWS, D), jnp.float32),
            pltpu.SemaphoreType.DMA,
            pltpu.SemaphoreType.DMA,
            pltpu.SemaphoreType.DMA,
            pltpu.SemaphoreType.DMA,
        ],
    )(_sc_agg_body)


def _mlp_body(eps_ref, x_ref, p0_ref, p1_ref, wa_ref, ba_ref, g_ref, be_ref,
              wb_ref, bb_ref, o_ref, *, final_act):
    h0 = x_ref[...] * (1.0 + eps_ref[0]) + p0_ref[0] + p1_ref[0]
    h = lax.dot_general(h0, wa_ref[...], (((1,), (0,)), ((), ())),
                        precision=lax.Precision.HIGHEST,
                        preferred_element_type=jnp.float32) + ba_ref[...]
    mu = jnp.mean(h, axis=-1, keepdims=True)
    var = jnp.mean((h - mu) ** 2, axis=-1, keepdims=True)
    h = (h - mu) / jnp.sqrt(var + 1e-5) * g_ref[...] + be_ref[...]
    h = jnp.where(h > 0, h, 0.01 * h)
    h = lax.dot_general(h, wb_ref[...], (((1,), (0,)), ((), ())),
                        precision=lax.Precision.HIGHEST,
                        preferred_element_type=jnp.float32) + bb_ref[...]
    nrm = jnp.sqrt(jnp.sum(h * h, axis=-1, keepdims=True))
    h = h / jnp.maximum(nrm, 1e-12)
    if final_act:
        h = jnp.where(h > 0, h, 0.01 * h)
    o_ref[...] = h


def _tc_layer(eps, x, parts, waT, ba, g, be, wbT, bb, final_act, interpret=False):
    R = 2000
    grid = (N // R,)
    row_spec = pl.BlockSpec((R, D), lambda i: (i, 0))
    part0_spec = pl.BlockSpec((1, R, D), lambda i: (0, i, 0))
    part1_spec = pl.BlockSpec((1, R, D), lambda i: (1, i, 0))
    full_spec = pl.BlockSpec((D, D), lambda i: (0, 0))
    vec_spec = pl.BlockSpec((1, D), lambda i: (0, 0))
    return pl.pallas_call(
        functools.partial(_mlp_body, final_act=final_act),
        grid=grid,
        in_specs=[
            pl.BlockSpec(memory_space=pltpu.SMEM),
            row_spec, part0_spec, part1_spec,
            full_spec, vec_spec, vec_spec, vec_spec, full_spec, vec_spec,
        ],
        out_specs=row_spec,
        out_shape=jax.ShapeDtypeStruct((N, D), jnp.float32),
        interpret=interpret,
    )(eps, x, parts, parts, waT, ba, g, be, wbT, bb)


def kernel(x, edge_index, eps1, W1a, b1a, g1, be1, W1b, b1b,
           eps2, W2a, b2a, g2, be2, W2b, b2b):
    src = edge_index[0]
    dst = edge_index[1]
    npad = E_PAD - E
    srcp = jnp.concatenate([src, jnp.zeros((npad,), jnp.int32)])
    dstp = jnp.concatenate([dst, jnp.full((npad,), N, jnp.int32)])
    fast_e = NS * F_BLK * CPB * K

    def mk_blocks(flat_s, flat_d, nblk, nblk_t):
        s3 = flat_s.reshape(NS, nblk, CPB, K)
        d3 = flat_d.reshape(NS, nblk, CPB, K)
        blk = jnp.concatenate([s3, d3], axis=2)
        dummy = jnp.concatenate(
            [jnp.zeros((NS, nblk_t - nblk, CPB, K), jnp.int32),
             jnp.full((NS, nblk_t - nblk, CPB, K), N, jnp.int32)], axis=2)
        return jnp.concatenate([blk, dummy], axis=1).reshape(-1, 2 * CPB, K)

    blk_all = jnp.concatenate([
        mk_blocks(srcp[:fast_e], dstp[:fast_e], F_BLK, F_T),
        mk_blocks(srcp[fast_e:], dstp[fast_e:], S_BLK, S_T),
    ])
    zero_rows = jnp.zeros((ROWS_PT, D), jnp.float32)

    e1 = jnp.reshape(eps1, (1,))
    e2 = jnp.reshape(eps2, (1,))
    vecs = [v.reshape(1, D) for v in (b1a, g1, be1, b1b, b2a, g2, be2, b2b)]
    b1a_, g1_, be1_, b1b_, b2a_, g2_, be2_, b2b_ = vecs

    sc_agg = _get_sc_agg()
    parts1 = sc_agg(x, blk_all, zero_rows)
    h1 = _tc_layer(e1, x, parts1, W1a.T, b1a_, g1_, be1_, W1b.T, b1b_,
                   final_act=True)
    parts2 = sc_agg(h1, blk_all, zero_rows)
    h2 = _tc_layer(e2, h1, parts2, W2a.T, b2a_, g2_, be2_, W2b.T, b2b_,
                   final_act=False)
    return h2

# --- scband reference (transcript-rebuilt; emitter-appended) ---
"""Pipeline reference for scband-gin-89094801588700 (READ-ONLY COPY).

The authoritative reference and input builder live on the scoring server;
editing this copy changes nothing except your own understanding.
"""

import jax, jax.numpy as jnp
import numpy as np

N = 10000
E = 320000
D = 128


def _layernorm(h, g, b):
    mu = jnp.mean(h, axis=-1, keepdims=True)
    var = jnp.mean((h - mu) ** 2, axis=-1, keepdims=True)
    return (h - mu) / jnp.sqrt(var + 1e-5) * g + b


def _mlp(h, Wa, ba, g, be, Wb, bb):
    # PyG MLP([D, D, D], act='leaky_relu', norm='layernorm', dropout=0.1), eval mode (dropout = identity)
    h = h @ Wa.T + ba
    h = _layernorm(h, g, be)
    h = jax.nn.leaky_relu(h, negative_slope=0.01)
    h = h @ Wb.T + bb  # plain last layer
    return h


def _gin_conv(x, src, dst, eps, Wa, ba, g, be, Wb, bb):
    # sum aggregation of messages x[src] into dst, then MLP((1+eps)*x + agg)
    agg = jax.ops.segment_sum(x[src], dst, num_segments=N)
    return _mlp((1.0 + eps) * x + agg, Wa, ba, g, be, Wb, bb)


def _l2norm(h):
    n = jnp.linalg.norm(h, axis=-1, keepdims=True)
    return h / jnp.maximum(n, 1e-12)


def setup_inputs(seed: int = 0):
    key = jax.random.key(seed)
    ks = jax.random.split(key, 16)
    s = 1.0 / np.sqrt(D)
    inp = {}
    inp['x'] = jax.random.normal(ks[0], (N, D), dtype=jnp.float32)
    inp['edge_index'] = jax.random.randint(ks[1], (2, E), 0, N, dtype=jnp.int32)
    inp['eps1'] = jnp.zeros((), dtype=jnp.float32)
    inp['W1a'] = jax.random.normal(ks[2], (D, D), dtype=jnp.float32) * s
    inp['b1a'] = jnp.zeros((D,), dtype=jnp.float32)
    inp['g1'] = jnp.ones((D,), dtype=jnp.float32)
    inp['be1'] = jnp.zeros((D,), dtype=jnp.float32)
    inp['W1b'] = jax.random.normal(ks[3], (D, D), dtype=jnp.float32) * s
    inp['b1b'] = jnp.zeros((D,), dtype=jnp.float32)
    inp['eps2'] = jnp.zeros((), dtype=jnp.float32)
    inp['W2a'] = jax.random.normal(ks[4], (D, D), dtype=jnp.float32) * s
    inp['b2a'] = jnp.zeros((D,), dtype=jnp.float32)
    inp['g2'] = jnp.ones((D,), dtype=jnp.float32)
    inp['be2'] = jnp.zeros((D,), dtype=jnp.float32)
    inp['W2b'] = jax.random.normal(ks[5], (D, D), dtype=jnp.float32) * s
    inp['b2b'] = jnp.zeros((D,), dtype=jnp.float32)
    return inp


def reference(x, edge_index, eps1, W1a, b1a, g1, be1, W1b, b1b, eps2, W2a, b2a, g2, be2, W2b, b2b):
    src = edge_index[0]
    dst = edge_index[1]
    h1 = _gin_conv(x, src, dst, eps1, W1a, b1a, g1, be1, W1b, b1b)
    h1 = _l2norm(h1)
    h1 = jax.nn.leaky_relu(h1, negative_slope=0.01)
    h2 = _gin_conv(h1, src, dst, eps2, W2a, b2a, g2, be2, W2b, b2b)
    h2 = _l2norm(h2)
    return h2

if __name__ == "__main__":
    import jax
    _d = setup_inputs()
    print(jax.jit(kernel)(*tuple(_d.values())))

</pallas_src>

<mosaic_0001>
#map = affine_map<(d0, d1) -> (0, 0)>
#map1 = affine_map<(d0, d1) -> (0, 0, 0)>
module attributes {stable_mosaic.version = 14 : i64} {
  func.func @_sc_agg_body(%arg0: i32, %arg1: i32, %arg2: memref<10000x128xf32, #tpu.memory_space<hbm>>, %arg3: memref<704x8x128xi32, #tpu.memory_space<hbm>>, %arg4: memref<632x128xf32, #tpu.memory_space<hbm>>, %arg5: memref<2x10112x128xf32, #tpu.memory_space<hbm>>, %arg6: memref<8x128xi32, #tpu.memory_space<vmem>>, %arg7: memref<8x128xi32, #tpu.memory_space<vmem>>, %arg8: memref<128x128xf32, #tpu.memory_space<vmem>>, %arg9: memref<128x128xf32, #tpu.memory_space<vmem>>, %arg10: memref<10112x128xf32, #tpu.memory_space<vmem_shared>>, %arg11: memref<!tpu.dma_semaphore, #tpu.memory_space<semaphore_mem>>, %arg12: memref<!tpu.dma_semaphore, #tpu.memory_space<semaphore_mem>>, %arg13: memref<!tpu.dma_semaphore, #tpu.memory_space<semaphore_mem>>, %arg14: memref<!tpu.dma_semaphore, #tpu.memory_space<semaphore_mem>>) attributes {dimension_semantics = [#tpu.dimension_semantics<core_parallel>, #tpu.dimension_semantics<subcore_parallel>], iteration_bounds = array<i64: 2, 16>, scalar_prefetch = 0 : i64, scratch_operands = 9 : i64, tpu.core_type = #tpu.core_type<sc_vector_subcore>, window_params = [{transform_indices = #map}, {transform_indices = #map1}, {transform_indices = #map}, {transform_indices = #map1}]} {
    %mul3A = arith.constant 632 : i32
    %mul3A_0 = arith.muli %arg1, %mul3A : i32
    "tpu.region"() ({
      %run_scoped3A = tpu.sem_alloc : memref<!tpu.dma_semaphore, #tpu.memory_space<semaphore_mem>>
      %dma_start3A_59 = arith.constant 0 : i32
      %dma_start3A_60 = tpu.memref_slice %arg10[%mul3A_0, %dma_start3A_59] : memref<10112x128xf32, #tpu.memory_space<vmem_shared>> -> memref<632x128xf32, #tpu.memory_space<vmem_shared>>
      tpu.enqueue_dma source(%arg4 : memref<632x128xf32, #tpu.memory_space<hbm>>) target(%dma_start3A_60 : memref<632x128xf32, #tpu.memory_space<vmem_shared>>) target_semaphore(%run_scoped3A : memref<!tpu.dma_semaphore, #tpu.memory_space<semaphore_mem>>)
      %dma_wait3A_61 = arith.constant 0 : i32
      %dma_wait3A_62 = tpu.memref_slice %arg10[%mul3A_0, %dma_wait3A_61] : memref<10112x128xf32, #tpu.memory_space<vmem_shared>> -> memref<632x128xf32, #tpu.memory_space<vmem_shared>>
      tpu.wait_dma2 semaphore(%run_scoped3A : memref<!tpu.dma_semaphore, #tpu.memory_space<semaphore_mem>>) src(%arg4 : memref<632x128xf32, #tpu.memory_space<hbm>>) dst(%dma_wait3A_62 : memref<632x128xf32, #tpu.memory_space<vmem_shared>>)
      tpu.yield
    }) : () -> ()
    %barrier3A = arith.constant 0 : index
    tpu.barrier barrier_id(%barrier3A)
    %eq3A = arith.constant 0 : i32
    %eq3A_1 = arith.cmpi eq, %arg0, %eq3A : i32
    %mul3A_2 = arith.constant 38 : i32
    %mul3A_3 = arith.muli %arg1, %mul3A_2 : i32
    %mul3A_4 = arith.constant 6 : i32
    %mul3A_5 = arith.muli %arg1, %mul3A_4 : i32
    %add3A = arith.constant 608 : i32
    %add3A_6 = arith.addi %add3A, %mul3A_5 : i32
    %select_n3A = arith.select %eq3A_1, %mul3A_3, %add3A_6 : i32
    %eq3A_7 = arith.constant 0 : i32
    %eq3A_8 = arith.cmpi eq, %arg0, %eq3A_7 : i32
    %jit3A = arith.constant 18 : i32
    %jit3A_9 = arith.constant 2 : i32
    %select_n3A_10 = arith.select %eq3A_8, %jit3A, %jit3A_9 : i32
    %dma_start3A = arith.constant 0 : i32
    %dma_start3A_11 = arith.constant 0 : i32
    %dma_start3A_12 = tpu.memref_slice %arg3[%select_n3A, %dma_start3A, %dma_start3A_11] : memref<704x8x128xi32, #tpu.memory_space<hbm>> -> memref<1x8x128xi32, #tpu.memory_space<hbm>>
    %dma_start3A_13 = tpu.memref_squeeze %dma_start3A_12 : memref<1x8x128xi32, #tpu.memory_space<hbm>> -> memref<8x128xi32, #tpu.memory_space<hbm>>
    %dma_start3A_14 = arith.constant 0 : i32
    %dma_start3A_15 = arith.constant 0 : i32
    %dma_start3A_16 = tpu.memref_slice %arg3[%select_n3A, %dma_start3A_14, %dma_start3A_15] : memref<704x8x128xi32, #tpu.memory_space<hbm>> -> memref<1x8x128xi32, #tpu.memory_space<hbm>>
    %dma_start3A_17 = tpu.memref_squeeze %dma_start3A_16 : memref<1x8x128xi32, #tpu.memory_space<hbm>> -> memref<8x128xi32, #tpu.memory_space<hbm>>
    tpu.enqueue_dma source(%dma_start3A_17 : memref<8x128xi32, #tpu.memory_space<hbm>>) target(%arg6 : memref<8x128xi32, #tpu.memory_space<vmem>>) target_semaphore(%arg11 : memref<!tpu.dma_semaphore, #tpu.memory_space<semaphore_mem>>)
    %add3A_18 = arith.constant 1 : i32
    %add3A_19 = arith.addi %select_n3A, %add3A_18 : i32
    %dma_start3A_20 = arith.constant 0 : i32
    %dma_start3A_21 = arith.constant 0 : i32
    %dma_start3A_22 = tpu.memref_slice %arg3[%add3A_19, %dma_start3A_20, %dma_start3A_21] : memref<704x8x128xi32, #tpu.memory_space<hbm>> -> memref<1x8x128xi32, #tpu.memory_space<hbm>>
    %dma_start3A_23 = tpu.memref_squeeze %dma_start3A_22 : memref<1x8x128xi32, #tpu.memory_space<hbm>> -> memref<8x128xi32, #tpu.memory_space<hbm>>
    %dma_start3A_24 = arith.constant 0 : i32
    %dma_start3A_25 = arith.constant 0 : i32
    %dma_start3A_26 = tpu.memref_slice %arg3[%add3A_19, %dma_start3A_24, %dma_start3A_25] : memref<704x8x128xi32, #tpu.memory_space<hbm>> -> memref<1x8x128xi32, #tpu.memory_space<hbm>>
    %dma_start3A_27 = tpu.memref_squeeze %dma_start3A_26 : memref<1x8x128xi32, #tpu.memory_space<hbm>> -> memref<8x128xi32, #tpu.memory_space<hbm>>
    tpu.enqueue_dma source(%dma_start3A_27 : memref<8x128xi32, #tpu.memory_space<hbm>>) target(%arg7 : memref<8x128xi32, #tpu.memory_space<vmem>>) target_semaphore(%arg12 : memref<!tpu.dma_semaphore, #tpu.memory_space<semaphore_mem>>)
    %while3A = arith.constant 0 : i32
    %while3A_28 = arith.constant 0 : i32
    %while3A_29 = arith.subi %select_n3A_10, %while3A_28 : i32
    %while3A_30 = arith.addi %while3A_28, %while3A_29 : i32
    %while3A_31 = arith.constant 1 : i32
    %while3A_32 = arith.divsi %while3A_29, %while3A_31 : i32
    %while3A_33 = arith.muli %while3A_32, %while3A_31 : i32
    %while3A_34 = arith.addi %while3A_28, %while3A_33 : i32
    %while3A_35 = arith.constant 1 : i32
    scf.for %while3A_59 = %while3A_28 to %while3A_34 step %while3A_35  : i32 {
      %mul3A_60 = arith.constant 2 : i32
      %mul3A_61 = arith.muli %mul3A_60, %while3A_59 : i32
      %add3A_62 = arith.addi %select_n3A, %mul3A_61 : i32
      %dma_wait3A_63 = arith.constant 0 : i32
      %dma_wait3A_64 = arith.constant 0 : i32
      %dma_wait3A_65 = arith.constant 0 : i32
      %dma_wait3A_66 = tpu.memref_slice %arg3[%dma_wait3A_63, %dma_wait3A_64, %dma_wait3A_65] : memref<704x8x128xi32, #tpu.memory_space<hbm>> -> memref<1x8x128xi32, #tpu.memory_space<hbm>>
      %dma_wait3A_67 = tpu.memref_squeeze %dma_wait3A_66 : memref<1x8x128xi32, #tpu.memory_space<hbm>> -> memref<8x128xi32, #tpu.memory_space<hbm>>
      %dma_wait3A_68 = arith.constant 0 : i32
      %dma_wait3A_69 = arith.constant 0 : i32
      %dma_wait3A_70 = tpu.memref_slice %arg3[%dma_wait3A_63, %dma_wait3A_68, %dma_wait3A_69] : memref<704x8x128xi32, #tpu.memory_space<hbm>> -> memref<1x8x128xi32, #tpu.memory_space<hbm>>
      %dma_wait3A_71 = tpu.memref_squeeze %dma_wait3A_70 : memref<1x8x128xi32, #tpu.memory_space<hbm>> -> memref<8x128xi32, #tpu.memory_space<hbm>>
      tpu.wait_dma2 semaphore(%arg11 : memref<!tpu.dma_semaphore, #tpu.memory_space<semaphore_mem>>) src(%dma_wait3A_71 : memref<8x128xi32, #tpu.memory_space<hbm>>) dst(%arg6 : memref<8x128xi32, #tpu.memory_space<vmem>>)
      %dma_start3A_72 = arith.constant 0 : i32
      %dma_start3A_73 = arith.constant 0 : i32
      %dma_start3A_74 = tpu.memref_slice %arg6[%dma_start3A_72, %dma_start3A_73] : memref<8x128xi32, #tpu.memory_space<vmem>> -> memref<1x128xi32, #tpu.memory_space<vmem>>
      %dma_start3A_75 = tpu.memref_squeeze %dma_start3A_74 : memref<1x128xi32, #tpu.memory_space<vmem>> -> memref<128xi32, #tpu.memory_space<vmem>>
      %dma_start3A_76 = arith.constant 0 : i32
      %dma_start3A_77 = arith.constant 0 : i32
      %dma_start3A_78 = tpu.memref_slice %arg2[%dma_start3A_76, %dma_start3A_77] : memref<10000x128xf32, #tpu.memory_space<hbm>> -> memref<10000x128xf32, #tpu.memory_space<hbm>>
      tpu.enqueue_indirect_dma source(%dma_start3A_78 : memref<10000x128xf32, #tpu.memory_space<hbm>>) target(%arg8 : memref<128x128xf32, #tpu.memory_space<vmem>>) offsets(%dma_start3A_75 : memref<128xi32, #tpu.memory_space<vmem>>) semaphore(%arg13 : memref<!tpu.dma_semaphore, #tpu.memory_space<semaphore_mem>>)
      %dma_start3A_79 = arith.constant 1 : i32
      %dma_start3A_80 = arith.constant 0 : i32
      %dma_start3A_81 = tpu.memref_slice %arg6[%dma_start3A_79, %dma_start3A_80] : memref<8x128xi32, #tpu.memory_space<vmem>> -> memref<1x128xi32, #tpu.memory_space<vmem>>
      %dma_start3A_82 = tpu.memref_squeeze %dma_start3A_81 : memref<1x128xi32, #tpu.memory_space<vmem>> -> memref<128xi32, #tpu.memory_space<vmem>>
      %dma_start3A_83 = arith.constant 0 : i32
      %dma_start3A_84 = arith.constant 0 : i32
      %dma_start3A_85 = tpu.memref_slice %arg2[%dma_start3A_83, %dma_start3A_84] : memref<10000x128xf32, #tpu.memory_space<hbm>> -> memref<10000x128xf32, #tpu.memory_space<hbm>>
      tpu.enqueue_indirect_dma source(%dma_start3A_85 : memref<10000x128xf32, #tpu.memory_space<hbm>>) target(%arg9 : memref<128x128xf32, #tpu.memory_space<vmem>>) offsets(%dma_start3A_82 : memref<128xi32, #tpu.memory_space<vmem>>) semaphore(%arg14 : memref<!tpu.dma_semaphore, #tpu.memory_space<semaphore_mem>>)
      %dma_wait3A_86 = arith.constant 0 : i32
      %dma_wait3A_87 = arith.constant 0 : i32
      %dma_wait3A_88 = tpu.memref_slice %arg6[%dma_wait3A_86, %dma_wait3A_87] : memref<8x128xi32, #tpu.memory_space<vmem>> -> memref<1x128xi32, #tpu.memory_space<vmem>>
      %dma_wait3A_89 = tpu.memref_squeeze %dma_wait3A_88 : memref<1x128xi32, #tpu.memory_space<vmem>> -> memref<128xi32, #tpu.memory_space<vmem>>
      %dma_wait3A_90 = arith.constant 0 : i32
      %dma_wait3A_91 = arith.constant 0 : i32
      %dma_wait3A_92 = tpu.memref_slice %arg2[%dma_wait3A_90, %dma_wait3A_91] : memref<10000x128xf32, #tpu.memory_space<hbm>> -> memref<10000x128xf32, #tpu.memory_space<hbm>>
      tpu.wait_indirect_dma semaphore(%arg13 : memref<!tpu.dma_semaphore, #tpu.memory_space<semaphore_mem>>) src(%dma_wait3A_92 : memref<10000x128xf32, #tpu.memory_space<hbm>>) dst(%arg8 : memref<128x128xf32, #tpu.memory_space<vmem>>)
      %run_scoped3A = arith.constant 4 : i32
      "tpu.region"() ({
        %run_scoped3A_220 = tpu.sem_alloc : memref<!tpu.dma_semaphore, #tpu.memory_space<semaphore_mem>>
        %dma_start3A_221 = arith.constant 0 : i32
        %dma_start3A_222 = tpu.memref_slice %arg6[%run_scoped3A, %dma_start3A_221] : memref<8x128xi32, #tpu.memory_space<vmem>> -> memref<1x128xi32, #tpu.memory_space<vmem>>
        %dma_start3A_223 = tpu.memref_squeeze %dma_start3A_222 : memref<1x128xi32, #tpu.memory_space<vmem>> -> memref<128xi32, #tpu.memory_space<vmem>>
        %dma_start3A_224 = arith.constant 0 : i32
        %dma_start3A_225 = arith.constant 0 : i32
        %dma_start3A_226 = tpu.memref_slice %arg10[%dma_start3A_224, %dma_start3A_225] : memref<10112x128xf32, #tpu.memory_space<vmem_shared>> -> memref<10112x128xf32, #tpu.memory_space<vmem_shared>>
        tpu.enqueue_indirect_dma source(%arg8 : memref<128x128xf32, #tpu.memory_space<vmem>>) target(%dma_start3A_226 : memref<10112x128xf32, #tpu.memory_space<vmem_shared>>) offsets(%dma_start3A_223 : memref<128xi32, #tpu.memory_space<vmem>>) semaphore(%run_scoped3A_220 : memref<!tpu.dma_semaphore, #tpu.memory_space<semaphore_mem>>) {add = true}
        %dma_wait3A_227 = arith.constant 0 : i32
        %dma_wait3A_228 = tpu.memref_slice %arg6[%run_scoped3A, %dma_wait3A_227] : memref<8x128xi32, #tpu.memory_space<vmem>> -> memref<1x128xi32, #tpu.memory_space<vmem>>
        %dma_wait3A_229 = tpu.memref_squeeze %dma_wait3A_228 : memref<1x128xi32, #tpu.memory_space<vmem>> -> memref<128xi32, #tpu.memory_space<vmem>>
        %dma_wait3A_230 = arith.constant 0 : i32
        %dma_wait3A_231 = arith.constant 0 : i32
        %dma_wait3A_232 = tpu.memref_slice %arg10[%dma_wait3A_230, %dma_wait3A_231] : memref<10112x128xf32, #tpu.memory_space<vmem_shared>> -> memref<10112x128xf32, #tpu.memory_space<vmem_shared>>
        tpu.wait_indirect_dma semaphore(%run_scoped3A_220 : memref<!tpu.dma_semaphore, #tpu.memory_space<semaphore_mem>>) src(%arg8 : memref<128x128xf32, #tpu.memory_space<vmem>>) dst(%dma_wait3A_232 : memref<10112x128xf32, #tpu.memory_space<vmem_shared>>)
        tpu.yield
      }) : () -> ()
      %dma_start3A_93 = arith.constant 2 : i32
      %dma_start3A_94 = arith.constant 0 : i32
      %dma_start3A_95 = tpu.memref_slice %arg6[%dma_start3A_93, %dma_start3A_94] : memref<8x128xi32, #tpu.memory_space<vmem>> -> memref<1x128xi32, #tpu.memory_space<vmem>>
      %dma_start3A_96 = tpu.memref_squeeze %dma_start3A_95 : memref<1x128xi32, #tpu.memory_space<vmem>> -> memref<128xi32, #tpu.memory_space<vmem>>
      %dma_start3A_97 = arith.constant 0 : i32
      %dma_start3A_98 = arith.constant 0 : i32
      %dma_start3A_99 = tpu.memref_slice %arg2[%dma_start3A_97, %dma_start3A_98] : memref<10000x128xf32, #tpu.memory_space<hbm>> -> memref<10000x128xf32, #tpu.memory_space<hbm>>
      tpu.enqueue_indirect_dma source(%dma_start3A_99 : memref<10000x128xf32, #tpu.memory_space<hbm>>) target(%arg8 : memref<128x128xf32, #tpu.memory_space<vmem>>) offsets(%dma_start3A_96 : memref<128xi32, #tpu.memory_space<vmem>>) semaphore(%arg13 : memref<!tpu.dma_semaphore, #tpu.memory_space<semaphore_mem>>)
      %dma_wait3A_100 = arith.constant 1 : i32
      %dma_wait3A_101 = arith.constant 0 : i32
      %dma_wait3A_102 = tpu.memref_slice %arg6[%dma_wait3A_100, %dma_wait3A_101] : memref<8x128xi32, #tpu.memory_space<vmem>> -> memref<1x128xi32, #tpu.memory_space<vmem>>
      %dma_wait3A_103 = tpu.memref_squeeze %dma_wait3A_102 : memref<1x128xi32, #tpu.memory_space<vmem>> -> memref<128xi32, #tpu.memory_space<vmem>>
      %dma_wait3A_104 = arith.constant 0 : i32
      %dma_wait3A_105 = arith.constant 0 : i32
      %dma_wait3A_106 = tpu.memref_slice %arg2[%dma_wait3A_104, %dma_wait3A_105] : memref<10000x128xf32, #tpu.memory_space<hbm>> -> memref<10000x128xf32, #tpu.memory_space<hbm>>
      tpu.wait_indirect_dma semaphore(%arg14 : memref<!tpu.dma_semaphore, #tpu.memory_space<semaphore_mem>>) src(%dma_wait3A_106 : memref<10000x128xf32, #tpu.memory_space<hbm>>) dst(%arg9 : memref<128x128xf32, #tpu.memory_space<vmem>>)
      %run_scoped3A_107 = arith.constant 5 : i32
      "tpu.region"() ({
        %run_scoped3A_220 = tpu.sem_alloc : memref<!tpu.dma_semaphore, #tpu.memory_space<semaphore_mem>>
        %dma_start3A_221 = arith.constant 0 : i32
        %dma_start3A_222 = tpu.memref_slice %arg6[%run_scoped3A_107, %dma_start3A_221] : memref<8x128xi32, #tpu.memory_space<vmem>> -> memref<1x128xi32, #tpu.memory_space<vmem>>
        %dma_start3A_223 = tpu.memref_squeeze %dma_start3A_222 : memref<1x128xi32, #tpu.memory_space<vmem>> -> memref<128xi32, #tpu.memory_space<vmem>>
        %dma_start3A_224 = arith.constant 0 : i32
        %dma_start3A_225 = arith.constant 0 : i32
        %dma_start3A_226 = tpu.memref_slice %arg10[%dma_start3A_224, %dma_start3A_225] : memref<10112x128xf32, #tpu.memory_space<vmem_shared>> -> memref<10112x128xf32, #tpu.memory_space<vmem_shared>>
        tpu.enqueue_indirect_dma source(%arg9 : memref<128x128xf32, #tpu.memory_space<vmem>>) target(%dma_start3A_226 : memref<10112x128xf32, #tpu.memory_space<vmem_shared>>) offsets(%dma_start3A_223 : memref<128xi32, #tpu.memory_space<vmem>>) semaphore(%run_scoped3A_220 : memref<!tpu.dma_semaphore, #tpu.memory_space<semaphore_mem>>) {add = true}
        %dma_wait3A_227 = arith.constant 0 : i32
        %dma_wait3A_228 = tpu.memref_slice %arg6[%run_scoped3A_107, %dma_wait3A_227] : memref<8x128xi32, #tpu.memory_space<vmem>> -> memref<1x128xi32, #tpu.memory_space<vmem>>
        %dma_wait3A_229 = tpu.memref_squeeze %dma_wait3A_228 : memref<1x128xi32, #tpu.memory_space<vmem>> -> memref<128xi32, #tpu.memory_space<vmem>>
        %dma_wait3A_230 = arith.constant 0 : i32
        %dma_wait3A_231 = arith.constant 0 : i32
        %dma_wait3A_232 = tpu.memref_slice %arg10[%dma_wait3A_230, %dma_wait3A_231] : memref<10112x128xf32, #tpu.memory_space<vmem_shared>> -> memref<10112x128xf32, #tpu.memory_space<vmem_shared>>
        tpu.wait_indirect_dma semaphore(%run_scoped3A_220 : memref<!tpu.dma_semaphore, #tpu.memory_space<semaphore_mem>>) src(%arg9 : memref<128x128xf32, #tpu.memory_space<vmem>>) dst(%dma_wait3A_232 : memref<10112x128xf32, #tpu.memory_space<vmem_shared>>)
        tpu.yield
      }) : () -> ()
      %dma_start3A_108 = arith.constant 3 : i32
      %dma_start3A_109 = arith.constant 0 : i32
      %dma_start3A_110 = tpu.memref_slice %arg6[%dma_start3A_108, %dma_start3A_109] : memref<8x128xi32, #tpu.memory_space<vmem>> -> memref<1x128xi32, #tpu.memory_space<vmem>>
      %dma_start3A_111 = tpu.memref_squeeze %dma_start3A_110 : memref<1x128xi32, #tpu.memory_space<vmem>> -> memref<128xi32, #tpu.memory_space<vmem>>
      %dma_start3A_112 = arith.constant 0 : i32
      %dma_start3A_113 = arith.constant 0 : i32
      %dma_start3A_114 = tpu.memref_slice %arg2[%dma_start3A_112, %dma_start3A_113] : memref<10000x128xf32, #tpu.memory_space<hbm>> -> memref<10000x128xf32, #tpu.memory_space<hbm>>
      tpu.enqueue_indirect_dma source(%dma_start3A_114 : memref<10000x128xf32, #tpu.memory_space<hbm>>) target(%arg9 : memref<128x128xf32, #tpu.memory_space<vmem>>) offsets(%dma_start3A_111 : memref<128xi32, #tpu.memory_space<vmem>>) semaphore(%arg14 : memref<!tpu.dma_semaphore, #tpu.memory_space<semaphore_mem>>)
      %dma_wait3A_115 = arith.constant 0 : i32
      %dma_wait3A_116 = arith.constant 0 : i32
      %dma_wait3A_117 = arith.constant 0 : i32
      %dma_wait3A_118 = tpu.memref_slice %arg3[%dma_wait3A_115, %dma_wait3A_116, %dma_wait3A_117] : memref<704x8x128xi32, #tpu.memory_space<hbm>> -> memref<1x8x128xi32, #tpu.memory_space<hbm>>
      %dma_wait3A_119 = tpu.memref_squeeze %dma_wait3A_118 : memref<1x8x128xi32, #tpu.memory_space<hbm>> -> memref<8x128xi32, #tpu.memory_space<hbm>>
      %dma_wait3A_120 = arith.constant 0 : i32
      %dma_wait3A_121 = arith.constant 0 : i32
      %dma_wait3A_122 = tpu.memref_slice %arg3[%dma_wait3A_115, %dma_wait3A_120, %dma_wait3A_121] : memref<704x8x128xi32, #tpu.memory_space<hbm>> -> memref<1x8x128xi32, #tpu.memory_space<hbm>>
      %dma_wait3A_123 = tpu.memref_squeeze %dma_wait3A_122 : memref<1x8x128xi32, #tpu.memory_space<hbm>> -> memref<8x128xi32, #tpu.memory_space<hbm>>
      tpu.wait_dma2 semaphore(%arg12 : memref<!tpu.dma_semaphore, #tpu.memory_space<semaphore_mem>>) src(%dma_wait3A_123 : memref<8x128xi32, #tpu.memory_space<hbm>>) dst(%arg7 : memref<8x128xi32, #tpu.memory_space<vmem>>)
      %dma_wait3A_124 = arith.constant 2 : i32
      %dma_wait3A_125 = arith.constant 0 : i32
      %dma_wait3A_126 = tpu.memref_slice %arg6[%dma_wait3A_124, %dma_wait3A_125] : memref<8x128xi32, #tpu.memory_space<vmem>> -> memref<1x128xi32, #tpu.memory_space<vmem>>
      %dma_wait3A_127 = tpu.memref_squeeze %dma_wait3A_126 : memref<1x128xi32, #tpu.memory_space<vmem>> -> memref<128xi32, #tpu.memory_space<vmem>>
      %dma_wait3A_128 = arith.constant 0 : i32
      %dma_wait3A_129 = arith.constant 0 : i32
      %dma_wait3A_130 = tpu.memref_slice %arg2[%dma_wait3A_128, %dma_wait3A_129] : memref<10000x128xf32, #tpu.memory_space<hbm>> -> memref<10000x128xf32, #tpu.memory_space<hbm>>
      tpu.wait_indirect_dma semaphore(%arg13 : memref<!tpu.dma_semaphore, #tpu.memory_space<semaphore_mem>>) src(%dma_wait3A_130 : memref<10000x128xf32, #tpu.memory_space<hbm>>) dst(%arg8 : memref<128x128xf32, #tpu.memory_space<vmem>>)
      %run_scoped3A_131 = arith.constant 6 : i32
      "tpu.region"() ({
        %run_scoped3A_220 = tpu.sem_alloc : memref<!tpu.dma_semaphore, #tpu.memory_space<semaphore_mem>>
        %dma_start3A_221 = arith.constant 0 : i32
        %dma_start3A_222 = tpu.memref_slice %arg6[%run_scoped3A_131, %dma_start3A_221] : memref<8x128xi32, #tpu.memory_space<vmem>> -> memref<1x128xi32, #tpu.memory_space<vmem>>
        %dma_start3A_223 = tpu.memref_squeeze %dma_start3A_222 : memref<1x128xi32, #tpu.memory_space<vmem>> -> memref<128xi32, #tpu.memory_space<vmem>>
        %dma_start3A_224 = arith.constant 0 : i32
        %dma_start3A_225 = arith.constant 0 : i32
        %dma_start3A_226 = tpu.memref_slice %arg10[%dma_start3A_224, %dma_start3A_225] : memref<10112x128xf32, #tpu.memory_space<vmem_shared>> -> memref<10112x128xf32, #tpu.memory_space<vmem_shared>>
        tpu.enqueue_indirect_dma source(%arg8 : memref<128x128xf32, #tpu.memory_space<vmem>>) target(%dma_start3A_226 : memref<10112x128xf32, #tpu.memory_space<vmem_shared>>) offsets(%dma_start3A_223 : memref<128xi32, #tpu.memory_space<vmem>>) semaphore(%run_scoped3A_220 : memref<!tpu.dma_semaphore, #tpu.memory_space<semaphore_mem>>) {add = true}
        %dma_wait3A_227 = arith.constant 0 : i32
        %dma_wait3A_228 = tpu.memref_slice %arg6[%run_scoped3A_131, %dma_wait3A_227] : memref<8x128xi32, #tpu.memory_space<vmem>> -> memref<1x128xi32, #tpu.memory_space<vmem>>
        %dma_wait3A_229 = tpu.memref_squeeze %dma_wait3A_228 : memref<1x128xi32, #tpu.memory_space<vmem>> -> memref<128xi32, #tpu.memory_space<vmem>>
        %dma_wait3A_230 = arith.constant 0 : i32
        %dma_wait3A_231 = arith.constant 0 : i32
        %dma_wait3A_232 = tpu.memref_slice %arg10[%dma_wait3A_230, %dma_wait3A_231] : memref<10112x128xf32, #tpu.memory_space<vmem_shared>> -> memref<10112x128xf32, #tpu.memory_space<vmem_shared>>
        tpu.wait_indirect_dma semaphore(%run_scoped3A_220 : memref<!tpu.dma_semaphore, #tpu.memory_space<semaphore_mem>>) src(%arg8 : memref<128x128xf32, #tpu.memory_space<vmem>>) dst(%dma_wait3A_232 : memref<10112x128xf32, #tpu.memory_space<vmem_shared>>)
        tpu.yield
      }) : () -> ()
      %dma_start3A_132 = arith.constant 0 : i32
      %dma_start3A_133 = arith.constant 0 : i32
      %dma_start3A_134 = tpu.memref_slice %arg7[%dma_start3A_132, %dma_start3A_133] : memref<8x128xi32, #tpu.memory_space<vmem>> -> memref<1x128xi32, #tpu.memory_space<vmem>>
      %dma_start3A_135 = tpu.memref_squeeze %dma_start3A_134 : memref<1x128xi32, #tpu.memory_space<vmem>> -> memref<128xi32, #tpu.memory_space<vmem>>
      %dma_start3A_136 = arith.constant 0 : i32
      %dma_start3A_137 = arith.constant 0 : i32
      %dma_start3A_138 = tpu.memref_slice %arg2[%dma_start3A_136, %dma_start3A_137] : memref<10000x128xf32, #tpu.memory_space<hbm>> -> memref<10000x128xf32, #tpu.memory_space<hbm>>
      tpu.enqueue_indirect_dma source(%dma_start3A_138 : memref<10000x128xf32, #tpu.memory_space<hbm>>) target(%arg8 : memref<128x128xf32, #tpu.memory_space<vmem>>) offsets(%dma_start3A_135 : memref<128xi32, #tpu.memory_space<vmem>>) semaphore(%arg13 : memref<!tpu.dma_semaphore, #tpu.memory_space<semaphore_mem>>)
      %dma_wait3A_139 = arith.constant 3 : i32
      %dma_wait3A_140 = arith.constant 0 : i32
      %dma_wait3A_141 = tpu.memref_slice %arg6[%dma_wait3A_139, %dma_wait3A_140] : memref<8x128xi32, #tpu.memory_space<vmem>> -> memref<1x128xi32, #tpu.memory_space<vmem>>
      %dma_wait3A_142 = tpu.memref_squeeze %dma_wait3A_141 : memref<1x128xi32, #tpu.memory_space<vmem>> -> memref<128xi32, #tpu.memory_space<vmem>>
      %dma_wait3A_143 = arith.constant 0 : i32
      %dma_wait3A_144 = arith.constant 0 : i32
      %dma_wait3A_145 = tpu.memref_slice %arg2[%dma_wait3A_143, %dma_wait3A_144] : memref<10000x128xf32, #tpu.memory_space<hbm>> -> memref<10000x128xf32, #tpu.memory_space<hbm>>
      tpu.wait_indirect_dma semaphore(%arg14 : memref<!tpu.dma_semaphore, #tpu.memory_space<semaphore_mem>>) src(%dma_wait3A_145 : memref<10000x128xf32, #tpu.memory_space<hbm>>) dst(%arg9 : memref<128x128xf32, #tpu.memory_space<vmem>>)
      %run_scoped3A_146 = arith.constant 7 : i32
      "tpu.region"() ({
        %run_scoped3A_220 = tpu.sem_alloc : memref<!tpu.dma_semaphore, #tpu.memory_space<semaphore_mem>>
        %dma_start3A_221 = arith.constant 0 : i32
        %dma_start3A_222 = tpu.memref_slice %arg6[%run_scoped3A_146, %dma_start3A_221] : memref<8x128xi32, #tpu.memory_space<vmem>> -> memref<1x128xi32, #tpu.memory_space<vmem>>
        %dma_start3A_223 = tpu.memref_squeeze %dma_start3A_222 : memref<1x128xi32, #tpu.memory_space<vmem>> -> memref<128xi32, #tpu.memory_space<vmem>>
        %dma_start3A_224 = arith.constant 0 : i32
        %dma_start3A_225 = arith.constant 0 : i32
        %dma_start3A_226 = tpu.memref_slice %arg10[%dma_start3A_224, %dma_start3A_225] : memref<10112x128xf32, #tpu.memory_space<vmem_shared>> -> memref<10112x128xf32, #tpu.memory_space<vmem_shared>>
        tpu.enqueue_indirect_dma source(%arg9 : memref<128x128xf32, #tpu.memory_space<vmem>>) target(%dma_start3A_226 : memref<10112x128xf32, #tpu.memory_space<vmem_shared>>) offsets(%dma_start3A_223 : memref<128xi32, #tpu.memory_space<vmem>>) semaphore(%run_scoped3A_220 : memref<!tpu.dma_semaphore, #tpu.memory_space<semaphore_mem>>) {add = true}
        %dma_wait3A_227 = arith.constant 0 : i32
        %dma_wait3A_228 = tpu.memref_slice %arg6[%run_scoped3A_146, %dma_wait3A_227] : memref<8x128xi32, #tpu.memory_space<vmem>> -> memref<1x128xi32, #tpu.memory_space<vmem>>
        %dma_wait3A_229 = tpu.memref_squeeze %dma_wait3A_228 : memref<1x128xi32, #tpu.memory_space<vmem>> -> memref<128xi32, #tpu.memory_space<vmem>>
        %dma_wait3A_230 = arith.constant 0 : i32
        %dma_wait3A_231 = arith.constant 0 : i32
        %dma_wait3A_232 = tpu.memref_slice %arg10[%dma_wait3A_230, %dma_wait3A_231] : memref<10112x128xf32, #tpu.memory_space<vmem_shared>> -> memref<10112x128xf32, #tpu.memory_space<vmem_shared>>
        tpu.wait_indirect_dma semaphore(%run_scoped3A_220 : memref<!tpu.dma_semaphore, #tpu.memory_space<semaphore_mem>>) src(%arg9 : memref<128x128xf32, #tpu.memory_space<vmem>>) dst(%dma_wait3A_232 : memref<10112x128xf32, #tpu.memory_space<vmem_shared>>)
        tpu.yield
      }) : () -> ()
      %dma_start3A_147 = arith.constant 1 : i32
      %dma_start3A_148 = arith.constant 0 : i32
      %dma_start3A_149 = tpu.memref_slice %arg7[%dma_start3A_147, %dma_start3A_148] : memref<8x128xi32, #tpu.memory_space<vmem>> -> memref<1x128xi32, #tpu.memory_space<vmem>>
      %dma_start3A_150 = tpu.memref_squeeze %dma_start3A_149 : memref<1x128xi32, #tpu.memory_space<vmem>> -> memref<128xi32, #tpu.memory_space<vmem>>
      %dma_start3A_151 = arith.constant 0 : i32
      %dma_start3A_152 = arith.constant 0 : i32
      %dma_start3A_153 = tpu.memref_slice %arg2[%dma_start3A_151, %dma_start3A_152] : memref<10000x128xf32, #tpu.memory_space<hbm>> -> memref<10000x128xf32, #tpu.memory_space<hbm>>
      tpu.enqueue_indirect_dma source(%dma_start3A_153 : memref<10000x128xf32, #tpu.memory_space<hbm>>) target(%arg9 : memref<128x128xf32, #tpu.memory_space<vmem>>) offsets(%dma_start3A_150 : memref<128xi32, #tpu.memory_space<vmem>>) semaphore(%arg14 : memref<!tpu.dma_semaphore, #tpu.memory_space<semaphore_mem>>)
      %add3A_154 = arith.constant 2 : i32
      %add3A_155 = arith.addi %add3A_62, %add3A_154 : i32
      %dma_start3A_156 = arith.constant 0 : i32
      %dma_start3A_157 = arith.constant 0 : i32
      %dma_start3A_158 = tpu.memref_slice %arg3[%add3A_155, %dma_start3A_156, %dma_start3A_157] : memref<704x8x128xi32, #tpu.memory_space<hbm>> -> memref<1x8x128xi32, #tpu.memory_space<hbm>>
      %dma_start3A_159 = tpu.memref_squeeze %dma_start3A_158 : memref<1x8x128xi32, #tpu.memory_space<hbm>> -> memref<8x128xi32, #tpu.memory_space<hbm>>
      %dma_start3A_160 = arith.constant 0 : i32
      %dma_start3A_161 = arith.constant 0 : i32
      %dma_start3A_162 = tpu.memref_slice %arg3[%add3A_155, %dma_start3A_160, %dma_start3A_161] : memref<704x8x128xi32, #tpu.memory_space<hbm>> -> memref<1x8x128xi32, #tpu.memory_space<hbm>>
      %dma_start3A_163 = tpu.memref_squeeze %dma_start3A_162 : memref<1x8x128xi32, #tpu.memory_space<hbm>> -> memref<8x128xi32, #tpu.memory_space<hbm>>
      tpu.enqueue_dma source(%dma_start3A_163 : memref<8x128xi32, #tpu.memory_space<hbm>>) target(%arg6 : memref<8x128xi32, #tpu.memory_space<vmem>>) target_semaphore(%arg11 : memref<!tpu.dma_semaphore, #tpu.memory_space<semaphore_mem>>)
      %dma_wait3A_164 = arith.constant 0 : i32
      %dma_wait3A_165 = arith.constant 0 : i32
      %dma_wait3A_166 = tpu.memref_slice %arg7[%dma_wait3A_164, %dma_wait3A_165] : memref<8x128xi32, #tpu.memory_space<vmem>> -> memref<1x128xi32, #tpu.memory_space<vmem>>
      %dma_wait3A_167 = tpu.memref_squeeze %dma_wait3A_166 : memref<1x128xi32, #tpu.memory_space<vmem>> -> memref<128xi32, #tpu.memory_space<vmem>>
      %dma_wait3A_168 = arith.constant 0 : i32
      %dma_wait3A_169 = arith.constant 0 : i32
      %dma_wait3A_170 = tpu.memref_slice %arg2[%dma_wait3A_168, %dma_wait3A_169] : memref<10000x128xf32, #tpu.memory_space<hbm>> -> memref<10000x128xf32, #tpu.memory_space<hbm>>
      tpu.wait_indirect_dma semaphore(%arg13 : memref<!tpu.dma_semaphore, #tpu.memory_space<semaphore_mem>>) src(%dma_wait3A_170 : memref<10000x128xf32, #tpu.memory_space<hbm>>) dst(%arg8 : memref<128x128xf32, #tpu.memory_space<vmem>>)
      %run_scoped3A_171 = arith.constant 4 : i32
      "tpu.region"() ({
        %run_scoped3A_220 = tpu.sem_alloc : memref<!tpu.dma_semaphore, #tpu.memory_space<semaphore_mem>>
        %dma_start3A_221 = arith.constant 0 : i32
        %dma_start3A_222 = tpu.memref_slice %arg7[%run_scoped3A_171, %dma_start3A_221] : memref<8x128xi32, #tpu.memory_space<vmem>> -> memref<1x128xi32, #tpu.memory_space<vmem>>
        %dma_start3A_223 = tpu.memref_squeeze %dma_start3A_222 : memref<1x128xi32, #tpu.memory_space<vmem>> -> memref<128xi32, #tpu.memory_space<vmem>>
        %dma_start3A_224 = arith.constant 0 : i32
        %dma_start3A_225 = arith.constant 0 : i32
        %dma_start3A_226 = tpu.memref_slice %arg10[%dma_start3A_224, %dma_start3A_225] : memref<10112x128xf32, #tpu.memory_space<vmem_shared>> -> memref<10112x128xf32, #tpu.memory_space<vmem_shared>>
        tpu.enqueue_indirect_dma source(%arg8 : memref<128x128xf32, #tpu.memory_space<vmem>>) target(%dma_start3A_226 : memref<10112x128xf32, #tpu.memory_space<vmem_shared>>) offsets(%dma_start3A_223 : memref<128xi32, #tpu.memory_space<vmem>>) semaphore(%run_scoped3A_220 : memref<!tpu.dma_semaphore, #tpu.memory_space<semaphore_mem>>) {add = true}
        %dma_wait3A_227 = arith.constant 0 : i32
        %dma_wait3A_228 = tpu.memref_slice %arg7[%run_scoped3A_171, %dma_wait3A_227] : memref<8x128xi32, #tpu.memory_space<vmem>> -> memref<1x128xi32, #tpu.memory_space<vmem>>
        %dma_wait3A_229 = tpu.memref_squeeze %dma_wait3A_228 : memref<1x128xi32, #tpu.memory_space<vmem>> -> memref<128xi32, #tpu.memory_space<vmem>>
        %dma_wait3A_230 = arith.constant 0 : i32
        %dma_wait3A_231 = arith.constant 0 : i32
        %dma_wait3A_232 = tpu.memref_slice %arg10[%dma_wait3A_230, %dma_wait3A_231] : memref<10112x128xf32, #tpu.memory_space<vmem_shared>> -> memref<10112x128xf32, #tpu.memory_space<vmem_shared>>
        tpu.wait_indirect_dma semaphore(%run_scoped3A_220 : memref<!tpu.dma_semaphore, #tpu.memory_space<semaphore_mem>>) src(%arg8 : memref<128x128xf32, #tpu.memory_space<vmem>>) dst(%dma_wait3A_232 : memref<10112x128xf32, #tpu.memory_space<vmem_shared>>)
        tpu.yield
      }) : () -> ()
      %dma_start3A_172 = arith.constant 2 : i32
      %dma_start3A_173 = arith.constant 0 : i32
      %dma_start3A_174 = tpu.memref_slice %arg7[%dma_start3A_172, %dma_start3A_173] : memref<8x128xi32, #tpu.memory_space<vmem>> -> memref<1x128xi32, #tpu.memory_space<vmem>>
      %dma_start3A_175 = tpu.memref_squeeze %dma_start3A_174 : memref<1x128xi32, #tpu.memory_space<vmem>> -> memref<128xi32, #tpu.memory_space<vmem>>
      %dma_start3A_176 = arith.constant 0 : i32
      %dma_start3A_177 = arith.constant 0 : i32
      %dma_start3A_178 = tpu.memref_slice %arg2[%dma_start3A_176, %dma_start3A_177] : memref<10000x128xf32, #tpu.memory_space<hbm>> -> memref<10000x128xf32, #tpu.memory_space<hbm>>
      tpu.enqueue_indirect_dma source(%dma_start3A_178 : memref<10000x128xf32, #tpu.memory_space<hbm>>) target(%arg8 : memref<128x128xf32, #tpu.memory_space<vmem>>) offsets(%dma_start3A_175 : memref<128xi32, #tpu.memory_space<vmem>>) semaphore(%arg13 : memref<!tpu.dma_semaphore, #tpu.memory_space<semaphore_mem>>)
      %dma_wait3A_179 = arith.constant 1 : i32
      %dma_wait3A_180 = arith.constant 0 : i32
      %dma_wait3A_181 = tpu.memref_slice %arg7[%dma_wait3A_179, %dma_wait3A_180] : memref<8x128xi32, #tpu.memory_space<vmem>> -> memref<1x128xi32, #tpu.memory_space<vmem>>
      %dma_wait3A_182 = tpu.memref_squeeze %dma_wait3A_181 : memref<1x128xi32, #tpu.memory_space<vmem>> -> memref<128xi32, #tpu.memory_space<vmem>>
      %dma_wait3A_183 = arith.constant 0 : i32
      %dma_wait3A_184 = arith.constant 0 : i32
      %dma_wait3A_185 = tpu.memref_slice %arg2[%dma_wait3A_183, %dma_wait3A_184] : memref<10000x128xf32, #tpu.memory_space<hbm>> -> memref<10000x128xf32, #tpu.memory_space<hbm>>
      tpu.wait_indirect_dma semaphore(%arg14 : memref<!tpu.dma_semaphore, #tpu.memory_space<semaphore_mem>>) src(%dma_wait3A_185 : memref<10000x128xf32, #tpu.memory_space<hbm>>) dst(%arg9 : memref<128x128xf32, #tpu.memory_space<vmem>>)
      %run_scoped3A_186 = arith.constant 5 : i32
      "tpu.region"() ({
        %run_scoped3A_220 = tpu.sem_alloc : memref<!tpu.dma_semaphore, #tpu.memory_space<semaphore_mem>>
        %dma_start3A_221 = arith.constant 0 : i32
        %dma_start3A_222 = tpu.memref_slice %arg7[%run_scoped3A_186, %dma_start3A_221] : memref<8x128xi32, #tpu.memory_space<vmem>> -> memref<1x128xi32, #tpu.memory_space<vmem>>
        %dma_start3A_223 = tpu.memref_squeeze %dma_start3A_222 : memref<1x128xi32, #tpu.memory_space<vmem>> -> memref<128xi32, #tpu.memory_space<vmem>>
        %dma_start3A_224 = arith.constant 0 : i32
        %dma_start3A_225 = arith.constant 0 : i32
        %dma_start3A_226 = tpu.memref_slice %arg10[%dma_start3A_224, %dma_start3A_225] : memref<10112x128xf32, #tpu.memory_space<vmem_shared>> -> memref<10112x128xf32, #tpu.memory_space<vmem_shared>>
        tpu.enqueue_indirect_dma source(%arg9 : memref<128x128xf32, #tpu.memory_space<vmem>>) target(%dma_start3A_226 : memref<10112x128xf32, #tpu.memory_space<vmem_shared>>) offsets(%dma_start3A_223 : memref<128xi32, #tpu.memory_space<vmem>>) semaphore(%run_scoped3A_220 : memref<!tpu.dma_semaphore, #tpu.memory_space<semaphore_mem>>) {add = true}
        %dma_wait3A_227 = arith.constant 0 : i32
        %dma_wait3A_228 = tpu.memref_slice %arg7[%run_scoped3A_186, %dma_wait3A_227] : memref<8x128xi32, #tpu.memory_space<vmem>> -> memref<1x128xi32, #tpu.memory_space<vmem>>
        %dma_wait3A_229 = tpu.memref_squeeze %dma_wait3A_228 : memref<1x128xi32, #tpu.memory_space<vmem>> -> memref<128xi32, #tpu.memory_space<vmem>>
        %dma_wait3A_230 = arith.constant 0 : i32
        %dma_wait3A_231 = arith.constant 0 : i32
        %dma_wait3A_232 = tpu.memref_slice %arg10[%dma_wait3A_230, %dma_wait3A_231] : memref<10112x128xf32, #tpu.memory_space<vmem_shared>> -> memref<10112x128xf32, #tpu.memory_space<vmem_shared>>
        tpu.wait_indirect_dma semaphore(%run_scoped3A_220 : memref<!tpu.dma_semaphore, #tpu.memory_space<semaphore_mem>>) src(%arg9 : memref<128x128xf32, #tpu.memory_space<vmem>>) dst(%dma_wait3A_232 : memref<10112x128xf32, #tpu.memory_space<vmem_shared>>)
        tpu.yield
      }) : () -> ()
      %dma_start3A_187 = arith.constant 3 : i32
      %dma_start3A_188 = arith.constant 0 : i32
      %dma_start3A_189 = tpu.memref_slice %arg7[%dma_start3A_187, %dma_start3A_188] : memref<8x128xi32, #tpu.memory_space<vmem>> -> memref<1x128xi32, #tpu.memory_space<vmem>>
      %dma_start3A_190 = tpu.memref_squeeze %dma_start3A_189 : memref<1x128xi32, #tpu.memory_space<vmem>> -> memref<128xi32, #tpu.memory_space<vmem>>
      %dma_start3A_191 = arith.constant 0 : i32
      %dma_start3A_192 = arith.constant 0 : i32
      %dma_start3A_193 = tpu.memref_slice %arg2[%dma_start3A_191, %dma_start3A_192] : memref<10000x128xf32, #tpu.memory_space<hbm>> -> memref<10000x128xf32, #tpu.memory_space<hbm>>
      tpu.enqueue_indirect_dma source(%dma_start3A_193 : memref<10000x128xf32, #tpu.memory_space<hbm>>) target(%arg9 : memref<128x128xf32, #tpu.memory_space<vmem>>) offsets(%dma_start3A_190 : memref<128xi32, #tpu.memory_space<vmem>>) semaphore(%arg14 : memref<!tpu.dma_semaphore, #tpu.memory_space<semaphore_mem>>)
      %dma_wait3A_194 = arith.constant 2 : i32
      %dma_wait3A_195 = arith.constant 0 : i32
      %dma_wait3A_196 = tpu.memref_slice %arg7[%dma_wait3A_194, %dma_wait3A_195] : memref<8x128xi32, #tpu.memory_space<vmem>> -> memref<1x128xi32, #tpu.memory_space<vmem>>
      %dma_wait3A_197 = tpu.memref_squeeze %dma_wait3A_196 : memref<1x128xi32, #tpu.memory_space<vmem>> -> memref<128xi32, #tpu.memory_space<vmem>>
      %dma_wait3A_198 = arith.constant 0 : i32
      %dma_wait3A_199 = arith.constant 0 : i32
      %dma_wait3A_200 = tpu.memref_slice %arg2[%dma_wait3A_198, %dma_wait3A_199] : memref<10000x128xf32, #tpu.memory_space<hbm>> -> memref<10000x128xf32, #tpu.memory_space<hbm>>
      tpu.wait_indirect_dma semaphore(%arg13 : memref<!tpu.dma_semaphore, #tpu.memory_space<semaphore_mem>>) src(%dma_wait3A_200 : memref<10000x128xf32, #tpu.memory_space<hbm>>) dst(%arg8 : memref<128x128xf32, #tpu.memory_space<vmem>>)
      %run_scoped3A_201 = arith.constant 6 : i32
      "tpu.region"() ({
        %run_scoped3A_220 = tpu.sem_alloc : memref<!tpu.dma_semaphore, #tpu.memory_space<semaphore_mem>>
        %dma_start3A_221 = arith.constant 0 : i32
        %dma_start3A_222 = tpu.memref_slice %arg7[%run_scoped3A_201, %dma_start3A_221] : memref<8x128xi32, #tpu.memory_space<vmem>> -> memref<1x128xi32, #tpu.memory_space<vmem>>
        %dma_start3A_223 = tpu.memref_squeeze %dma_start3A_222 : memref<1x128xi32, #tpu.memory_space<vmem>> -> memref<128xi32, #tpu.memory_space<vmem>>
        %dma_start3A_224 = arith.constant 0 : i32
        %dma_start3A_225 = arith.constant 0 : i32
        %dma_start3A_226 = tpu.memref_slice %arg10[%dma_start3A_224, %dma_start3A_225] : memref<10112x128xf32, #tpu.memory_space<vmem_shared>> -> memref<10112x128xf32, #tpu.memory_space<vmem_shared>>
        tpu.enqueue_indirect_dma source(%arg8 : memref<128x128xf32, #tpu.memory_space<vmem>>) target(%dma_start3A_226 : memref<10112x128xf32, #tpu.memory_space<vmem_shared>>) offsets(%dma_start3A_223 : memref<128xi32, #tpu.memory_space<vmem>>) semaphore(%run_scoped3A_220 : memref<!tpu.dma_semaphore, #tpu.memory_space<semaphore_mem>>) {add = true}
        %dma_wait3A_227 = arith.constant 0 : i32
        %dma_wait3A_228 = tpu.memref_slice %arg7[%run_scoped3A_201, %dma_wait3A_227] : memref<8x128xi32, #tpu.memory_space<vmem>> -> memref<1x128xi32, #tpu.memory_space<vmem>>
        %dma_wait3A_229 = tpu.memref_squeeze %dma_wait3A_228 : memref<1x128xi32, #tpu.memory_space<vmem>> -> memref<128xi32, #tpu.memory_space<vmem>>
        %dma_wait3A_230 = arith.constant 0 : i32
        %dma_wait3A_231 = arith.constant 0 : i32
        %dma_wait3A_232 = tpu.memref_slice %arg10[%dma_wait3A_230, %dma_wait3A_231] : memref<10112x128xf32, #tpu.memory_space<vmem_shared>> -> memref<10112x128xf32, #tpu.memory_space<vmem_shared>>
        tpu.wait_indirect_dma semaphore(%run_scoped3A_220 : memref<!tpu.dma_semaphore, #tpu.memory_space<semaphore_mem>>) src(%arg8 : memref<128x128xf32, #tpu.memory_space<vmem>>) dst(%dma_wait3A_232 : memref<10112x128xf32, #tpu.memory_space<vmem_shared>>)
        tpu.yield
      }) : () -> ()
      %dma_wait3A_202 = arith.constant 3 : i32
      %dma_wait3A_203 = arith.constant 0 : i32
      %dma_wait3A_204 = tpu.memref_slice %arg7[%dma_wait3A_202, %dma_wait3A_203] : memref<8x128xi32, #tpu.memory_space<vmem>> -> memref<1x128xi32, #tpu.memory_space<vmem>>
      %dma_wait3A_205 = tpu.memref_squeeze %dma_wait3A_204 : memref<1x128xi32, #tpu.memory_space<vmem>> -> memref<128xi32, #tpu.memory_space<vmem>>
      %dma_wait3A_206 = arith.constant 0 : i32
      %dma_wait3A_207 = arith.constant 0 : i32
      %dma_wait3A_208 = tpu.memref_slice %arg2[%dma_wait3A_206, %dma_wait3A_207] : memref<10000x128xf32, #tpu.memory_space<hbm>> -> memref<10000x128xf32, #tpu.memory_space<hbm>>
      tpu.wait_indirect_dma semaphore(%arg14 : memref<!tpu.dma_semaphore, #tpu.memory_space<semaphore_mem>>) src(%dma_wait3A_208 : memref<10000x128xf32, #tpu.memory_space<hbm>>) dst(%arg9 : memref<128x128xf32, #tpu.memory_space<vmem>>)
      %run_scoped3A_209 = arith.constant 7 : i32
      "tpu.region"() ({
        %run_scoped3A_220 = tpu.sem_alloc : memref<!tpu.dma_semaphore, #tpu.memory_space<semaphore_mem>>
        %dma_start3A_221 = arith.constant 0 : i32
        %dma_start3A_222 = tpu.memref_slice %arg7[%run_scoped3A_209, %dma_start3A_221] : memref<8x128xi32, #tpu.memory_space<vmem>> -> memref<1x128xi32, #tpu.memory_space<vmem>>
        %dma_start3A_223 = tpu.memref_squeeze %dma_start3A_222 : memref<1x128xi32, #tpu.memory_space<vmem>> -> memref<128xi32, #tpu.memory_space<vmem>>
        %dma_start3A_224 = arith.constant 0 : i32
        %dma_start3A_225 = arith.constant 0 : i32
        %dma_start3A_226 = tpu.memref_slice %arg10[%dma_start3A_224, %dma_start3A_225] : memref<10112x128xf32, #tpu.memory_space<vmem_shared>> -> memref<10112x128xf32, #tpu.memory_space<vmem_shared>>
        tpu.enqueue_indirect_dma source(%arg9 : memref<128x128xf32, #tpu.memory_space<vmem>>) target(%dma_start3A_226 : memref<10112x128xf32, #tpu.memory_space<vmem_shared>>) offsets(%dma_start3A_223 : memref<128xi32, #tpu.memory_space<vmem>>) semaphore(%run_scoped3A_220 : memref<!tpu.dma_semaphore, #tpu.memory_space<semaphore_mem>>) {add = true}
        %dma_wait3A_227 = arith.constant 0 : i32
        %dma_wait3A_228 = tpu.memref_slice %arg7[%run_scoped3A_209, %dma_wait3A_227] : memref<8x128xi32, #tpu.memory_space<vmem>> -> memref<1x128xi32, #tpu.memory_space<vmem>>
        %dma_wait3A_229 = tpu.memref_squeeze %dma_wait3A_228 : memref<1x128xi32, #tpu.memory_space<vmem>> -> memref<128xi32, #tpu.memory_space<vmem>>
        %dma_wait3A_230 = arith.constant 0 : i32
        %dma_wait3A_231 = arith.constant 0 : i32
        %dma_wait3A_232 = tpu.memref_slice %arg10[%dma_wait3A_230, %dma_wait3A_231] : memref<10112x128xf32, #tpu.memory_space<vmem_shared>> -> memref<10112x128xf32, #tpu.memory_space<vmem_shared>>
        tpu.wait_indirect_dma semaphore(%run_scoped3A_220 : memref<!tpu.dma_semaphore, #tpu.memory_space<semaphore_mem>>) src(%arg9 : memref<128x128xf32, #tpu.memory_space<vmem>>) dst(%dma_wait3A_232 : memref<10112x128xf32, #tpu.memory_space<vmem_shared>>)
        tpu.yield
      }) : () -> ()
      %add3A_210 = arith.constant 3 : i32
      %add3A_211 = arith.addi %add3A_62, %add3A_210 : i32
      %dma_start3A_212 = arith.constant 0 : i32
      %dma_start3A_213 = arith.constant 0 : i32
      %dma_start3A_214 = tpu.memref_slice %arg3[%add3A_211, %dma_start3A_212, %dma_start3A_213] : memref<704x8x128xi32, #tpu.memory_space<hbm>> -> memref<1x8x128xi32, #tpu.memory_space<hbm>>
      %dma_start3A_215 = tpu.memref_squeeze %dma_start3A_214 : memref<1x8x128xi32, #tpu.memory_space<hbm>> -> memref<8x128xi32, #tpu.memory_space<hbm>>
      %dma_start3A_216 = arith.constant 0 : i32
      %dma_start3A_217 = arith.constant 0 : i32
      %dma_start3A_218 = tpu.memref_slice %arg3[%add3A_211, %dma_start3A_216, %dma_start3A_217] : memref<704x8x128xi32, #tpu.memory_space<hbm>> -> memref<1x8x128xi32, #tpu.memory_space<hbm>>
      %dma_start3A_219 = tpu.memref_squeeze %dma_start3A_218 : memref<1x8x128xi32, #tpu.memory_space<hbm>> -> memref<8x128xi32, #tpu.memory_space<hbm>>
      tpu.enqueue_dma source(%dma_start3A_219 : memref<8x128xi32, #tpu.memory_space<hbm>>) target(%arg7 : memref<8x128xi32, #tpu.memory_space<vmem>>) target_semaphore(%arg12 : memref<!tpu.dma_semaphore, #tpu.memory_space<semaphore_mem>>)
    }
    %while3A_36 = arith.constant 1 : i32
    scf.for %while3A_59 = %while3A_34 to %while3A_30 step %while3A_36  : i32 {
      %mul3A_60 = arith.constant 2 : i32
      %mul3A_61 = arith.muli %mul3A_60, %while3A_59 : i32
      %add3A_62 = arith.addi %select_n3A, %mul3A_61 : i32
      %dma_wait3A_63 = arith.constant 0 : i32
      %dma_wait3A_64 = arith.constant 0 : i32
      %dma_wait3A_65 = arith.constant 0 : i32
      %dma_wait3A_66 = tpu.memref_slice %arg3[%dma_wait3A_63, %dma_wait3A_64, %dma_wait3A_65] : memref<704x8x128xi32, #tpu.memory_space<hbm>> -> memref<1x8x128xi32, #tpu.memory_space<hbm>>
      %dma_wait3A_67 = tpu.memref_squeeze %dma_wait3A_66 : memref<1x8x128xi32, #tpu.memory_space<hbm>> -> memref<8x128xi32, #tpu.memory_space<hbm>>
      %dma_wait3A_68 = arith.constant 0 : i32
      %dma_wait3A_69 = arith.constant 0 : i32
      %dma_wait3A_70 = tpu.memref_slice %arg3[%dma_wait3A_63, %dma_wait3A_68, %dma_wait3A_69] : memref<704x8x128xi32, #tpu.memory_space<hbm>> -> memref<1x8x128xi32, #tpu.memory_space<hbm>>
      %dma_wait3A_71 = tpu.memref_squeeze %dma_wait3A_70 : memref<1x8x128xi32, #tpu.memory_space<hbm>> -> memref<8x128xi32, #tpu.memory_space<hbm>>
      tpu.wait_dma2 semaphore(%arg11 : memref<!tpu.dma_semaphore, #tpu.memory_space<semaphore_mem>>) src(%dma_wait3A_71 : memref<8x128xi32, #tpu.memory_space<hbm>>) dst(%arg6 : memref<8x128xi32, #tpu.memory_space<vmem>>)
      %dma_start3A_72 = arith.constant 0 : i32
      %dma_start3A_73 = arith.constant 0 : i32
      %dma_start3A_74 = tpu.memref_slice %arg6[%dma_start3A_72, %dma_start3A_73] : memref<8x128xi32, #tpu.memory_space<vmem>> -> memref<1x128xi32, #tpu.memory_space<vmem>>
      %dma_start3A_75 = tpu.memref_squeeze %dma_start3A_74 : memref<1x128xi32, #tpu.memory_space<vmem>> -> memref<128xi32, #tpu.memory_space<vmem>>
      %dma_start3A_76 = arith.constant 0 : i32
      %dma_start3A_77 = arith.constant 0 : i32
      %dma_start3A_78 = tpu.memref_slice %arg2[%dma_start3A_76, %dma_start3A_77] : memref<10000x128xf32, #tpu.memory_space<hbm>> -> memref<10000x128xf32, #tpu.memory_space<hbm>>
      tpu.enqueue_indirect_dma source(%dma_start3A_78 : memref<10000x128xf32, #tpu.memory_space<hbm>>) target(%arg8 : memref<128x128xf32, #tpu.memory_space<vmem>>) offsets(%dma_start3A_75 : memref<128xi32, #tpu.memory_space<vmem>>) semaphore(%arg13 : memref<!tpu.dma_semaphore, #tpu.memory_space<semaphore_mem>>)
      %dma_start3A_79 = arith.constant 1 : i32
      %dma_start3A_80 = arith.constant 0 : i32
      %dma_start3A_81 = tpu.memref_slice %arg6[%dma_start3A_79, %dma_start3A_80] : memref<8x128xi32, #tpu.memory_space<vmem>> -> memref<1x128xi32, #tpu.memory_space<vmem>>
      %dma_start3A_82 = tpu.memref_squeeze %dma_start3A_81 : memref<1x128xi32, #tpu.memory_space<vmem>> -> memref<128xi32, #tpu.memory_space<vmem>>
      %dma_start3A_83 = arith.constant 0 : i32
      %dma_start3A_84 = arith.constant 0 : i32
      %dma_start3A_85 = tpu.memref_slice %arg2[%dma_start3A_83, %dma_start3A_84] : memref<10000x128xf32, #tpu.memory_space<hbm>> -> memref<10000x128xf32, #tpu.memory_space<hbm>>
      tpu.enqueue_indirect_dma source(%dma_start3A_85 : memref<10000x128xf32, #tpu.memory_space<hbm>>) target(%arg9 : memref<128x128xf32, #tpu.memory_space<vmem>>) offsets(%dma_start3A_82 : memref<128xi32, #tpu.memory_space<vmem>>) semaphore(%arg14 : memref<!tpu.dma_semaphore, #tpu.memory_space<semaphore_mem>>)
      %dma_wait3A_86 = arith.constant 0 : i32
      %dma_wait3A_87 = arith.constant 0 : i32
      %dma_wait3A_88 = tpu.memref_slice %arg6[%dma_wait3A_86, %dma_wait3A_87] : memref<8x128xi32, #tpu.memory_space<vmem>> -> memref<1x128xi32, #tpu.memory_space<vmem>>
      %dma_wait3A_89 = tpu.memref_squeeze %dma_wait3A_88 : memref<1x128xi32, #tpu.memory_space<vmem>> -> memref<128xi32, #tpu.memory_space<vmem>>
      %dma_wait3A_90 = arith.constant 0 : i32
      %dma_wait3A_91 = arith.constant 0 : i32
      %dma_wait3A_92 = tpu.memref_slice %arg2[%dma_wait3A_90, %dma_wait3A_91] : memref<10000x128xf32, #tpu.memory_space<hbm>> -> memref<10000x128xf32, #tpu.memory_space<hbm>>
      tpu.wait_indirect_dma semaphore(%arg13 : memref<!tpu.dma_semaphore, #tpu.memory_space<semaphore_mem>>) src(%dma_wait3A_92 : memref<10000x128xf32, #tpu.memory_space<hbm>>) dst(%arg8 : memref<128x128xf32, #tpu.memory_space<vmem>>)
      %run_scoped3A = arith.constant 4 : i32
      "tpu.region"() ({
        %run_scoped3A_220 = tpu.sem_alloc : memref<!tpu.dma_semaphore, #tpu.memory_space<semaphore_mem>>
        %dma_start3A_221 = arith.constant 0 : i32
        %dma_start3A_222 = tpu.memref_slice %arg6[%run_scoped3A, %dma_start3A_221] : memref<8x128xi32, #tpu.memory_space<vmem>> -> memref<1x128xi32, #tpu.memory_space<vmem>>
        %dma_start3A_223 = tpu.memref_squeeze %dma_start3A_222 : memref<1x128xi32, #tpu.memory_space<vmem>> -> memref<128xi32, #tpu.memory_space<vmem>>
        %dma_start3A_224 = arith.constant 0 : i32
        %dma_start3A_225 = arith.constant 0 : i32
        %dma_start3A_226 = tpu.memref_slice %arg10[%dma_start3A_224, %dma_start3A_225] : memref<10112x128xf32, #tpu.memory_space<vmem_shared>> -> memref<10112x128xf32, #tpu.memory_space<vmem_shared>>
        tpu.enqueue_indirect_dma source(%arg8 : memref<128x128xf32, #tpu.memory_space<vmem>>) target(%dma_start3A_226 : memref<10112x128xf32, #tpu.memory_space<vmem_shared>>) offsets(%dma_start3A_223 : memref<128xi32, #tpu.memory_space<vmem>>) semaphore(%run_scoped3A_220 : memref<!tpu.dma_semaphore, #tpu.memory_space<semaphore_mem>>) {add = true}
        %dma_wait3A_227 = arith.constant 0 : i32
        %dma_wait3A_228 = tpu.memref_slice %arg6[%run_scoped3A, %dma_wait3A_227] : memref<8x128xi32, #tpu.memory_space<vmem>> -> memref<1x128xi32, #tpu.memory_space<vmem>>
        %dma_wait3A_229 = tpu.memref_squeeze %dma_wait3A_228 : memref<1x128xi32, #tpu.memory_space<vmem>> -> memref<128xi32, #tpu.memory_space<vmem>>
        %dma_wait3A_230 = arith.constant 0 : i32
        %dma_wait3A_231 = arith.constant 0 : i32
        %dma_wait3A_232 = tpu.memref_slice %arg10[%dma_wait3A_230, %dma_wait3A_231] : memref<10112x128xf32, #tpu.memory_space<vmem_shared>> -> memref<10112x128xf32, #tpu.memory_space<vmem_shared>>
        tpu.wait_indirect_dma semaphore(%run_scoped3A_220 : memref<!tpu.dma_semaphore, #tpu.memory_space<semaphore_mem>>) src(%arg8 : memref<128x128xf32, #tpu.memory_space<vmem>>) dst(%dma_wait3A_232 : memref<10112x128xf32, #tpu.memory_space<vmem_shared>>)
        tpu.yield
      }) : () -> ()
      %dma_start3A_93 = arith.constant 2 : i32
      %dma_start3A_94 = arith.constant 0 : i32
      %dma_start3A_95 = tpu.memref_slice %arg6[%dma_start3A_93, %dma_start3A_94] : memref<8x128xi32, #tpu.memory_space<vmem>> -> memref<1x128xi32, #tpu.memory_space<vmem>>
      %dma_start3A_96 = tpu.memref_squeeze %dma_start3A_95 : memref<1x128xi32, #tpu.memory_space<vmem>> -> memref<128xi32, #tpu.memory_space<vmem>>
      %dma_start3A_97 = arith.constant 0 : i32
      %dma_start3A_98 = arith.constant 0 : i32
      %dma_start3A_99 = tpu.memref_slice %arg2[%dma_start3A_97, %dma_start3A_98] : memref<10000x128xf32, #tpu.memory_space<hbm>> -> memref<10000x128xf32, #tpu.memory_space<hbm>>
      tpu.enqueue_indirect_dma source(%dma_start3A_99 : memref<10000x128xf32, #tpu.memory_space<hbm>>) target(%arg8 : memref<128x128xf32, #tpu.memory_space<vmem>>) offsets(%dma_start3A_96 : memref<128xi32, #tpu.memory_space<vmem>>) semaphore(%arg13 : memref<!tpu.dma_semaphore, #tpu.memory_space<semaphore_mem>>)
      %dma_wait3A_100 = arith.constant 1 : i32
      %dma_wait3A_101 = arith.constant 0 : i32
      %dma_wait3A_102 = tpu.memref_slice %arg6[%dma_wait3A_100, %dma_wait3A_101] : memref<8x128xi32, #tpu.memory_space<vmem>> -> memref<1x128xi32, #tpu.memory_space<vmem>>
      %dma_wait3A_103 = tpu.memref_squeeze %dma_wait3A_102 : memref<1x128xi32, #tpu.memory_space<vmem>> -> memref<128xi32, #tpu.memory_space<vmem>>
      %dma_wait3A_104 = arith.constant 0 : i32
      %dma_wait3A_105 = arith.constant 0 : i32
      %dma_wait3A_106 = tpu.memref_slice %arg2[%dma_wait3A_104, %dma_wait3A_105] : memref<10000x128xf32, #tpu.memory_space<hbm>> -> memref<10000x128xf32, #tpu.memory_space<hbm>>
      tpu.wait_indirect_dma semaphore(%arg14 : memref<!tpu.dma_semaphore, #tpu.memory_space<semaphore_mem>>) src(%dma_wait3A_106 : memref<10000x128xf32, #tpu.memory_space<hbm>>) dst(%arg9 : memref<128x128xf32, #tpu.memory_space<vmem>>)
      %run_scoped3A_107 = arith.constant 5 : i32
      "tpu.region"() ({
        %run_scoped3A_220 = tpu.sem_alloc : memref<!tpu.dma_semaphore, #tpu.memory_space<semaphore_mem>>
        %dma_start3A_221 = arith.constant 0 : i32
        %dma_start3A_222 = tpu.memref_slice %arg6[%run_scoped3A_107, %dma_start3A_221] : memref<8x128xi32, #tpu.memory_space<vmem>> -> memref<1x128xi32, #tpu.memory_space<vmem>>
        %dma_start3A_223 = tpu.memref_squeeze %dma_start3A_222 : memref<1x128xi32, #tpu.memory_space<vmem>> -> memref<128xi32, #tpu.memory_space<vmem>>
        %dma_start3A_224 = arith.constant 0 : i32
        %dma_start3A_225 = arith.constant 0 : i32
        %dma_start3A_226 = tpu.memref_slice %arg10[%dma_start3A_224, %dma_start3A_225] : memref<10112x128xf32, #tpu.memory_space<vmem_shared>> -> memref<10112x128xf32, #tpu.memory_space<vmem_shared>>
        tpu.enqueue_indirect_dma source(%arg9 : memref<128x128xf32, #tpu.memory_space<vmem>>) target(%dma_start3A_226 : memref<10112x128xf32, #tpu.memory_space<vmem_shared>>) offsets(%dma_start3A_223 : memref<128xi32, #tpu.memory_space<vmem>>) semaphore(%run_scoped3A_220 : memref<!tpu.dma_semaphore, #tpu.memory_space<semaphore_mem>>) {add = true}
        %dma_wait3A_227 = arith.constant 0 : i32
        %dma_wait3A_228 = tpu.memref_slice %arg6[%run_scoped3A_107, %dma_wait3A_227] : memref<8x128xi32, #tpu.memory_space<vmem>> -> memref<1x128xi32, #tpu.memory_space<vmem>>
        %dma_wait3A_229 = tpu.memref_squeeze %dma_wait3A_228 : memref<1x128xi32, #tpu.memory_space<vmem>> -> memref<128xi32, #tpu.memory_space<vmem>>
        %dma_wait3A_230 = arith.constant 0 : i32
        %dma_wait3A_231 = arith.constant 0 : i32
        %dma_wait3A_232 = tpu.memref_slice %arg10[%dma_wait3A_230, %dma_wait3A_231] : memref<10112x128xf32, #tpu.memory_space<vmem_shared>> -> memref<10112x128xf32, #tpu.memory_space<vmem_shared>>
        tpu.wait_indirect_dma semaphore(%run_scoped3A_220 : memref<!tpu.dma_semaphore, #tpu.memory_space<semaphore_mem>>) src(%arg9 : memref<128x128xf32, #tpu.memory_space<vmem>>) dst(%dma_wait3A_232 : memref<10112x128xf32, #tpu.memory_space<vmem_shared>>)
        tpu.yield
      }) : () -> ()
      %dma_start3A_108 = arith.constant 3 : i32
      %dma_start3A_109 = arith.constant 0 : i32
      %dma_start3A_110 = tpu.memref_slice %arg6[%dma_start3A_108, %dma_start3A_109] : memref<8x128xi32, #tpu.memory_space<vmem>> -> memref<1x128xi32, #tpu.memory_space<vmem>>
      %dma_start3A_111 = tpu.memref_squeeze %dma_start3A_110 : memref<1x128xi32, #tpu.memory_space<vmem>> -> memref<128xi32, #tpu.memory_space<vmem>>
      %dma_start3A_112 = arith.constant 0 : i32
      %dma_start3A_113 = arith.constant 0 : i32
      %dma_start3A_114 = tpu.memref_slice %arg2[%dma_start3A_112, %dma_start3A_113] : memref<10000x128xf32, #tpu.memory_space<hbm>> -> memref<10000x128xf32, #tpu.memory_space<hbm>>
      tpu.enqueue_indirect_dma source(%dma_start3A_114 : memref<10000x128xf32, #tpu.memory_space<hbm>>) target(%arg9 : memref<128x128xf32, #tpu.memory_space<vmem>>) offsets(%dma_start3A_111 : memref<128xi32, #tpu.memory_space<vmem>>) semaphore(%arg14 : memref<!tpu.dma_semaphore, #tpu.memory_space<semaphore_mem>>)
      %dma_wait3A_115 = arith.constant 0 : i32
      %dma_wait3A_116 = arith.constant 0 : i32
      %dma_wait3A_117 = arith.constant 0 : i32
      %dma_wait3A_118 = tpu.memref_slice %arg3[%dma_wait3A_115, %dma_wait3A_116, %dma_wait3A_117] : memref<704x8x128xi32, #tpu.memory_space<hbm>> -> memref<1x8x128xi32, #tpu.memory_space<hbm>>
      %dma_wait3A_119 = tpu.memref_squeeze %dma_wait3A_118 : memref<1x8x128xi32, #tpu.memory_space<hbm>> -> memref<8x128xi32, #tpu.memory_space<hbm>>
      %dma_wait3A_120 = arith.constant 0 : i32
      %dma_wait3A_121 = arith.constant 0 : i32
      %dma_wait3A_122 = tpu.memref_slice %arg3[%dma_wait3A_115, %dma_wait3A_120, %dma_wait3A_121] : memref<704x8x128xi32, #tpu.memory_space<hbm>> -> memref<1x8x128xi32, #tpu.memory_space<hbm>>
      %dma_wait3A_123 = tpu.memref_squeeze %dma_wait3A_122 : memref<1x8x128xi32, #tpu.memory_space<hbm>> -> memref<8x128xi32, #tpu.memory_space<hbm>>
      tpu.wait_dma2 semaphore(%arg12 : memref<!tpu.dma_semaphore, #tpu.memory_space<semaphore_mem>>) src(%dma_wait3A_123 : memref<8x128xi32, #tpu.memory_space<hbm>>) dst(%arg7 : memref<8x128xi32, #tpu.memory_space<vmem>>)
      %dma_wait3A_124 = arith.constant 2 : i32
      %dma_wait3A_125 = arith.constant 0 : i32
      %dma_wait3A_126 = tpu.memref_slice %arg6[%dma_wait3A_124, %dma_wait3A_125] : memref<8x128xi32, #tpu.memory_space<vmem>> -> memref<1x128xi32, #tpu.memory_space<vmem>>
      %dma_wait3A_127 = tpu.memref_squeeze %dma_wait3A_126 : memref<1x128xi32, #tpu.memory_space<vmem>> -> memref<128xi32, #tpu.memory_space<vmem>>
      %dma_wait3A_128 = arith.constant 0 : i32
      %dma_wait3A_129 = arith.constant 0 : i32
      %dma_wait3A_130 = tpu.memref_slice %arg2[%dma_wait3A_128, %dma_wait3A_129] : memref<10000x128xf32, #tpu.memory_space<hbm>> -> memref<10000x128xf32, #tpu.memory_space<hbm>>
      tpu.wait_indirect_dma semaphore(%arg13 : memref<!tpu.dma_semaphore, #tpu.memory_space<semaphore_mem>>) src(%dma_wait3A_130 : memref<10000x128xf32, #tpu.memory_space<hbm>>) dst(%arg8 : memref<128x128xf32, #tpu.memory_space<vmem>>)
      %run_scoped3A_131 = arith.constant 6 : i32
      "tpu.region"() ({
        %run_scoped3A_220 = tpu.sem_alloc : memref<!tpu.dma_semaphore, #tpu.memory_space<semaphore_mem>>
        %dma_start3A_221 = arith.constant 0 : i32
        %dma_start3A_222 = tpu.memref_slice %arg6[%run_scoped3A_131, %dma_start3A_221] : memref<8x128xi32, #tpu.memory_space<vmem>> -> memref<1x128xi32, #tpu.memory_space<vmem>>
        %dma_start3A_223 = tpu.memref_squeeze %dma_start3A_222 : memref<1x128xi32, #tpu.memory_space<vmem>> -> memref<128xi32, #tpu.memory_space<vmem>>
        %dma_start3A_224 = arith.constant 0 : i32
        %dma_start3A_225 = arith.constant 0 : i32
        %dma_start3A_226 = tpu.memref_slice %arg10[%dma_start3A_224, %dma_start3A_225] : memref<10112x128xf32, #tpu.memory_space<vmem_shared>> -> memref<10112x128xf32, #tpu.memory_space<vmem_shared>>
        tpu.enqueue_indirect_dma source(%arg8 : memref<128x128xf32, #tpu.memory_space<vmem>>) target(%dma_start3A_226 : memref<10112x128xf32, #tpu.memory_space<vmem_shared>>) offsets(%dma_start3A_223 : memref<128xi32, #tpu.memory_space<vmem>>) semaphore(%run_scoped3A_220 : memref<!tpu.dma_semaphore, #tpu.memory_space<semaphore_mem>>) {add = true}
        %dma_wait3A_227 = arith.constant 0 : i32
        %dma_wait3A_228 = tpu.memref_slice %arg6[%run_scoped3A_131, %dma_wait3A_227] : memref<8x128xi32, #tpu.memory_space<vmem>> -> memref<1x128xi32, #tpu.memory_space<vmem>>
        %dma_wait3A_229 = tpu.memref_squeeze %dma_wait3A_228 : memref<1x128xi32, #tpu.memory_space<vmem>> -> memref<128xi32, #tpu.memory_space<vmem>>
        %dma_wait3A_230 = arith.constant 0 : i32
        %dma_wait3A_231 = arith.constant 0 : i32
        %dma_wait3A_232 = tpu.memref_slice %arg10[%dma_wait3A_230, %dma_wait3A_231] : memref<10112x128xf32, #tpu.memory_space<vmem_shared>> -> memref<10112x128xf32, #tpu.memory_space<vmem_shared>>
        tpu.wait_indirect_dma semaphore(%run_scoped3A_220 : memref<!tpu.dma_semaphore, #tpu.memory_space<semaphore_mem>>) src(%arg8 : memref<128x128xf32, #tpu.memory_space<vmem>>) dst(%dma_wait3A_232 : memref<10112x128xf32, #tpu.memory_space<vmem_shared>>)
        tpu.yield
      }) : () -> ()
      %dma_start3A_132 = arith.constant 0 : i32
      %dma_start3A_133 = arith.constant 0 : i32
      %dma_start3A_134 = tpu.memref_slice %arg7[%dma_start3A_132, %dma_start3A_133] : memref<8x128xi32, #tpu.memory_space<vmem>> -> memref<1x128xi32, #tpu.memory_space<vmem>>
      %dma_start3A_135 = tpu.memref_squeeze %dma_start3A_134 : memref<1x128xi32, #tpu.memory_space<vmem>> -> memref<128xi32, #tpu.memory_space<vmem>>
      %dma_start3A_136 = arith.constant 0 : i32
      %dma_start3A_137 = arith.constant 0 : i32
      %dma_start3A_138 = tpu.memref_slice %arg2[%dma_start3A_136, %dma_start3A_137] : memref<10000x128xf32, #tpu.memory_space<hbm>> -> memref<10000x128xf32, #tpu.memory_space<hbm>>
      tpu.enqueue_indirect_dma source(%dma_start3A_138 : memref<10000x128xf32, #tpu.memory_space<hbm>>) target(%arg8 : memref<128x128xf32, #tpu.memory_space<vmem>>) offsets(%dma_start3A_135 : memref<128xi32, #tpu.memory_space<vmem>>) semaphore(%arg13 : memref<!tpu.dma_semaphore, #tpu.memory_space<semaphore_mem>>)
      %dma_wait3A_139 = arith.constant 3 : i32
      %dma_wait3A_140 = arith.constant 0 : i32
      %dma_wait3A_141 = tpu.memref_slice %arg6[%dma_wait3A_139, %dma_wait3A_140] : memref<8x128xi32, #tpu.memory_space<vmem>> -> memref<1x128xi32, #tpu.memory_space<vmem>>
      %dma_wait3A_142 = tpu.memref_squeeze %dma_wait3A_141 : memref<1x128xi32, #tpu.memory_space<vmem>> -> memref<128xi32, #tpu.memory_space<vmem>>
      %dma_wait3A_143 = arith.constant 0 : i32
      %dma_wait3A_144 = arith.constant 0 : i32
      %dma_wait3A_145 = tpu.memref_slice %arg2[%dma_wait3A_143, %dma_wait3A_144] : memref<10000x128xf32, #tpu.memory_space<hbm>> -> memref<10000x128xf32, #tpu.memory_space<hbm>>
      tpu.wait_indirect_dma semaphore(%arg14 : memref<!tpu.dma_semaphore, #tpu.memory_space<semaphore_mem>>) src(%dma_wait3A_145 : memref<10000x128xf32, #tpu.memory_space<hbm>>) dst(%arg9 : memref<128x128xf32, #tpu.memory_space<vmem>>)
      %run_scoped3A_146 = arith.constant 7 : i32
      "tpu.region"() ({
        %run_scoped3A_220 = tpu.sem_alloc : memref<!tpu.dma_semaphore, #tpu.memory_space<semaphore_mem>>
        %dma_start3A_221 = arith.constant 0 : i32
        %dma_start3A_222 = tpu.memref_slice %arg6[%run_scoped3A_146, %dma_start3A_221] : memref<8x128xi32, #tpu.memory_space<vmem>> -> memref<1x128xi32, #tpu.memory_space<vmem>>
        %dma_start3A_223 = tpu.memref_squeeze %dma_start3A_222 : memref<1x128xi32, #tpu.memory_space<vmem>> -> memref<128xi32, #tpu.memory_space<vmem>>
        %dma_start3A_224 = arith.constant 0 : i32
        %dma_start3A_225 = arith.constant 0 : i32
        %dma_start3A_226 = tpu.memref_slice %arg10[%dma_start3A_224, %dma_start3A_225] : memref<10112x128xf32, #tpu.memory_space<vmem_shared>> -> memref<10112x128xf32, #tpu.memory_space<vmem_shared>>
        tpu.enqueue_indirect_dma source(%arg9 : memref<128x128xf32, #tpu.memory_space<vmem>>) target(%dma_start3A_226 : memref<10112x128xf32, #tpu.memory_space<vmem_shared>>) offsets(%dma_start3A_223 : memref<128xi32, #tpu.memory_space<vmem>>) semaphore(%run_scoped3A_220 : memref<!tpu.dma_semaphore, #tpu.memory_space<semaphore_mem>>) {add = true}
        %dma_wait3A_227 = arith.constant 0 : i32
        %dma_wait3A_228 = tpu.memref_slice %arg6[%run_scoped3A_146, %dma_wait3A_227] : memref<8x128xi32, #tpu.memory_space<vmem>> -> memref<1x128xi32, #tpu.memory_space<vmem>>
        %dma_wait3A_229 = tpu.memref_squeeze %dma_wait3A_228 : memref<1x128xi32, #tpu.memory_space<vmem>> -> memref<128xi32, #tpu.memory_space<vmem>>
        %dma_wait3A_230 = arith.constant 0 : i32
        %dma_wait3A_231 = arith.constant 0 : i32
        %dma_wait3A_232 = tpu.memref_slice %arg10[%dma_wait3A_230, %dma_wait3A_231] : memref<10112x128xf32, #tpu.memory_space<vmem_shared>> -> memref<10112x128xf32, #tpu.memory_space<vmem_shared>>
        tpu.wait_indirect_dma semaphore(%run_scoped3A_220 : memref<!tpu.dma_semaphore, #tpu.memory_space<semaphore_mem>>) src(%arg9 : memref<128x128xf32, #tpu.memory_space<vmem>>) dst(%dma_wait3A_232 : memref<10112x128xf32, #tpu.memory_space<vmem_shared>>)
        tpu.yield
      }) : () -> ()
      %dma_start3A_147 = arith.constant 1 : i32
      %dma_start3A_148 = arith.constant 0 : i32
      %dma_start3A_149 = tpu.memref_slice %arg7[%dma_start3A_147, %dma_start3A_148] : memref<8x128xi32, #tpu.memory_space<vmem>> -> memref<1x128xi32, #tpu.memory_space<vmem>>
      %dma_start3A_150 = tpu.memref_squeeze %dma_start3A_149 : memref<1x128xi32, #tpu.memory_space<vmem>> -> memref<128xi32, #tpu.memory_space<vmem>>
      %dma_start3A_151 = arith.constant 0 : i32
      %dma_start3A_152 = arith.constant 0 : i32
      %dma_start3A_153 = tpu.memref_slice %arg2[%dma_start3A_151, %dma_start3A_152] : memref<10000x128xf32, #tpu.memory_space<hbm>> -> memref<10000x128xf32, #tpu.memory_space<hbm>>
      tpu.enqueue_indirect_dma source(%dma_start3A_153 : memref<10000x128xf32, #tpu.memory_space<hbm>>) target(%arg9 : memref<128x128xf32, #tpu.memory_space<vmem>>) offsets(%dma_start3A_150 : memref<128xi32, #tpu.memory_space<vmem>>) semaphore(%arg14 : memref<!tpu.dma_semaphore, #tpu.memory_space<semaphore_mem>>)
      %add3A_154 = arith.constant 2 : i32
      %add3A_155 = arith.addi %add3A_62, %add3A_154 : i32
      %dma_start3A_156 = arith.constant 0 : i32
      %dma_start3A_157 = arith.constant 0 : i32
      %dma_start3A_158 = tpu.memref_slice %arg3[%add3A_155, %dma_start3A_156, %dma_start3A_157] : memref<704x8x128xi32, #tpu.memory_space<hbm>> -> memref<1x8x128xi32, #tpu.memory_space<hbm>>
      %dma_start3A_159 = tpu.memref_squeeze %dma_start3A_158 : memref<1x8x128xi32, #tpu.memory_space<hbm>> -> memref<8x128xi32, #tpu.memory_space<hbm>>
      %dma_start3A_160 = arith.constant 0 : i32
      %dma_start3A_161 = arith.constant 0 : i32
      %dma_start3A_162 = tpu.memref_slice %arg3[%add3A_155, %dma_start3A_160, %dma_start3A_161] : memref<704x8x128xi32, #tpu.memory_space<hbm>> -> memref<1x8x128xi32, #tpu.memory_space<hbm>>
      %dma_start3A_163 = tpu.memref_squeeze %dma_start3A_162 : memref<1x8x128xi32, #tpu.memory_space<hbm>> -> memref<8x128xi32, #tpu.memory_space<hbm>>
      tpu.enqueue_dma source(%dma_start3A_163 : memref<8x128xi32, #tpu.memory_space<hbm>>) target(%arg6 : memref<8x128xi32, #tpu.memory_space<vmem>>) target_semaphore(%arg11 : memref<!tpu.dma_semaphore, #tpu.memory_space<semaphore_mem>>)
      %dma_wait3A_164 = arith.constant 0 : i32
      %dma_wait3A_165 = arith.constant 0 : i32
      %dma_wait3A_166 = tpu.memref_slice %arg7[%dma_wait3A_164, %dma_wait3A_165] : memref<8x128xi32, #tpu.memory_space<vmem>> -> memref<1x128xi32, #tpu.memory_space<vmem>>
      %dma_wait3A_167 = tpu.memref_squeeze %dma_wait3A_166 : memref<1x128xi32, #tpu.memory_space<vmem>> -> memref<128xi32, #tpu.memory_space<vmem>>
      %dma_wait3A_168 = arith.constant 0 : i32
      %dma_wait3A_169 = arith.constant 0 : i32
      %dma_wait3A_170 = tpu.memref_slice %arg2[%dma_wait3A_168, %dma_wait3A_169] : memref<10000x128xf32, #tpu.memory_space<hbm>> -> memref<10000x128xf32, #tpu.memory_space<hbm>>
      tpu.wait_indirect_dma semaphore(%arg13 : memref<!tpu.dma_semaphore, #tpu.memory_space<semaphore_mem>>) src(%dma_wait3A_170 : memref<10000x128xf32, #tpu.memory_space<hbm>>) dst(%arg8 : memref<128x128xf32, #tpu.memory_space<vmem>>)
      %run_scoped3A_171 = arith.constant 4 : i32
      "tpu.region"() ({
        %run_scoped3A_220 = tpu.sem_alloc : memref<!tpu.dma_semaphore, #tpu.memory_space<semaphore_mem>>
        %dma_start3A_221 = arith.constant 0 : i32
        %dma_start3A_222 = tpu.memref_slice %arg7[%run_scoped3A_171, %dma_start3A_221] : memref<8x128xi32, #tpu.memory_space<vmem>> -> memref<1x128xi32, #tpu.memory_space<vmem>>
        %dma_start3A_223 = tpu.memref_squeeze %dma_start3A_222 : memref<1x128xi32, #tpu.memory_space<vmem>> -> memref<128xi32, #tpu.memory_space<vmem>>
        %dma_start3A_224 = arith.constant 0 : i32
        %dma_start3A_225 = arith.constant 0 : i32
        %dma_start3A_226 = tpu.memref_slice %arg10[%dma_start3A_224, %dma_start3A_225] : memref<10112x128xf32, #tpu.memory_space<vmem_shared>> -> memref<10112x128xf32, #tpu.memory_space<vmem_shared>>
        tpu.enqueue_indirect_dma source(%arg8 : memref<128x128xf32, #tpu.memory_space<vmem>>) target(%dma_start3A_226 : memref<10112x128xf32, #tpu.memory_space<vmem_shared>>) offsets(%dma_start3A_223 : memref<128xi32, #tpu.memory_space<vmem>>) semaphore(%run_scoped3A_220 : memref<!tpu.dma_semaphore, #tpu.memory_space<semaphore_mem>>) {add = true}
        %dma_wait3A_227 = arith.constant 0 : i32
        %dma_wait3A_228 = tpu.memref_slice %arg7[%run_scoped3A_171, %dma_wait3A_227] : memref<8x128xi32, #tpu.memory_space<vmem>> -> memref<1x128xi32, #tpu.memory_space<vmem>>
        %dma_wait3A_229 = tpu.memref_squeeze %dma_wait3A_228 : memref<1x128xi32, #tpu.memory_space<vmem>> -> memref<128xi32, #tpu.memory_space<vmem>>
        %dma_wait3A_230 = arith.constant 0 : i32
        %dma_wait3A_231 = arith.constant 0 : i32
        %dma_wait3A_232 = tpu.memref_slice %arg10[%dma_wait3A_230, %dma_wait3A_231] : memref<10112x128xf32, #tpu.memory_space<vmem_shared>> -> memref<10112x128xf32, #tpu.memory_space<vmem_shared>>
        tpu.wait_indirect_dma semaphore(%run_scoped3A_220 : memref<!tpu.dma_semaphore, #tpu.memory_space<semaphore_mem>>) src(%arg8 : memref<128x128xf32, #tpu.memory_space<vmem>>) dst(%dma_wait3A_232 : memref<10112x128xf32, #tpu.memory_space<vmem_shared>>)
        tpu.yield
      }) : () -> ()
      %dma_start3A_172 = arith.constant 2 : i32
      %dma_start3A_173 = arith.constant 0 : i32
      %dma_start3A_174 = tpu.memref_slice %arg7[%dma_start3A_172, %dma_start3A_173] : memref<8x128xi32, #tpu.memory_space<vmem>> -> memref<1x128xi32, #tpu.memory_space<vmem>>
      %dma_start3A_175 = tpu.memref_squeeze %dma_start3A_174 : memref<1x128xi32, #tpu.memory_space<vmem>> -> memref<128xi32, #tpu.memory_space<vmem>>
      %dma_start3A_176 = arith.constant 0 : i32
      %dma_start3A_177 = arith.constant 0 : i32
      %dma_start3A_178 = tpu.memref_slice %arg2[%dma_start3A_176, %dma_start3A_177] : memref<10000x128xf32, #tpu.memory_space<hbm>> -> memref<10000x128xf32, #tpu.memory_space<hbm>>
      tpu.enqueue_indirect_dma source(%dma_start3A_178 : memref<10000x128xf32, #tpu.memory_space<hbm>>) target(%arg8 : memref<128x128xf32, #tpu.memory_space<vmem>>) offsets(%dma_start3A_175 : memref<128xi32, #tpu.memory_space<vmem>>) semaphore(%arg13 : memref<!tpu.dma_semaphore, #tpu.memory_space<semaphore_mem>>)
      %dma_wait3A_179 = arith.constant 1 : i32
      %dma_wait3A_180 = arith.constant 0 : i32
      %dma_wait3A_181 = tpu.memref_slice %arg7[%dma_wait3A_179, %dma_wait3A_180] : memref<8x128xi32, #tpu.memory_space<vmem>> -> memref<1x128xi32, #tpu.memory_space<vmem>>
      %dma_wait3A_182 = tpu.memref_squeeze %dma_wait3A_181 : memref<1x128xi32, #tpu.memory_space<vmem>> -> memref<128xi32, #tpu.memory_space<vmem>>
      %dma_wait3A_183 = arith.constant 0 : i32
      %dma_wait3A_184 = arith.constant 0 : i32
      %dma_wait3A_185 = tpu.memref_slice %arg2[%dma_wait3A_183, %dma_wait3A_184] : memref<10000x128xf32, #tpu.memory_space<hbm>> -> memref<10000x128xf32, #tpu.memory_space<hbm>>
      tpu.wait_indirect_dma semaphore(%arg14 : memref<!tpu.dma_semaphore, #tpu.memory_space<semaphore_mem>>) src(%dma_wait3A_185 : memref<10000x128xf32, #tpu.memory_space<hbm>>) dst(%arg9 : memref<128x128xf32, #tpu.memory_space<vmem>>)
      %run_scoped3A_186 = arith.constant 5 : i32
      "tpu.region"() ({
        %run_scoped3A_220 = tpu.sem_alloc : memref<!tpu.dma_semaphore, #tpu.memory_space<semaphore_mem>>
        %dma_start3A_221 = arith.constant 0 : i32
        %dma_start3A_222 = tpu.memref_slice %arg7[%run_scoped3A_186, %dma_start3A_221] : memref<8x128xi32, #tpu.memory_space<vmem>> -> memref<1x128xi32, #tpu.memory_space<vmem>>
        %dma_start3A_223 = tpu.memref_squeeze %dma_start3A_222 : memref<1x128xi32, #tpu.memory_space<vmem>> -> memref<128xi32, #tpu.memory_space<vmem>>
        %dma_start3A_224 = arith.constant 0 : i32
        %dma_start3A_225 = arith.constant 0 : i32
        %dma_start3A_226 = tpu.memref_slice %arg10[%dma_start3A_224, %dma_start3A_225] : memref<10112x128xf32, #tpu.memory_space<vmem_shared>> -> memref<10112x128xf32, #tpu.memory_space<vmem_shared>>
        tpu.enqueue_indirect_dma source(%arg9 : memref<128x128xf32, #tpu.memory_space<vmem>>) target(%dma_start3A_226 : memref<10112x128xf32, #tpu.memory_space<vmem_shared>>) offsets(%dma_start3A_223 : memref<128xi32, #tpu.memory_space<vmem>>) semaphore(%run_scoped3A_220 : memref<!tpu.dma_semaphore, #tpu.memory_space<semaphore_mem>>) {add = true}
        %dma_wait3A_227 = arith.constant 0 : i32
        %dma_wait3A_228 = tpu.memref_slice %arg7[%run_scoped3A_186, %dma_wait3A_227] : memref<8x128xi32, #tpu.memory_space<vmem>> -> memref<1x128xi32, #tpu.memory_space<vmem>>
        %dma_wait3A_229 = tpu.memref_squeeze %dma_wait3A_228 : memref<1x128xi32, #tpu.memory_space<vmem>> -> memref<128xi32, #tpu.memory_space<vmem>>
        %dma_wait3A_230 = arith.constant 0 : i32
        %dma_wait3A_231 = arith.constant 0 : i32
        %dma_wait3A_232 = tpu.memref_slice %arg10[%dma_wait3A_230, %dma_wait3A_231] : memref<10112x128xf32, #tpu.memory_space<vmem_shared>> -> memref<10112x128xf32, #tpu.memory_space<vmem_shared>>
        tpu.wait_indirect_dma semaphore(%run_scoped3A_220 : memref<!tpu.dma_semaphore, #tpu.memory_space<semaphore_mem>>) src(%arg9 : memref<128x128xf32, #tpu.memory_space<vmem>>) dst(%dma_wait3A_232 : memref<10112x128xf32, #tpu.memory_space<vmem_shared>>)
        tpu.yield
      }) : () -> ()
      %dma_start3A_187 = arith.constant 3 : i32
      %dma_start3A_188 = arith.constant 0 : i32
      %dma_start3A_189 = tpu.memref_slice %arg7[%dma_start3A_187, %dma_start3A_188] : memref<8x128xi32, #tpu.memory_space<vmem>> -> memref<1x128xi32, #tpu.memory_space<vmem>>
      %dma_start3A_190 = tpu.memref_squeeze %dma_start3A_189 : memref<1x128xi32, #tpu.memory_space<vmem>> -> memref<128xi32, #tpu.memory_space<vmem>>
      %dma_start3A_191 = arith.constant 0 : i32
      %dma_start3A_192 = arith.constant 0 : i32
      %dma_start3A_193 = tpu.memref_slice %arg2[%dma_start3A_191, %dma_start3A_192] : memref<10000x128xf32, #tpu.memory_space<hbm>> -> memref<10000x128xf32, #tpu.memory_space<hbm>>
      tpu.enqueue_indirect_dma source(%dma_start3A_193 : memref<10000x128xf32, #tpu.memory_space<hbm>>) target(%arg9 : memref<128x128xf32, #tpu.memory_space<vmem>>) offsets(%dma_start3A_190 : memref<128xi32, #tpu.memory_space<vmem>>) semaphore(%arg14 : memref<!tpu.dma_semaphore, #tpu.memory_space<semaphore_mem>>)
      %dma_wait3A_194 = arith.constant 2 : i32
      %dma_wait3A_195 = arith.constant 0 : i32
      %dma_wait3A_196 = tpu.memref_slice %arg7[%dma_wait3A_194, %dma_wait3A_195] : memref<8x128xi32, #tpu.memory_space<vmem>> -> memref<1x128xi32, #tpu.memory_space<vmem>>
      %dma_wait3A_197 = tpu.memref_squeeze %dma_wait3A_196 : memref<1x128xi32, #tpu.memory_space<vmem>> -> memref<128xi32, #tpu.memory_space<vmem>>
      %dma_wait3A_198 = arith.constant 0 : i32
      %dma_wait3A_199 = arith.constant 0 : i32
      %dma_wait3A_200 = tpu.memref_slice %arg2[%dma_wait3A_198, %dma_wait3A_199] : memref<10000x128xf32, #tpu.memory_space<hbm>> -> memref<10000x128xf32, #tpu.memory_space<hbm>>
      tpu.wait_indirect_dma semaphore(%arg13 : memref<!tpu.dma_semaphore, #tpu.memory_space<semaphore_mem>>) src(%dma_wait3A_200 : memref<10000x128xf32, #tpu.memory_space<hbm>>) dst(%arg8 : memref<128x128xf32, #tpu.memory_space<vmem>>)
      %run_scoped3A_201 = arith.constant 6 : i32
      "tpu.region"() ({
        %run_scoped3A_220 = tpu.sem_alloc : memref<!tpu.dma_semaphore, #tpu.memory_space<semaphore_mem>>
        %dma_start3A_221 = arith.constant 0 : i32
        %dma_start3A_222 = tpu.memref_slice %arg7[%run_scoped3A_201, %dma_start3A_221] : memref<8x128xi32, #tpu.memory_space<vmem>> -> memref<1x128xi32, #tpu.memory_space<vmem>>
        %dma_start3A_223 = tpu.memref_squeeze %dma_start3A_222 : memref<1x128xi32, #tpu.memory_space<vmem>> -> memref<128xi32, #tpu.memory_space<vmem>>
        %dma_start3A_224 = arith.constant 0 : i32
        %dma_start3A_225 = arith.constant 0 : i32
        %dma_start3A_226 = tpu.memref_slice %arg10[%dma_start3A_224, %dma_start3A_225] : memref<10112x128xf32, #tpu.memory_space<vmem_shared>> -> memref<10112x128xf32, #tpu.memory_space<vmem_shared>>
        tpu.enqueue_indirect_dma source(%arg8 : memref<128x128xf32, #tpu.memory_space<vmem>>) target(%dma_start3A_226 : memref<10112x128xf32, #tpu.memory_space<vmem_shared>>) offsets(%dma_start3A_223 : memref<128xi32, #tpu.memory_space<vmem>>) semaphore(%run_scoped3A_220 : memref<!tpu.dma_semaphore, #tpu.memory_space<semaphore_mem>>) {add = true}
        %dma_wait3A_227 = arith.constant 0 : i32
        %dma_wait3A_228 = tpu.memref_slice %arg7[%run_scoped3A_201, %dma_wait3A_227] : memref<8x128xi32, #tpu.memory_space<vmem>> -> memref<1x128xi32, #tpu.memory_space<vmem>>
        %dma_wait3A_229 = tpu.memref_squeeze %dma_wait3A_228 : memref<1x128xi32, #tpu.memory_space<vmem>> -> memref<128xi32, #tpu.memory_space<vmem>>
        %dma_wait3A_230 = arith.constant 0 : i32
        %dma_wait3A_231 = arith.constant 0 : i32
        %dma_wait3A_232 = tpu.memref_slice %arg10[%dma_wait3A_230, %dma_wait3A_231] : memref<10112x128xf32, #tpu.memory_space<vmem_shared>> -> memref<10112x128xf32, #tpu.memory_space<vmem_shared>>
        tpu.wait_indirect_dma semaphore(%run_scoped3A_220 : memref<!tpu.dma_semaphore, #tpu.memory_space<semaphore_mem>>) src(%arg8 : memref<128x128xf32, #tpu.memory_space<vmem>>) dst(%dma_wait3A_232 : memref<10112x128xf32, #tpu.memory_space<vmem_shared>>)
        tpu.yield
      }) : () -> ()
      %dma_wait3A_202 = arith.constant 3 : i32
      %dma_wait3A_203 = arith.constant 0 : i32
      %dma_wait3A_204 = tpu.memref_slice %arg7[%dma_wait3A_202, %dma_wait3A_203] : memref<8x128xi32, #tpu.memory_space<vmem>> -> memref<1x128xi32, #tpu.memory_space<vmem>>
      %dma_wait3A_205 = tpu.memref_squeeze %dma_wait3A_204 : memref<1x128xi32, #tpu.memory_space<vmem>> -> memref<128xi32, #tpu.memory_space<vmem>>
      %dma_wait3A_206 = arith.constant 0 : i32
      %dma_wait3A_207 = arith.constant 0 : i32
      %dma_wait3A_208 = tpu.memref_slice %arg2[%dma_wait3A_206, %dma_wait3A_207] : memref<10000x128xf32, #tpu.memory_space<hbm>> -> memref<10000x128xf32, #tpu.memory_space<hbm>>
      tpu.wait_indirect_dma semaphore(%arg14 : memref<!tpu.dma_semaphore, #tpu.memory_space<semaphore_mem>>) src(%dma_wait3A_208 : memref<10000x128xf32, #tpu.memory_space<hbm>>) dst(%arg9 : memref<128x128xf32, #tpu.memory_space<vmem>>)
      %run_scoped3A_209 = arith.constant 7 : i32
      "tpu.region"() ({
        %run_scoped3A_220 = tpu.sem_alloc : memref<!tpu.dma_semaphore, #tpu.memory_space<semaphore_mem>>
        %dma_start3A_221 = arith.constant 0 : i32
        %dma_start3A_222 = tpu.memref_slice %arg7[%run_scoped3A_209, %dma_start3A_221] : memref<8x128xi32, #tpu.memory_space<vmem>> -> memref<1x128xi32, #tpu.memory_space<vmem>>
        %dma_start3A_223 = tpu.memref_squeeze %dma_start3A_222 : memref<1x128xi32, #tpu.memory_space<vmem>> -> memref<128xi32, #tpu.memory_space<vmem>>
        %dma_start3A_224 = arith.constant 0 : i32
        %dma_start3A_225 = arith.constant 0 : i32
        %dma_start3A_226 = tpu.memref_slice %arg10[%dma_start3A_224, %dma_start3A_225] : memref<10112x128xf32, #tpu.memory_space<vmem_shared>> -> memref<10112x128xf32, #tpu.memory_space<vmem_shared>>
        tpu.enqueue_indirect_dma source(%arg9 : memref<128x128xf32, #tpu.memory_space<vmem>>) target(%dma_start3A_226 : memref<10112x128xf32, #tpu.memory_space<vmem_shared>>) offsets(%dma_start3A_223 : memref<128xi32, #tpu.memory_space<vmem>>) semaphore(%run_scoped3A_220 : memref<!tpu.dma_semaphore, #tpu.memory_space<semaphore_mem>>) {add = true}
        %dma_wait3A_227 = arith.constant 0 : i32
        %dma_wait3A_228 = tpu.memref_slice %arg7[%run_scoped3A_209, %dma_wait3A_227] : memref<8x128xi32, #tpu.memory_space<vmem>> -> memref<1x128xi32, #tpu.memory_space<vmem>>
        %dma_wait3A_229 = tpu.memref_squeeze %dma_wait3A_228 : memref<1x128xi32, #tpu.memory_space<vmem>> -> memref<128xi32, #tpu.memory_space<vmem>>
        %dma_wait3A_230 = arith.constant 0 : i32
        %dma_wait3A_231 = arith.constant 0 : i32
        %dma_wait3A_232 = tpu.memref_slice %arg10[%dma_wait3A_230, %dma_wait3A_231] : memref<10112x128xf32, #tpu.memory_space<vmem_shared>> -> memref<10112x128xf32, #tpu.memory_space<vmem_shared>>
        tpu.wait_indirect_dma semaphore(%run_scoped3A_220 : memref<!tpu.dma_semaphore, #tpu.memory_space<semaphore_mem>>) src(%arg9 : memref<128x128xf32, #tpu.memory_space<vmem>>) dst(%dma_wait3A_232 : memref<10112x128xf32, #tpu.memory_space<vmem_shared>>)
        tpu.yield
      }) : () -> ()
      %add3A_210 = arith.constant 3 : i32
      %add3A_211 = arith.addi %add3A_62, %add3A_210 : i32
      %dma_start3A_212 = arith.constant 0 : i32
      %dma_start3A_213 = arith.constant 0 : i32
      %dma_start3A_214 = tpu.memref_slice %arg3[%add3A_211, %dma_start3A_212, %dma_start3A_213] : memref<704x8x128xi32, #tpu.memory_space<hbm>> -> memref<1x8x128xi32, #tpu.memory_space<hbm>>
      %dma_start3A_215 = tpu.memref_squeeze %dma_start3A_214 : memref<1x8x128xi32, #tpu.memory_space<hbm>> -> memref<8x128xi32, #tpu.memory_space<hbm>>
      %dma_start3A_216 = arith.constant 0 : i32
      %dma_start3A_217 = arith.constant 0 : i32
      %dma_start3A_218 = tpu.memref_slice %arg3[%add3A_211, %dma_start3A_216, %dma_start3A_217] : memref<704x8x128xi32, #tpu.memory_space<hbm>> -> memref<1x8x128xi32, #tpu.memory_space<hbm>>
      %dma_start3A_219 = tpu.memref_squeeze %dma_start3A_218 : memref<1x8x128xi32, #tpu.memory_space<hbm>> -> memref<8x128xi32, #tpu.memory_space<hbm>>
      tpu.enqueue_dma source(%dma_start3A_219 : memref<8x128xi32, #tpu.memory_space<hbm>>) target(%arg7 : memref<8x128xi32, #tpu.memory_space<vmem>>) target_semaphore(%arg12 : memref<!tpu.dma_semaphore, #tpu.memory_space<semaphore_mem>>)
    }
    %dma_wait3A = arith.constant 0 : i32
    %dma_wait3A_37 = arith.constant 0 : i32
    %dma_wait3A_38 = arith.constant 0 : i32
    %dma_wait3A_39 = tpu.memref_slice %arg3[%dma_wait3A, %dma_wait3A_37, %dma_wait3A_38] : memref<704x8x128xi32, #tpu.memory_space<hbm>> -> memref<1x8x128xi32, #tpu.memory_space<hbm>>
    %dma_wait3A_40 = tpu.memref_squeeze %dma_wait3A_39 : memref<1x8x128xi32, #tpu.memory_space<hbm>> -> memref<8x128xi32, #tpu.memory_space<hbm>>
    %dma_wait3A_41 = arith.constant 0 : i32
    %dma_wait3A_42 = arith.constant 0 : i32
    %dma_wait3A_43 = tpu.memref_slice %arg3[%dma_wait3A, %dma_wait3A_41, %dma_wait3A_42] : memref<704x8x128xi32, #tpu.memory_space<hbm>> -> memref<1x8x128xi32, #tpu.memory_space<hbm>>
    %dma_wait3A_44 = tpu.memref_squeeze %dma_wait3A_43 : memref<1x8x128xi32, #tpu.memory_space<hbm>> -> memref<8x128xi32, #tpu.memory_space<hbm>>
    tpu.wait_dma2 semaphore(%arg11 : memref<!tpu.dma_semaphore, #tpu.memory_space<semaphore_mem>>) src(%dma_wait3A_44 : memref<8x128xi32, #tpu.memory_space<hbm>>) dst(%arg6 : memref<8x128xi32, #tpu.memory_space<vmem>>)
    %dma_wait3A_45 = arith.constant 0 : i32
    %dma_wait3A_46 = arith.constant 0 : i32
    %dma_wait3A_47 = arith.constant 0 : i32
    %dma_wait3A_48 = tpu.memref_slice %arg3[%dma_wait3A_45, %dma_wait3A_46, %dma_wait3A_47] : memref<704x8x128xi32, #tpu.memory_space<hbm>> -> memref<1x8x128xi32, #tpu.memory_space<hbm>>
    %dma_wait3A_49 = tpu.memref_squeeze %dma_wait3A_48 : memref<1x8x128xi32, #tpu.memory_space<hbm>> -> memref<8x128xi32, #tpu.memory_space<hbm>>
    %dma_wait3A_50 = arith.constant 0 : i32
    %dma_wait3A_51 = arith.constant 0 : i32
    %dma_wait3A_52 = tpu.memref_slice %arg3[%dma_wait3A_45, %dma_wait3A_50, %dma_wait3A_51] : memref<704x8x128xi32, #tpu.memory_space<hbm>> -> memref<1x8x128xi32, #tpu.memory_space<hbm>>
    %dma_wait3A_53 = tpu.memref_squeeze %dma_wait3A_52 : memref<1x8x128xi32, #tpu.memory_space<hbm>> -> memref<8x128xi32, #tpu.memory_space<hbm>>
    tpu.wait_dma2 semaphore(%arg12 : memref<!tpu.dma_semaphore, #tpu.memory_space<semaphore_mem>>) src(%dma_wait3A_53 : memref<8x128xi32, #tpu.memory_space<hbm>>) dst(%arg7 : memref<8x128xi32, #tpu.memory_space<vmem>>)
    %barrier3A_54 = arith.constant 0 : index
    tpu.barrier barrier_id(%barrier3A_54)
    %mul3A_55 = arith.constant 632 : i32
    %mul3A_56 = arith.muli %arg1, %mul3A_55 : i32
    %mul3A_57 = arith.constant 632 : i32
    %mul3A_58 = arith.muli %arg1, %mul3A_57 : i32
    "tpu.region"() ({
      %run_scoped3A = tpu.sem_alloc : memref<!tpu.dma_semaphore, #tpu.memory_space<semaphore_mem>>
      %dma_start3A_59 = arith.constant 0 : i32
      %dma_start3A_60 = tpu.memref_slice %arg5[%arg0, %mul3A_58, %dma_start3A_59] : memref<2x10112x128xf32, #tpu.memory_space<hbm>> -> memref<1x632x128xf32, #tpu.memory_space<hbm>>
      %dma_start3A_61 = tpu.memref_squeeze %dma_start3A_60 : memref<1x632x128xf32, #tpu.memory_space<hbm>> -> memref<632x128xf32, #tpu.memory_space<hbm>>
      %dma_start3A_62 = arith.constant 0 : i32
      %dma_start3A_63 = tpu.memref_slice %arg10[%mul3A_56, %dma_start3A_62] : memref<10112x128xf32, #tpu.memory_space<vmem_shared>> -> memref<632x128xf32, #tpu.memory_space<vmem_shared>>
      tpu.enqueue_dma source(%dma_start3A_63 : memref<632x128xf32, #tpu.memory_space<vmem_shared>>) target(%dma_start3A_61 : memref<632x128xf32, #tpu.memory_space<hbm>>) target_semaphore(%run_scoped3A : memref<!tpu.dma_semaphore, #tpu.memory_space<semaphore_mem>>)
      %dma_wait3A_64 = arith.constant 0 : i32
      %dma_wait3A_65 = tpu.memref_slice %arg5[%arg0, %mul3A_58, %dma_wait3A_64] : memref<2x10112x128xf32, #tpu.memory_space<hbm>> -> memref<1x632x128xf32, #tpu.memory_space<hbm>>
      %dma_wait3A_66 = tpu.memref_squeeze %dma_wait3A_65 : memref<1x632x128xf32, #tpu.memory_space<hbm>> -> memref<632x128xf32, #tpu.memory_space<hbm>>
      %dma_wait3A_67 = arith.constant 0 : i32
      %dma_wait3A_68 = tpu.memref_slice %arg10[%mul3A_56, %dma_wait3A_67] : memref<10112x128xf32, #tpu.memory_space<vmem_shared>> -> memref<632x128xf32, #tpu.memory_space<vmem_shared>>
      tpu.wait_dma2 semaphore(%run_scoped3A : memref<!tpu.dma_semaphore, #tpu.memory_space<semaphore_mem>>) src(%dma_wait3A_68 : memref<632x128xf32, #tpu.memory_space<vmem_shared>>) dst(%dma_wait3A_66 : memref<632x128xf32, #tpu.memory_space<hbm>>)
      tpu.yield
    }) : () -> ()
    return
  }
}

#map = affine_map<(d0, d1) -> (0, 0)>
#map1 = affine_map<(d0, d1) -> (0, 0, 0)>
module attributes {stable_mosaic.version = 14 : i64} {
  func.func @_sc_agg_body(%arg0: i32, %arg1: i32, %arg2: memref<10000x128xf32, #tpu.memory_space<hbm>>, %arg3: memref<704x8x128xi32, #tpu.memory_space<hbm>>, %arg4: memref<632x128xf32, #tpu.memory_space<hbm>>, %arg5: memref<2x10112x128xf32, #tpu.memory_space<hbm>>, %arg6: memref<8x128xi32, #tpu.memory_space<vmem>>, %arg7: memref<8x128xi32, #tpu.memory_space<vmem>>, %arg8: memref<128x128xf32, #tpu.memory_space<vmem>>, %arg9: memref<128x128xf32, #tpu.memory_space<vmem>>, %arg10: memref<10112x128xf32, #tpu.memory_space<vmem_shared>>, %arg11: memref<!tpu.dma_semaphore, #tpu.memory_space<semaphore_mem>>, %arg12: memref<!tpu.dma_semaphore, #tpu.memory_space<semaphore_mem>>, %arg13: memref<!tpu.dma_semaphore, #tpu.memory_space<semaphore_mem>>, %arg14: memref<!tpu.dma_semaphore, #tpu.memory_space<semaphore_mem>>) attributes {dimension_semantics = [#tpu.dimension_semantics<core_parallel>, #tpu.dimension_semantics<subcore_parallel>], iteration_bounds = array<i64: 2, 16>, scalar_prefetch = 0 : i64, scratch_operands = 9 : i64, tpu.core_type = #tpu.core_type<sc_vector_subcore>, window_params = [{transform_indices = #map}, {transform_indices = #map1}, {transform_indices = #map}, {transform_indices = #map1}]} {
    %mul3A = arith.constant 632 : i32
    %mul3A_0 = arith.muli %arg1, %mul3A : i32
    "tpu.region"() ({
      %run_scoped3A = tpu.sem_alloc : memref<!tpu.dma_semaphore, #tpu.memory_space<semaphore_mem>>
      %dma_start3A_59 = arith.constant 0 : i32
      %dma_start3A_60 = tpu.memref_slice %arg10[%mul3A_0, %dma_start3A_59] : memref<10112x128xf32, #tpu.memory_space<vmem_shared>> -> memref<632x128xf32, #tpu.memory_space<vmem_shared>>
      tpu.enqueue_dma source(%arg4 : memref<632x128xf32, #tpu.memory_space<hbm>>) target(%dma_start3A_60 : memref<632x128xf32, #tpu.memory_space<vmem_shared>>) target_semaphore(%run_scoped3A : memref<!tpu.dma_semaphore, #tpu.memory_space<semaphore_mem>>)
      %dma_wait3A_61 = arith.constant 0 : i32
      %dma_wait3A_62 = tpu.memref_slice %arg10[%mul3A_0, %dma_wait3A_61] : memref<10112x128xf32, #tpu.memory_space<vmem_shared>> -> memref<632x128xf32, #tpu.memory_space<vmem_shared>>
      tpu.wait_dma2 semaphore(%run_scoped3A : memref<!tpu.dma_semaphore, #tpu.memory_space<semaphore_mem>>) src(%arg4 : memref<632x128xf32, #tpu.memory_space<hbm>>) dst(%dma_wait3A_62 : memref<632x128xf32, #tpu.memory_space<vmem_shared>>)
      tpu.yield
    }) : () -> ()
    %barrier3A = arith.constant 0 : index
    tpu.barrier barrier_id(%barrier3A)
    %eq3A = arith.constant 0 : i32
    %eq3A_1 = arith.cmpi eq, %arg0, %eq3A : i32
    %mul3A_2 = arith.constant 38 : i32
    %mul3A_3 = arith.muli %arg1, %mul3A_2 : i32
    %mul3A_4 = arith.constant 6 : i32
    %mul3A_5 = arith.muli %arg1, %mul3A_4 : i32
    %add3A = arith.constant 608 : i32
    %add3A_6 = arith.addi %add3A, %mul3A_5 : i32
    %select_n3A = arith.select %eq3A_1, %mul3A_3, %add3A_6 : i32
    %eq3A_7 = arith.constant 0 : i32
    %eq3A_8 = arith.cmpi eq, %arg0, %eq3A_7 : i32
    %jit3A = arith.constant 18 : i32
    %jit3A_9 = arith.constant 2 : i32
    %select_n3A_10 = arith.select %eq3A_8, %jit3A, %jit3A_9 : i32
    %dma_start3A = arith.constant 0 : i32
    %dma_start3A_11 = arith.constant 0 : i32
    %dma_start3A_12 = tpu.memref_slice %arg3[%select_n3A, %dma_start3A, %dma_start3A_11] : memref<704x8x128xi32, #tpu.memory_space<hbm>> -> memref<1x8x128xi32, #tpu.memory_space<hbm>>
    %dma_start3A_13 = tpu.memref_squeeze %dma_start3A_12 : memref<1x8x128xi32, #tpu.memory_space<hbm>> -> memref<8x128xi32, #tpu.memory_space<hbm>>
    %dma_start3A_14 = arith.constant 0 : i32
    %dma_start3A_15 = arith.constant 0 : i32
    %dma_start3A_16 = tpu.memref_slice %arg3[%select_n3A, %dma_start3A_14, %dma_start3A_15] : memref<704x8x128xi32, #tpu.memory_space<hbm>> -> memref<1x8x128xi32, #tpu.memory_space<hbm>>
    %dma_start3A_17 = tpu.memref_squeeze %dma_start3A_16 : memref<1x8x128xi32, #tpu.memory_space<hbm>> -> memref<8x128xi32, #tpu.memory_space<hbm>>
    tpu.enqueue_dma source(%dma_start3A_17 : memref<8x128xi32, #tpu.memory_space<hbm>>) target(%arg6 : memref<8x128xi32, #tpu.memory_space<vmem>>) target_semaphore(%arg11 : memref<!tpu.dma_semaphore, #tpu.memory_space<semaphore_mem>>)
    %add3A_18 = arith.constant 1 : i32
    %add3A_19 = arith.addi %select_n3A, %add3A_18 : i32
    %dma_start3A_20 = arith.constant 0 : i32
    %dma_start3A_21 = arith.constant 0 : i32
    %dma_start3A_22 = tpu.memref_slice %arg3[%add3A_19, %dma_start3A_20, %dma_start3A_21] : memref<704x8x128xi32, #tpu.memory_space<hbm>> -> memref<1x8x128xi32, #tpu.memory_space<hbm>>
    %dma_start3A_23 = tpu.memref_squeeze %dma_start3A_22 : memref<1x8x128xi32, #tpu.memory_space<hbm>> -> memref<8x128xi32, #tpu.memory_space<hbm>>
    %dma_start3A_24 = arith.constant 0 : i32
    %dma_start3A_25 = arith.constant 0 : i32
    %dma_start3A_26 = tpu.memref_slice %arg3[%add3A_19, %dma_start3A_24, %dma_start3A_25] : memref<704x8x128xi32, #tpu.memory_space<hbm>> -> memref<1x8x128xi32, #tpu.memory_space<hbm>>
    %dma_start3A_27 = tpu.memref_squeeze %dma_start3A_26 : memref<1x8x128xi32, #tpu.memory_space<hbm>> -> memref<8x128xi32, #tpu.memory_space<hbm>>
    tpu.enqueue_dma source(%dma_start3A_27 : memref<8x128xi32, #tpu.memory_space<hbm>>) target(%arg7 : memref<8x128xi32, #tpu.memory_space<vmem>>) target_semaphore(%arg12 : memref<!tpu.dma_semaphore, #tpu.memory_space<semaphore_mem>>)
    %while3A = arith.constant 0 : i32
    %while3A_28 = arith.constant 0 : i32
    %while3A_29 = arith.subi %select_n3A_10, %while3A_28 : i32
    %while3A_30 = arith.addi %while3A_28, %while3A_29 : i32
    %while3A_31 = arith.constant 1 : i32
    %while3A_32 = arith.divsi %while3A_29, %while3A_31 : i32
    %while3A_33 = arith.muli %while3A_32, %while3A_31 : i32
    %while3A_34 = arith.addi %while3A_28, %while3A_33 : i32
    %while3A_35 = arith.constant 1 : i32
    scf.for %while3A_59 = %while3A_28 to %while3A_34 step %while3A_35  : i32 {
      %mul3A_60 = arith.constant 2 : i32
      %mul3A_61 = arith.muli %mul3A_60, %while3A_59 : i32
      %add3A_62 = arith.addi %select_n3A, %mul3A_61 : i32
      %dma_wait3A_63 = arith.constant 0 : i32
      %dma_wait3A_64 = arith.constant 0 : i32
      %dma_wait3A_65 = arith.constant 0 : i32
      %dma_wait3A_66 = tpu.memref_slice %arg3[%dma_wait3A_63, %dma_wait3A_64, %dma_wait3A_65] : memref<704x8x128xi32, #tpu.memory_space<hbm>> -> memref<1x8x128xi32, #tpu.memory_space<hbm>>
      %dma_wait3A_67 = tpu.memref_squeeze %dma_wait3A_66 : memref<1x8x128xi32, #tpu.memory_space<hbm>> -> memref<8x128xi32, #tpu.memory_space<hbm>>
      %dma_wait3A_68 = arith.constant 0 : i32
      %dma_wait3A_69 = arith.constant 0 : i32
      %dma_wait3A_70 = tpu.memref_slice %arg3[%dma_wait3A_63, %dma_wait3A_68, %dma_wait3A_69] : memref<704x8x128xi32, #tpu.memory_space<hbm>> -> memref<1x8x128xi32, #tpu.memory_space<hbm>>
      %dma_wait3A_71 = tpu.memref_squeeze %dma_wait3A_70 : memref<1x8x128xi32, #tpu.memory_space<hbm>> -> memref<8x128xi32, #tpu.memory_space<hbm>>
      tpu.wait_dma2 semaphore(%arg11 : memref<!tpu.dma_semaphore, #tpu.memory_space<semaphore_mem>>) src(%dma_wait3A_71 : memref<8x128xi32, #tpu.memory_space<hbm>>) dst(%arg6 : memref<8x128xi32, #tpu.memory_space<vmem>>)
      %dma_start3A_72 = arith.constant 0 : i32
      %dma_start3A_73 = arith.constant 0 : i32
      %dma_start3A_74 = tpu.memref_slice %arg6[%dma_start3A_72, %dma_start3A_73] : memref<8x128xi32, #tpu.memory_space<vmem>> -> memref<1x128xi32, #tpu.memory_space<vmem>>
      %dma_start3A_75 = tpu.memref_squeeze %dma_start3A_74 : memref<1x128xi32, #tpu.memory_space<vmem>> -> memref<128xi32, #tpu.memory_space<vmem>>
      %dma_start3A_76 = arith.constant 0 : i32
      %dma_start3A_77 = arith.constant 0 : i32
      %dma_start3A_78 = tpu.memref_slice %arg2[%dma_start3A_76, %dma_start3A_77] : memref<10000x128xf32, #tpu.memory_space<hbm>> -> memref<10000x128xf32, #tpu.memory_space<hbm>>
      tpu.enqueue_indirect_dma source(%dma_start3A_78 : memref<10000x128xf32, #tpu.memory_space<hbm>>) target(%arg8 : memref<128x128xf32, #tpu.memory_space<vmem>>) offsets(%dma_start3A_75 : memref<128xi32, #tpu.memory_space<vmem>>) semaphore(%arg13 : memref<!tpu.dma_semaphore, #tpu.memory_space<semaphore_mem>>)
      %dma_start3A_79 = arith.constant 1 : i32
      %dma_start3A_80 = arith.constant 0 : i32
      %dma_start3A_81 = tpu.memref_slice %arg6[%dma_start3A_79, %dma_start3A_80] : memref<8x128xi32, #tpu.memory_space<vmem>> -> memref<1x128xi32, #tpu.memory_space<vmem>>
      %dma_start3A_82 = tpu.memref_squeeze %dma_start3A_81 : memref<1x128xi32, #tpu.memory_space<vmem>> -> memref<128xi32, #tpu.memory_space<vmem>>
      %dma_start3A_83 = arith.constant 0 : i32
      %dma_start3A_84 = arith.constant 0 : i32
      %dma_start3A_85 = tpu.memref_slice %arg2[%dma_start3A_83, %dma_start3A_84] : memref<10000x128xf32, #tpu.memory_space<hbm>> -> memref<10000x128xf32, #tpu.memory_space<hbm>>
      tpu.enqueue_indirect_dma source(%dma_start3A_85 : memref<10000x128xf32, #tpu.memory_space<hbm>>) target(%arg9 : memref<128x128xf32, #tpu.memory_space<vmem>>) offsets(%dma_start3A_82 : memref<128xi32, #tpu.memory_space<vmem>>) semaphore(%arg14 : memref<!tpu.dma_semaphore, #tpu.memory_space<semaphore_mem>>)
      %dma_wait3A_86 = arith.constant 0 : i32
      %dma_wait3A_87 = arith.constant 0 : i32
      %dma_wait3A_88 = tpu.memref_slice %arg6[%dma_wait3A_86, %dma_wait3A_87] : memref<8x128xi32, #tpu.memory_space<vmem>> -> memref<1x128xi32, #tpu.memory_space<vmem>>
      %dma_wait3A_89 = tpu.memref_squeeze %dma_wait3A_88 : memref<1x128xi32, #tpu.memory_space<vmem>> -> memref<128xi32, #tpu.memory_space<vmem>>
      %dma_wait3A_90 = arith.constant 0 : i32
      %dma_wait3A_91 = arith.constant 0 : i32
      %dma_wait3A_92 = tpu.memref_slice %arg2[%dma_wait3A_90, %dma_wait3A_91] : memref<10000x128xf32, #tpu.memory_space<hbm>> -> memref<10000x128xf32, #tpu.memory_space<hbm>>
      tpu.wait_indirect_dma semaphore(%arg13 : memref<!tpu.dma_semaphore, #tpu.memory_space<semaphore_mem>>) src(%dma_wait3A_92 : memref<10000x128xf32, #tpu.memory_space<hbm>>) dst(%arg8 : memref<128x128xf32, #tpu.memory_space<vmem>>)
      %run_scoped3A = arith.constant 4 : i32
      "tpu.region"() ({
        %run_scoped3A_220 = tpu.sem_alloc : memref<!tpu.dma_semaphore, #tpu.memory_space<semaphore_mem>>
        %dma_start3A_221 = arith.constant 0 : i32
        %dma_start3A_222 = tpu.memref_slice %arg6[%run_scoped3A, %dma_start3A_221] : memref<8x128xi32, #tpu.memory_space<vmem>> -> memref<1x128xi32, #tpu.memory_space<vmem>>
        %dma_start3A_223 = tpu.memref_squeeze %dma_start3A_222 : memref<1x128xi32, #tpu.memory_space<vmem>> -> memref<128xi32, #tpu.memory_space<vmem>>
        %dma_start3A_224 = arith.constant 0 : i32
        %dma_start3A_225 = arith.constant 0 : i32
        %dma_start3A_226 = tpu.memref_slice %arg10[%dma_start3A_224, %dma_start3A_225] : memref<10112x128xf32, #tpu.memory_space<vmem_shared>> -> memref<10112x128xf32, #tpu.memory_space<vmem_shared>>
        tpu.enqueue_indirect_dma source(%arg8 : memref<128x128xf32, #tpu.memory_space<vmem>>) target(%dma_start3A_226 : memref<10112x128xf32, #tpu.memory_space<vmem_shared>>) offsets(%dma_start3A_223 : memref<128xi32, #tpu.memory_space<vmem>>) semaphore(%run_scoped3A_220 : memref<!tpu.dma_semaphore, #tpu.memory_space<semaphore_mem>>) {add = true}
        %dma_wait3A_227 = arith.constant 0 : i32
        %dma_wait3A_228 = tpu.memref_slice %arg6[%run_scoped3A, %dma_wait3A_227] : memref<8x128xi32, #tpu.memory_space<vmem>> -> memref<1x128xi32, #tpu.memory_space<vmem>>
        %dma_wait3A_229 = tpu.memref_squeeze %dma_wait3A_228 : memref<1x128xi32, #tpu.memory_space<vmem>> -> memref<128xi32, #tpu.memory_space<vmem>>
        %dma_wait3A_230 = arith.constant 0 : i32
        %dma_wait3A_231 = arith.constant 0 : i32
        %dma_wait3A_232 = tpu.memref_slice %arg10[%dma_wait3A_230, %dma_wait3A_231] : memref<10112x128xf32, #tpu.memory_space<vmem_shared>> -> memref<10112x128xf32, #tpu.memory_space<vmem_shared>>
        tpu.wait_indirect_dma semaphore(%run_scoped3A_220 : memref<!tpu.dma_semaphore, #tpu.memory_space<semaphore_mem>>) src(%arg8 : memref<128x128xf32, #tpu.memory_space<vmem>>) dst(%dma_wait3A_232 : memref<10112x128xf32, #tpu.memory_space<vmem_shared>>)
        tpu.yield
      }) : () -> ()
      %dma_start3A_93 = arith.constant 2 : i32
      %dma_start3A_94 = arith.constant 0 : i32
      %dma_start3A_95 = tpu.memref_slice %arg6[%dma_start3A_93, %dma_start3A_94] : memref<8x128xi32, #tpu.memory_space<vmem>> -> memref<1x128xi32, #tpu.memory_space<vmem>>
      %dma_start3A_96 = tpu.memref_squeeze %dma_start3A_95 : memref<1x128xi32, #tpu.memory_space<vmem>> -> memref<128xi32, #tpu.memory_space<vmem>>
      %dma_start3A_97 = arith.constant 0 : i32
      %dma_start3A_98 = arith.constant 0 : i32
      %dma_start3A_99 = tpu.memref_slice %arg2[%dma_start3A_97, %dma_start3A_98] : memref<10000x128xf32, #tpu.memory_space<hbm>> -> memref<10000x128xf32, #tpu.memory_space<hbm>>
      tpu.enqueue_indirect_dma source(%dma_start3A_99 : memref<10000x128xf32, #tpu.memory_space<hbm>>) target(%arg8 : memref<128x128xf32, #tpu.memory_space<vmem>>) offsets(%dma_start3A_96 : memref<128xi32, #tpu.memory_space<vmem>>) semaphore(%arg13 : memref<!tpu.dma_semaphore, #tpu.memory_space<semaphore_mem>>)
      %dma_wait3A_100 = arith.constant 1 : i32
      %dma_wait3A_101 = arith.constant 0 : i32
      %dma_wait3A_102 = tpu.memref_slice %arg6[%dma_wait3A_100, %dma_wait3A_101] : memref<8x128xi32, #tpu.memory_space<vmem>> -> memref<1x128xi32, #tpu.memory_space<vmem>>
      %dma_wait3A_103 = tpu.memref_squeeze %dma_wait3A_102 : memref<1x128xi32, #tpu.memory_space<vmem>> -> memref<128xi32, #tpu.memory_space<vmem>>
      %dma_wait3A_104 = arith.constant 0 : i32
      %dma_wait3A_105 = arith.constant 0 : i32
      %dma_wait3A_106 = tpu.memref_slice %arg2[%dma_wait3A_104, %dma_wait3A_105] : memref<10000x128xf32, #tpu.memory_space<hbm>> -> memref<10000x128xf32, #tpu.memory_space<hbm>>
      tpu.wait_indirect_dma semaphore(%arg14 : memref<!tpu.dma_semaphore, #tpu.memory_space<semaphore_mem>>) src(%dma_wait3A_106 : memref<10000x128xf32, #tpu.memory_space<hbm>>) dst(%arg9 : memref<128x128xf32, #tpu.memory_space<vmem>>)
      %run_scoped3A_107 = arith.constant 5 : i32
      "tpu.region"() ({
        %run_scoped3A_220 = tpu.sem_alloc : memref<!tpu.dma_semaphore, #tpu.memory_space<semaphore_mem>>
        %dma_start3A_221 = arith.constant 0 : i32
        %dma_start3A_222 = tpu.memref_slice %arg6[%run_scoped3A_107, %dma_start3A_221] : memref<8x128xi32, #tpu.memory_space<vmem>> -> memref<1x128xi32, #tpu.memory_space<vmem>>
        %dma_start3A_223 = tpu.memref_squeeze %dma_start3A_222 : memref<1x128xi32, #tpu.memory_space<vmem>> -> memref<128xi32, #tpu.memory_space<vmem>>
        %dma_start3A_224 = arith.constant 0 : i32
        %dma_start3A_225 = arith.constant 0 : i32
        %dma_start3A_226 = tpu.memref_slice %arg10[%dma_start3A_224, %dma_start3A_225] : memref<10112x128xf32, #tpu.memory_space<vmem_shared>> -> memref<10112x128xf32, #tpu.memory_space<vmem_shared>>
        tpu.enqueue_indirect_dma source(%arg9 : memref<128x128xf32, #tpu.memory_space<vmem>>) target(%dma_start3A_226 : memref<10112x128xf32, #tpu.memory_space<vmem_shared>>) offsets(%dma_start3A_223 : memref<128xi32, #tpu.memory_space<vmem>>) semaphore(%run_scoped3A_220 : memref<!tpu.dma_semaphore, #tpu.memory_space<semaphore_mem>>) {add = true}
        %dma_wait3A_227 = arith.constant 0 : i32
        %dma_wait3A_228 = tpu.memref_slice %arg6[%run_scoped3A_107, %dma_wait3A_227] : memref<8x128xi32, #tpu.memory_space<vmem>> -> memref<1x128xi32, #tpu.memory_space<vmem>>
        %dma_wait3A_229 = tpu.memref_squeeze %dma_wait3A_228 : memref<1x128xi32, #tpu.memory_space<vmem>> -> memref<128xi32, #tpu.memory_space<vmem>>
        %dma_wait3A_230 = arith.constant 0 : i32
        %dma_wait3A_231 = arith.constant 0 : i32
        %dma_wait3A_232 = tpu.memref_slice %arg10[%dma_wait3A_230, %dma_wait3A_231] : memref<10112x128xf32, #tpu.memory_space<vmem_shared>> -> memref<10112x128xf32, #tpu.memory_space<vmem_shared>>
        tpu.wait_indirect_dma semaphore(%run_scoped3A_220 : memref<!tpu.dma_semaphore, #tpu.memory_space<semaphore_mem>>) src(%arg9 : memref<128x128xf32, #tpu.memory_space<vmem>>) dst(%dma_wait3A_232 : memref<10112x128xf32, #tpu.memory_space<vmem_shared>>)
        tpu.yield
      }) : () -> ()
      %dma_start3A_108 = arith.constant 3 : i32
      %dma_start3A_109 = arith.constant 0 : i32
      %dma_start3A_110 = tpu.memref_slice %arg6[%dma_start3A_108, %dma_start3A_109] : memref<8x128xi32, #tpu.memory_space<vmem>> -> memref<1x128xi32, #tpu.memory_space<vmem>>
      %dma_start3A_111 = tpu.memref_squeeze %dma_start3A_110 : memref<1x128xi32, #tpu.memory_space<vmem>> -> memref<128xi32, #tpu.memory_space<vmem>>
      %dma_start3A_112 = arith.constant 0 : i32
      %dma_start3A_113 = arith.constant 0 : i32
      %dma_start3A_114 = tpu.memref_slice %arg2[%dma_start3A_112, %dma_start3A_113] : memref<10000x128xf32, #tpu.memory_space<hbm>> -> memref<10000x128xf32, #tpu.memory_space<hbm>>
      tpu.enqueue_indirect_dma source(%dma_start3A_114 : memref<10000x128xf32, #tpu.memory_space<hbm>>) target(%arg9 : memref<128x128xf32, #tpu.memory_space<vmem>>) offsets(%dma_start3A_111 : memref<128xi32, #tpu.memory_space<vmem>>) semaphore(%arg14 : memref<!tpu.dma_semaphore, #tpu.memory_space<semaphore_mem>>)
      %dma_wait3A_115 = arith.constant 0 : i32
      %dma_wait3A_116 = arith.constant 0 : i32
      %dma_wait3A_117 = arith.constant 0 : i32
      %dma_wait3A_118 = tpu.memref_slice %arg3[%dma_wait3A_115, %dma_wait3A_116, %dma_wait3A_117] : memref<704x8x128xi32, #tpu.memory_space<hbm>> -> memref<1x8x128xi32, #tpu.memory_space<hbm>>
      %dma_wait3A_119 = tpu.memref_squeeze %dma_wait3A_118 : memref<1x8x128xi32, #tpu.memory_space<hbm>> -> memref<8x128xi32, #tpu.memory_space<hbm>>
      %dma_wait3A_120 = arith.constant 0 : i32
      %dma_wait3A_121 = arith.constant 0 : i32
      %dma_wait3A_122 = tpu.memref_slice %arg3[%dma_wait3A_115, %dma_wait3A_120, %dma_wait3A_121] : memref<704x8x128xi32, #tpu.memory_space<hbm>> -> memref<1x8x128xi32, #tpu.memory_space<hbm>>
      %dma_wait3A_123 = tpu.memref_squeeze %dma_wait3A_122 : memref<1x8x128xi32, #tpu.memory_space<hbm>> -> memref<8x128xi32, #tpu.memory_space<hbm>>
      tpu.wait_dma2 semaphore(%arg12 : memref<!tpu.dma_semaphore, #tpu.memory_space<semaphore_mem>>) src(%dma_wait3A_123 : memref<8x128xi32, #tpu.memory_space<hbm>>) dst(%arg7 : memref<8x128xi32, #tpu.memory_space<vmem>>)
      %dma_wait3A_124 = arith.constant 2 : i32
      %dma_wait3A_125 = arith.constant 0 : i32
      %dma_wait3A_126 = tpu.memref_slice %arg6[%dma_wait3A_124, %dma_wait3A_125] : memref<8x128xi32, #tpu.memory_space<vmem>> -> memref<1x128xi32, #tpu.memory_space<vmem>>
      %dma_wait3A_127 = tpu.memref_squeeze %dma_wait3A_126 : memref<1x128xi32, #tpu.memory_space<vmem>> -> memref<128xi32, #tpu.memory_space<vmem>>
      %dma_wait3A_128 = arith.constant 0 : i32
      %dma_wait3A_129 = arith.constant 0 : i32
      %dma_wait3A_130 = tpu.memref_slice %arg2[%dma_wait3A_128, %dma_wait3A_129] : memref<10000x128xf32, #tpu.memory_space<hbm>> -> memref<10000x128xf32, #tpu.memory_space<hbm>>
      tpu.wait_indirect_dma semaphore(%arg13 : memref<!tpu.dma_semaphore, #tpu.memory_space<semaphore_mem>>) src(%dma_wait3A_130 : memref<10000x128xf32, #tpu.memory_space<hbm>>) dst(%arg8 : memref<128x128xf32, #tpu.memory_space<vmem>>)
      %run_scoped3A_131 = arith.constant 6 : i32
      "tpu.region"() ({
        %run_scoped3A_220 = tpu.sem_alloc : memref<!tpu.dma_semaphore, #tpu.memory_space<semaphore_mem>>
        %dma_start3A_221 = arith.constant 0 : i32
        %dma_start3A_222 = tpu.memref_slice %arg6[%run_scoped3A_131, %dma_start3A_221] : memref<8x128xi32, #tpu.memory_space<vmem>> -> memref<1x128xi32, #tpu.memory_space<vmem>>
        %dma_start3A_223 = tpu.memref_squeeze %dma_start3A_222 : memref<1x128xi32, #tpu.memory_space<vmem>> -> memref<128xi32, #tpu.memory_space<vmem>>
        %dma_start3A_224 = arith.constant 0 : i32
        %dma_start3A_225 = arith.constant 0 : i32
        %dma_start3A_226 = tpu.memref_slice %arg10[%dma_start3A_224, %dma_start3A_225] : memref<10112x128xf32, #tpu.memory_space<vmem_shared>> -> memref<10112x128xf32, #tpu.memory_space<vmem_shared>>
        tpu.enqueue_indirect_dma source(%arg8 : memref<128x128xf32, #tpu.memory_space<vmem>>) target(%dma_start3A_226 : memref<10112x128xf32, #tpu.memory_space<vmem_shared>>) offsets(%dma_start3A_223 : memref<128xi32, #tpu.memory_space<vmem>>) semaphore(%run_scoped3A_220 : memref<!tpu.dma_semaphore, #tpu.memory_space<semaphore_mem>>) {add = true}
        %dma_wait3A_227 = arith.constant 0 : i32
        %dma_wait3A_228 = tpu.memref_slice %arg6[%run_scoped3A_131, %dma_wait3A_227] : memref<8x128xi32, #tpu.memory_space<vmem>> -> memref<1x128xi32, #tpu.memory_space<vmem>>
        %dma_wait3A_229 = tpu.memref_squeeze %dma_wait3A_228 : memref<1x128xi32, #tpu.memory_space<vmem>> -> memref<128xi32, #tpu.memory_space<vmem>>
        %dma_wait3A_230 = arith.constant 0 : i32
        %dma_wait3A_231 = arith.constant 0 : i32
        %dma_wait3A_232 = tpu.memref_slice %arg10[%dma_wait3A_230, %dma_wait3A_231] : memref<10112x128xf32, #tpu.memory_space<vmem_shared>> -> memref<10112x128xf32, #tpu.memory_space<vmem_shared>>
        tpu.wait_indirect_dma semaphore(%run_scoped3A_220 : memref<!tpu.dma_semaphore, #tpu.memory_space<semaphore_mem>>) src(%arg8 : memref<128x128xf32, #tpu.memory_space<vmem>>) dst(%dma_wait3A_232 : memref<10112x128xf32, #tpu.memory_space<vmem_shared>>)
        tpu.yield
      }) : () -> ()
      %dma_start3A_132 = arith.constant 0 : i32
      %dma_start3A_133 = arith.constant 0 : i32
      %dma_start3A_134 = tpu.memref_slice %arg7[%dma_start3A_132, %dma_start3A_133] : memref<8x128xi32, #tpu.memory_space<vmem>> -> memref<1x128xi32, #tpu.memory_space<vmem>>
      %dma_start3A_135 = tpu.memref_squeeze %dma_start3A_134 : memref<1x128xi32, #tpu.memory_space<vmem>> -> memref<128xi32, #tpu.memory_space<vmem>>
      %dma_start3A_136 = arith.constant 0 : i32
      %dma_start3A_137 = arith.constant 0 : i32
      %dma_start3A_138 = tpu.memref_slice %arg2[%dma_start3A_136, %dma_start3A_137] : memref<10000x128xf32, #tpu.memory_space<hbm>> -> memref<10000x128xf32, #tpu.memory_space<hbm>>
      tpu.enqueue_indirect_dma source(%dma_start3A_138 : memref<10000x128xf32, #tpu.memory_space<hbm>>) target(%arg8 : memref<128x128xf32, #tpu.memory_space<vmem>>) offsets(%dma_start3A_135 : memref<128xi32, #tpu.memory_space<vmem>>) semaphore(%arg13 : memref<!tpu.dma_semaphore, #tpu.memory_space<semaphore_mem>>)
      %dma_wait3A_139 = arith.constant 3 : i32
      %dma_wait3A_140 = arith.constant 0 : i32
      %dma_wait3A_141 = tpu.memref_slice %arg6[%dma_wait3A_139, %dma_wait3A_140] : memref<8x128xi32, #tpu.memory_space<vmem>> -> memref<1x128xi32, #tpu.memory_space<vmem>>
      %dma_wait3A_142 = tpu.memref_squeeze %dma_wait3A_141 : memref<1x128xi32, #tpu.memory_space<vmem>> -> memref<128xi32, #tpu.memory_space<vmem>>
      %dma_wait3A_143 = arith.constant 0 : i32
      %dma_wait3A_144 = arith.constant 0 : i32
      %dma_wait3A_145 = tpu.memref_slice %arg2[%dma_wait3A_143, %dma_wait3A_144] : memref<10000x128xf32, #tpu.memory_space<hbm>> -> memref<10000x128xf32, #tpu.memory_space<hbm>>
      tpu.wait_indirect_dma semaphore(%arg14 : memref<!tpu.dma_semaphore, #tpu.memory_space<semaphore_mem>>) src(%dma_wait3A_145 : memref<10000x128xf32, #tpu.memory_space<hbm>>) dst(%arg9 : memref<128x128xf32, #tpu.memory_space<vmem>>)
      %run_scoped3A_146 = arith.constant 7 : i32
      "tpu.region"() ({
        %run_scoped3A_220 = tpu.sem_alloc : memref<!tpu.dma_semaphore, #tpu.memory_space<semaphore_mem>>
        %dma_start3A_221 = arith.constant 0 : i32
        %dma_start3A_222 = tpu.memref_slice %arg6[%run_scoped3A_146, %dma_start3A_221] : memref<8x128xi32, #tpu.memory_space<vmem>> -> memref<1x128xi32, #tpu.memory_space<vmem>>
        %dma_start3A_223 = tpu.memref_squeeze %dma_start3A_222 : memref<1x128xi32, #tpu.memory_space<vmem>> -> memref<128xi32, #tpu.memory_space<vmem>>
        %dma_start3A_224 = arith.constant 0 : i32
        %dma_start3A_225 = arith.constant 0 : i32
        %dma_start3A_226 = tpu.memref_slice %arg10[%dma_start3A_224, %dma_start3A_225] : memref<10112x128xf32, #tpu.memory_space<vmem_shared>> -> memref<10112x128xf32, #tpu.memory_space<vmem_shared>>
        tpu.enqueue_indirect_dma source(%arg9 : memref<128x128xf32, #tpu.memory_space<vmem>>) target(%dma_start3A_226 : memref<10112x128xf32, #tpu.memory_space<vmem_shared>>) offsets(%dma_start3A_223 : memref<128xi32, #tpu.memory_space<vmem>>) semaphore(%run_scoped3A_220 : memref<!tpu.dma_semaphore, #tpu.memory_space<semaphore_mem>>) {add = true}
        %dma_wait3A_227 = arith.constant 0 : i32
        %dma_wait3A_228 = tpu.memref_slice %arg6[%run_scoped3A_146, %dma_wait3A_227] : memref<8x128xi32, #tpu.memory_space<vmem>> -> memref<1x128xi32, #tpu.memory_space<vmem>>
        %dma_wait3A_229 = tpu.memref_squeeze %dma_wait3A_228 : memref<1x128xi32, #tpu.memory_space<vmem>> -> memref<128xi32, #tpu.memory_space<vmem>>
        %dma_wait3A_230 = arith.constant 0 : i32
        %dma_wait3A_231 = arith.constant 0 : i32
        %dma_wait3A_232 = tpu.memref_slice %arg10[%dma_wait3A_230, %dma_wait3A_231] : memref<10112x128xf32, #tpu.memory_space<vmem_shared>> -> memref<10112x128xf32, #tpu.memory_space<vmem_shared>>
        tpu.wait_indirect_dma semaphore(%run_scoped3A_220 : memref<!tpu.dma_semaphore, #tpu.memory_space<semaphore_mem>>) src(%arg9 : memref<128x128xf32, #tpu.memory_space<vmem>>) dst(%dma_wait3A_232 : memref<10112x128xf32, #tpu.memory_space<vmem_shared>>)
        tpu.yield
      }) : () -> ()
      %dma_start3A_147 = arith.constant 1 : i32
      %dma_start3A_148 = arith.constant 0 : i32
      %dma_start3A_149 = tpu.memref_slice %arg7[%dma_start3A_147, %dma_start3A_148] : memref<8x128xi32, #tpu.memory_space<vmem>> -> memref<1x128xi32, #tpu.memory_space<vmem>>
      %dma_start3A_150 = tpu.memref_squeeze %dma_start3A_149 : memref<1x128xi32, #tpu.memory_space<vmem>> -> memref<128xi32, #tpu.memory_space<vmem>>
      %dma_start3A_151 = arith.constant 0 : i32
      %dma_start3A_152 = arith.constant 0 : i32
      %dma_start3A_153 = tpu.memref_slice %arg2[%dma_start3A_151, %dma_start3A_152] : memref<10000x128xf32, #tpu.memory_space<hbm>> -> memref<10000x128xf32, #tpu.memory_space<hbm>>
      tpu.enqueue_indirect_dma source(%dma_start3A_153 : memref<10000x128xf32, #tpu.memory_space<hbm>>) target(%arg9 : memref<128x128xf32, #tpu.memory_space<vmem>>) offsets(%dma_start3A_150 : memref<128xi32, #tpu.memory_space<vmem>>) semaphore(%arg14 : memref<!tpu.dma_semaphore, #tpu.memory_space<semaphore_mem>>)
      %add3A_154 = arith.constant 2 : i32
      %add3A_155 = arith.addi %add3A_62, %add3A_154 : i32
      %dma_start3A_156 = arith.constant 0 : i32
      %dma_start3A_157 = arith.constant 0 : i32
      %dma_start3A_158 = tpu.memref_slice %arg3[%add3A_155, %dma_start3A_156, %dma_start3A_157] : memref<704x8x128xi32, #tpu.memory_space<hbm>> -> memref<1x8x128xi32, #tpu.memory_space<hbm>>
      %dma_start3A_159 = tpu.memref_squeeze %dma_start3A_158 : memref<1x8x128xi32, #tpu.memory_space<hbm>> -> memref<8x128xi32, #tpu.memory_space<hbm>>
      %dma_start3A_160 = arith.constant 0 : i32
      %dma_start3A_161 = arith.constant 0 : i32
      %dma_start3A_162 = tpu.memref_slice %arg3[%add3A_155, %dma_start3A_160, %dma_start3A_161] : memref<704x8x128xi32, #tpu.memory_space<hbm>> -> memref<1x8x128xi32, #tpu.memory_space<hbm>>
      %dma_start3A_163 = tpu.memref_squeeze %dma_start3A_162 : memref<1x8x128xi32, #tpu.memory_space<hbm>> -> memref<8x128xi32, #tpu.memory_space<hbm>>
      tpu.enqueue_dma source(%dma_start3A_163 : memref<8x128xi32, #tpu.memory_space<hbm>>) target(%arg6 : memref<8x128xi32, #tpu.memory_space<vmem>>) target_semaphore(%arg11 : memref<!tpu.dma_semaphore, #tpu.memory_space<semaphore_mem>>)
      %dma_wait3A_164 = arith.constant 0 : i32
      %dma_wait3A_165 = arith.constant 0 : i32
      %dma_wait3A_166 = tpu.memref_slice %arg7[%dma_wait3A_164, %dma_wait3A_165] : memref<8x128xi32, #tpu.memory_space<vmem>> -> memref<1x128xi32, #tpu.memory_space<vmem>>
      %dma_wait3A_167 = tpu.memref_squeeze %dma_wait3A_166 : memref<1x128xi32, #tpu.memory_space<vmem>> -> memref<128xi32, #tpu.memory_space<vmem>>
      %dma_wait3A_168 = arith.constant 0 : i32
      %dma_wait3A_169 = arith.constant 0 : i32
      %dma_wait3A_170 = tpu.memref_slice %arg2[%dma_wait3A_168, %dma_wait3A_169] : memref<10000x128xf32, #tpu.memory_space<hbm>> -> memref<10000x128xf32, #tpu.memory_space<hbm>>
      tpu.wait_indirect_dma semaphore(%arg13 : memref<!tpu.dma_semaphore, #tpu.memory_space<semaphore_mem>>) src(%dma_wait3A_170 : memref<10000x128xf32, #tpu.memory_space<hbm>>) dst(%arg8 : memref<128x128xf32, #tpu.memory_space<vmem>>)
      %run_scoped3A_171 = arith.constant 4 : i32
      "tpu.region"() ({
        %run_scoped3A_220 = tpu.sem_alloc : memref<!tpu.dma_semaphore, #tpu.memory_space<semaphore_mem>>
        %dma_start3A_221 = arith.constant 0 : i32
        %dma_start3A_222 = tpu.memref_slice %arg7[%run_scoped3A_171, %dma_start3A_221] : memref<8x128xi32, #tpu.memory_space<vmem>> -> memref<1x128xi32, #tpu.memory_space<vmem>>
        %dma_start3A_223 = tpu.memref_squeeze %dma_start3A_222 : memref<1x128xi32, #tpu.memory_space<vmem>> -> memref<128xi32, #tpu.memory_space<vmem>>
        %dma_start3A_224 = arith.constant 0 : i32
        %dma_start3A_225 = arith.constant 0 : i32
        %dma_start3A_226 = tpu.memref_slice %arg10[%dma_start3A_224, %dma_start3A_225] : memref<10112x128xf32, #tpu.memory_space<vmem_shared>> -> memref<10112x128xf32, #tpu.memory_space<vmem_shared>>
        tpu.enqueue_indirect_dma source(%arg8 : memref<128x128xf32, #tpu.memory_space<vmem>>) target(%dma_start3A_226 : memref<10112x128xf32, #tpu.memory_space<vmem_shared>>) offsets(%dma_start3A_223 : memref<128xi32, #tpu.memory_space<vmem>>) semaphore(%run_scoped3A_220 : memref<!tpu.dma_semaphore, #tpu.memory_space<semaphore_mem>>) {add = true}
        %dma_wait3A_227 = arith.constant 0 : i32
        %dma_wait3A_228 = tpu.memref_slice %arg7[%run_scoped3A_171, %dma_wait3A_227] : memref<8x128xi32, #tpu.memory_space<vmem>> -> memref<1x128xi32, #tpu.memory_space<vmem>>
        %dma_wait3A_229 = tpu.memref_squeeze %dma_wait3A_228 : memref<1x128xi32, #tpu.memory_space<vmem>> -> memref<128xi32, #tpu.memory_space<vmem>>
        %dma_wait3A_230 = arith.constant 0 : i32
        %dma_wait3A_231 = arith.constant 0 : i32
        %dma_wait3A_232 = tpu.memref_slice %arg10[%dma_wait3A_230, %dma_wait3A_231] : memref<10112x128xf32, #tpu.memory_space<vmem_shared>> -> memref<10112x128xf32, #tpu.memory_space<vmem_shared>>
        tpu.wait_indirect_dma semaphore(%run_scoped3A_220 : memref<!tpu.dma_semaphore, #tpu.memory_space<semaphore_mem>>) src(%arg8 : memref<128x128xf32, #tpu.memory_space<vmem>>) dst(%dma_wait3A_232 : memref<10112x128xf32, #tpu.memory_space<vmem_shared>>)
        tpu.yield
      }) : () -> ()
      %dma_start3A_172 = arith.constant 2 : i32
      %dma_start3A_173 = arith.constant 0 : i32
      %dma_start3A_174 = tpu.memref_slice %arg7[%dma_start3A_172, %dma_start3A_173] : memref<8x128xi32, #tpu.memory_space<vmem>> -> memref<1x128xi32, #tpu.memory_space<vmem>>
      %dma_start3A_175 = tpu.memref_squeeze %dma_start3A_174 : memref<1x128xi32, #tpu.memory_space<vmem>> -> memref<128xi32, #tpu.memory_space<vmem>>
      %dma_start3A_176 = arith.constant 0 : i32
      %dma_start3A_177 = arith.constant 0 : i32
      %dma_start3A_178 = tpu.memref_slice %arg2[%dma_start3A_176, %dma_start3A_177] : memref<10000x128xf32, #tpu.memory_space<hbm>> -> memref<10000x128xf32, #tpu.memory_space<hbm>>
      tpu.enqueue_indirect_dma source(%dma_start3A_178 : memref<10000x128xf32, #tpu.memory_space<hbm>>) target(%arg8 : memref<128x128xf32, #tpu.memory_space<vmem>>) offsets(%dma_start3A_175 : memref<128xi32, #tpu.memory_space<vmem>>) semaphore(%arg13 : memref<!tpu.dma_semaphore, #tpu.memory_space<semaphore_mem>>)
      %dma_wait3A_179 = arith.constant 1 : i32
      %dma_wait3A_180 = arith.constant 0 : i32
      %dma_wait3A_181 = tpu.memref_slice %arg7[%dma_wait3A_179, %dma_wait3A_180] : memref<8x128xi32, #tpu.memory_space<vmem>> -> memref<1x128xi32, #tpu.memory_space<vmem>>
      %dma_wait3A_182 = tpu.memref_squeeze %dma_wait3A_181 : memref<1x128xi32, #tpu.memory_space<vmem>> -> memref<128xi32, #tpu.memory_space<vmem>>
      %dma_wait3A_183 = arith.constant 0 : i32
      %dma_wait3A_184 = arith.constant 0 : i32
      %dma_wait3A_185 = tpu.memref_slice %arg2[%dma_wait3A_183, %dma_wait3A_184] : memref<10000x128xf32, #tpu.memory_space<hbm>> -> memref<10000x128xf32, #tpu.memory_space<hbm>>
      tpu.wait_indirect_dma semaphore(%arg14 : memref<!tpu.dma_semaphore, #tpu.memory_space<semaphore_mem>>) src(%dma_wait3A_185 : memref<10000x128xf32, #tpu.memory_space<hbm>>) dst(%arg9 : memref<128x128xf32, #tpu.memory_space<vmem>>)
      %run_scoped3A_186 = arith.constant 5 : i32
      "tpu.region"() ({
        %run_scoped3A_220 = tpu.sem_alloc : memref<!tpu.dma_semaphore, #tpu.memory_space<semaphore_mem>>
        %dma_start3A_221 = arith.constant 0 : i32
        %dma_start3A_222 = tpu.memref_slice %arg7[%run_scoped3A_186, %dma_start3A_221] : memref<8x128xi32, #tpu.memory_space<vmem>> -> memref<1x128xi32, #tpu.memory_space<vmem>>
        %dma_start3A_223 = tpu.memref_squeeze %dma_start3A_222 : memref<1x128xi32, #tpu.memory_space<vmem>> -> memref<128xi32, #tpu.memory_space<vmem>>
        %dma_start3A_224 = arith.constant 0 : i32
        %dma_start3A_225 = arith.constant 0 : i32
        %dma_start3A_226 = tpu.memref_slice %arg10[%dma_start3A_224, %dma_start3A_225] : memref<10112x128xf32, #tpu.memory_space<vmem_shared>> -> memref<10112x128xf32, #tpu.memory_space<vmem_shared>>
        tpu.enqueue_indirect_dma source(%arg9 : memref<128x128xf32, #tpu.memory_space<vmem>>) target(%dma_start3A_226 : memref<10112x128xf32, #tpu.memory_space<vmem_shared>>) offsets(%dma_start3A_223 : memref<128xi32, #tpu.memory_space<vmem>>) semaphore(%run_scoped3A_220 : memref<!tpu.dma_semaphore, #tpu.memory_space<semaphore_mem>>) {add = true}
        %dma_wait3A_227 = arith.constant 0 : i32
        %dma_wait3A_228 = tpu.memref_slice %arg7[%run_scoped3A_186, %dma_wait3A_227] : memref<8x128xi32, #tpu.memory_space<vmem>> -> memref<1x128xi32, #tpu.memory_space<vmem>>
        %dma_wait3A_229 = tpu.memref_squeeze %dma_wait3A_228 : memref<1x128xi32, #tpu.memory_space<vmem>> -> memref<128xi32, #tpu.memory_space<vmem>>
        %dma_wait3A_230 = arith.constant 0 : i32
        %dma_wait3A_231 = arith.constant 0 : i32
        %dma_wait3A_232 = tpu.memref_slice %arg10[%dma_wait3A_230, %dma_wait3A_231] : memref<10112x128xf32, #tpu.memory_space<vmem_shared>> -> memref<10112x128xf32, #tpu.memory_space<vmem_shared>>
        tpu.wait_indirect_dma semaphore(%run_scoped3A_220 : memref<!tpu.dma_semaphore, #tpu.memory_space<semaphore_mem>>) src(%arg9 : memref<128x128xf32, #tpu.memory_space<vmem>>) dst(%dma_wait3A_232 : memref<10112x128xf32, #tpu.memory_space<vmem_shared>>)
        tpu.yield
      }) : () -> ()
      %dma_start3A_187 = arith.constant 3 : i32
      %dma_start3A_188 = arith.constant 0 : i32
      %dma_start3A_189 = tpu.memref_slice %arg7[%dma_start3A_187, %dma_start3A_188] : memref<8x128xi32, #tpu.memory_space<vmem>> -> memref<1x128xi32, #tpu.memory_space<vmem>>
      %dma_start3A_190 = tpu.memref_squeeze %dma_start3A_189 : memref<1x128xi32, #tpu.memory_space<vmem>> -> memref<128xi32, #tpu.memory_space<vmem>>
      %dma_start3A_191 = arith.constant 0 : i32
      %dma_start3A_192 = arith.constant 0 : i32
      %dma_start3A_193 = tpu.memref_slice %arg2[%dma_start3A_191, %dma_start3A_192] : memref<10000x128xf32, #tpu.memory_space<hbm>> -> memref<10000x128xf32, #tpu.memory_space<hbm>>
      tpu.enqueue_indirect_dma source(%dma_start3A_193 : memref<10000x128xf32, #tpu.memory_space<hbm>>) target(%arg9 : memref<128x128xf32, #tpu.memory_space<vmem>>) offsets(%dma_start3A_190 : memref<128xi32, #tpu.memory_space<vmem>>) semaphore(%arg14 : memref<!tpu.dma_semaphore, #tpu.memory_space<semaphore_mem>>)
      %dma_wait3A_194 = arith.constant 2 : i32
      %dma_wait3A_195 = arith.constant 0 : i32
      %dma_wait3A_196 = tpu.memref_slice %arg7[%dma_wait3A_194, %dma_wait3A_195] : memref<8x128xi32, #tpu.memory_space<vmem>> -> memref<1x128xi32, #tpu.memory_space<vmem>>
      %dma_wait3A_197 = tpu.memref_squeeze %dma_wait3A_196 : memref<1x128xi32, #tpu.memory_space<vmem>> -> memref<128xi32, #tpu.memory_space<vmem>>
      %dma_wait3A_198 = arith.constant 0 : i32
      %dma_wait3A_199 = arith.constant 0 : i32
      %dma_wait3A_200 = tpu.memref_slice %arg2[%dma_wait3A_198, %dma_wait3A_199] : memref<10000x128xf32, #tpu.memory_space<hbm>> -> memref<10000x128xf32, #tpu.memory_space<hbm>>
      tpu.wait_indirect_dma semaphore(%arg13 : memref<!tpu.dma_semaphore, #tpu.memory_space<semaphore_mem>>) src(%dma_wait3A_200 : memref<10000x128xf32, #tpu.memory_space<hbm>>) dst(%arg8 : memref<128x128xf32, #tpu.memory_space<vmem>>)
      %run_scoped3A_201 = arith.constant 6 : i32
      "tpu.region"() ({
        %run_scoped3A_220 = tpu.sem_alloc : memref<!tpu.dma_semaphore, #tpu.memory_space<semaphore_mem>>
        %dma_start3A_221 = arith.constant 0 : i32
        %dma_start3A_222 = tpu.memref_slice %arg7[%run_scoped3A_201, %dma_start3A_221] : memref<8x128xi32, #tpu.memory_space<vmem>> -> memref<1x128xi32, #tpu.memory_space<vmem>>
        %dma_start3A_223 = tpu.memref_squeeze %dma_start3A_222 : memref<1x128xi32, #tpu.memory_space<vmem>> -> memref<128xi32, #tpu.memory_space<vmem>>
        %dma_start3A_224 = arith.constant 0 : i32
        %dma_start3A_225 = arith.constant 0 : i32
        %dma_start3A_226 = tpu.memref_slice %arg10[%dma_start3A_224, %dma_start3A_225] : memref<10112x128xf32, #tpu.memory_space<vmem_shared>> -> memref<10112x128xf32, #tpu.memory_space<vmem_shared>>
        tpu.enqueue_indirect_dma source(%arg8 : memref<128x128xf32, #tpu.memory_space<vmem>>) target(%dma_start3A_226 : memref<10112x128xf32, #tpu.memory_space<vmem_shared>>) offsets(%dma_start3A_223 : memref<128xi32, #tpu.memory_space<vmem>>) semaphore(%run_scoped3A_220 : memref<!tpu.dma_semaphore, #tpu.memory_space<semaphore_mem>>) {add = true}
        %dma_wait3A_227 = arith.constant 0 : i32
        %dma_wait3A_228 = tpu.memref_slice %arg7[%run_scoped3A_201, %dma_wait3A_227] : memref<8x128xi32, #tpu.memory_space<vmem>> -> memref<1x128xi32, #tpu.memory_space<vmem>>
        %dma_wait3A_229 = tpu.memref_squeeze %dma_wait3A_228 : memref<1x128xi32, #tpu.memory_space<vmem>> -> memref<128xi32, #tpu.memory_space<vmem>>
        %dma_wait3A_230 = arith.constant 0 : i32
        %dma_wait3A_231 = arith.constant 0 : i32
        %dma_wait3A_232 = tpu.memref_slice %arg10[%dma_wait3A_230, %dma_wait3A_231] : memref<10112x128xf32, #tpu.memory_space<vmem_shared>> -> memref<10112x128xf32, #tpu.memory_space<vmem_shared>>
        tpu.wait_indirect_dma semaphore(%run_scoped3A_220 : memref<!tpu.dma_semaphore, #tpu.memory_space<semaphore_mem>>) src(%arg8 : memref<128x128xf32, #tpu.memory_space<vmem>>) dst(%dma_wait3A_232 : memref<10112x128xf32, #tpu.memory_space<vmem_shared>>)
        tpu.yield
      }) : () -> ()
      %dma_wait3A_202 = arith.constant 3 : i32
      %dma_wait3A_203 = arith.constant 0 : i32
      %dma_wait3A_204 = tpu.memref_slice %arg7[%dma_wait3A_202, %dma_wait3A_203] : memref<8x128xi32, #tpu.memory_space<vmem>> -> memref<1x128xi32, #tpu.memory_space<vmem>>
      %dma_wait3A_205 = tpu.memref_squeeze %dma_wait3A_204 : memref<1x128xi32, #tpu.memory_space<vmem>> -> memref<128xi32, #tpu.memory_space<vmem>>
      %dma_wait3A_206 = arith.constant 0 : i32
      %dma_wait3A_207 = arith.constant 0 : i32
      %dma_wait3A_208 = tpu.memref_slice %arg2[%dma_wait3A_206, %dma_wait3A_207] : memref<10000x128xf32, #tpu.memory_space<hbm>> -> memref<10000x128xf32, #tpu.memory_space<hbm>>
      tpu.wait_indirect_dma semaphore(%arg14 : memref<!tpu.dma_semaphore, #tpu.memory_space<semaphore_mem>>) src(%dma_wait3A_208 : memref<10000x128xf32, #tpu.memory_space<hbm>>) dst(%arg9 : memref<128x128xf32, #tpu.memory_space<vmem>>)
      %run_scoped3A_209 = arith.constant 7 : i32
      "tpu.region"() ({
        %run_scoped3A_220 = tpu.sem_alloc : memref<!tpu.dma_semaphore, #tpu.memory_space<semaphore_mem>>
        %dma_start3A_221 = arith.constant 0 : i32
        %dma_start3A_222 = tpu.memref_slice %arg7[%run_scoped3A_209, %dma_start3A_221] : memref<8x128xi32, #tpu.memory_space<vmem>> -> memref<1x128xi32, #tpu.memory_space<vmem>>
        %dma_start3A_223 = tpu.memref_squeeze %dma_start3A_222 : memref<1x128xi32, #tpu.memory_space<vmem>> -> memref<128xi32, #tpu.memory_space<vmem>>
        %dma_start3A_224 = arith.constant 0 : i32
        %dma_start3A_225 = arith.constant 0 : i32
        %dma_start3A_226 = tpu.memref_slice %arg10[%dma_start3A_224, %dma_start3A_225] : memref<10112x128xf32, #tpu.memory_space<vmem_shared>> -> memref<10112x128xf32, #tpu.memory_space<vmem_shared>>
        tpu.enqueue_indirect_dma source(%arg9 : memref<128x128xf32, #tpu.memory_space<vmem>>) target(%dma_start3A_226 : memref<10112x128xf32, #tpu.memory_space<vmem_shared>>) offsets(%dma_start3A_223 : memref<128xi32, #tpu.memory_space<vmem>>) semaphore(%run_scoped3A_220 : memref<!tpu.dma_semaphore, #tpu.memory_space<semaphore_mem>>) {add = true}
        %dma_wait3A_227 = arith.constant 0 : i32
        %dma_wait3A_228 = tpu.memref_slice %arg7[%run_scoped3A_209, %dma_wait3A_227] : memref<8x128xi32, #tpu.memory_space<vmem>> -> memref<1x128xi32, #tpu.memory_space<vmem>>
        %dma_wait3A_229 = tpu.memref_squeeze %dma_wait3A_228 : memref<1x128xi32, #tpu.memory_space<vmem>> -> memref<128xi32, #tpu.memory_space<vmem>>
        %dma_wait3A_230 = arith.constant 0 : i32
        %dma_wait3A_231 = arith.constant 0 : i32
        %dma_wait3A_232 = tpu.memref_slice %arg10[%dma_wait3A_230, %dma_wait3A_231] : memref<10112x128xf32, #tpu.memory_space<vmem_shared>> -> memref<10112x128xf32, #tpu.memory_space<vmem_shared>>
        tpu.wait_indirect_dma semaphore(%run_scoped3A_220 : memref<!tpu.dma_semaphore, #tpu.memory_space<semaphore_mem>>) src(%arg9 : memref<128x128xf32, #tpu.memory_space<vmem>>) dst(%dma_wait3A_232 : memref<10112x128xf32, #tpu.memory_space<vmem_shared>>)
        tpu.yield
      }) : () -> ()
      %add3A_210 = arith.constant 3 : i32
      %add3A_211 = arith.addi %add3A_62, %add3A_210 : i32
      %dma_start3A_212 = arith.constant 0 : i32
      %dma_start3A_213 = arith.constant 0 : i32
      %dma_start3A_214 = tpu.memref_slice %arg3[%add3A_211, %dma_start3A_212, %dma_start3A_213] : memref<704x8x128xi32, #tpu.memory_space<hbm>> -> memref<1x8x128xi32, #tpu.memory_space<hbm>>
      %dma_start3A_215 = tpu.memref_squeeze %dma_start3A_214 : memref<1x8x128xi32, #tpu.memory_space<hbm>> -> memref<8x128xi32, #tpu.memory_space<hbm>>
      %dma_start3A_216 = arith.constant 0 : i32
      %dma_start3A_217 = arith.constant 0 : i32
      %dma_start3A_218 = tpu.memref_slice %arg3[%add3A_211, %dma_start3A_216, %dma_start3A_217] : memref<704x8x128xi32, #tpu.memory_space<hbm>> -> memref<1x8x128xi32, #tpu.memory_space<hbm>>
      %dma_start3A_219 = tpu.memref_squeeze %dma_start3A_218 : memref<1x8x128xi32, #tpu.memory_space<hbm>> -> memref<8x128xi32, #tpu.memory_space<hbm>>
      tpu.enqueue_dma source(%dma_start3A_219 : memref<8x128xi32, #tpu.memory_space<hbm>>) target(%arg7 : memref<8x128xi32, #tpu.memory_space<vmem>>) target_semaphore(%arg12 : memref<!tpu.dma_semaphore, #tpu.memory_space<semaphore_mem>>)
    }
    %while3A_36 = arith.constant 1 : i32
    scf.for %while3A_59 = %while3A_34 to %while3A_30 step %while3A_36  : i32 {
      %mul3A_60 = arith.constant 2 : i32
      %mul3A_61 = arith.muli %mul3A_60, %while3A_59 : i32
      %add3A_62 = arith.addi %select_n3A, %mul3A_61 : i32
      %dma_wait3A_63 = arith.constant 0 : i32
      %dma_wait3A_64 = arith.constant 0 : i32
      %dma_wait3A_65 = arith.constant 0 : i32
      %dma_wait3A_66 = tpu.memref_slice %arg3[%dma_wait3A_63, %dma_wait3A_64, %dma_wait3A_65] : memref<704x8x128xi32, #tpu.memory_space<hbm>> -> memref<1x8x128xi32, #tpu.memory_space<hbm>>
      %dma_wait3A_67 = tpu.memref_squeeze %dma_wait3A_66 : memref<1x8x128xi32, #tpu.memory_space<hbm>> -> memref<8x128xi32, #tpu.memory_space<hbm>>
      %dma_wait3A_68 = arith.constant 0 : i32
      %dma_wait3A_69 = arith.constant 0 : i32
      %dma_wait3A_70 = tpu.memref_slice %arg3[%dma_wait3A_63, %dma_wait3A_68, %dma_wait3A_69] : memref<704x8x128xi32, #tpu.memory_space<hbm>> -> memref<1x8x128xi32, #tpu.memory_space<hbm>>
      %dma_wait3A_71 = tpu.memref_squeeze %dma_wait3A_70 : memref<1x8x128xi32, #tpu.memory_space<hbm>> -> memref<8x128xi32, #tpu.memory_space<hbm>>
      tpu.wait_dma2 semaphore(%arg11 : memref<!tpu.dma_semaphore, #tpu.memory_space<semaphore_mem>>) src(%dma_wait3A_71 : memref<8x128xi32, #tpu.memory_space<hbm>>) dst(%arg6 : memref<8x128xi32, #tpu.memory_space<vmem>>)
      %dma_start3A_72 = arith.constant 0 : i32
      %dma_start3A_73 = arith.constant 0 : i32
      %dma_start3A_74 = tpu.memref_slice %arg6[%dma_start3A_72, %dma_start3A_73] : memref<8x128xi32, #tpu.memory_space<vmem>> -> memref<1x128xi32, #tpu.memory_space<vmem>>
      %dma_start3A_75 = tpu.memref_squeeze %dma_start3A_74 : memref<1x128xi32, #tpu.memory_space<vmem>> -> memref<128xi32, #tpu.memory_space<vmem>>
      %dma_start3A_76 = arith.constant 0 : i32
      %dma_start3A_77 = arith.constant 0 : i32
      %dma_start3A_78 = tpu.memref_slice %arg2[%dma_start3A_76, %dma_start3A_77] : memref<10000x128xf32, #tpu.memory_space<hbm>> -> memref<10000x128xf32, #tpu.memory_space<hbm>>
      tpu.enqueue_indirect_dma source(%dma_start3A_78 : memref<10000x128xf32, #tpu.memory_space<hbm>>) target(%arg8 : memref<128x128xf32, #tpu.memory_space<vmem>>) offsets(%dma_start3A_75 : memref<128xi32, #tpu.memory_space<vmem>>) semaphore(%arg13 : memref<!tpu.dma_semaphore, #tpu.memory_space<semaphore_mem>>)
      %dma_start3A_79 = arith.constant 1 : i32
      %dma_start3A_80 = arith.constant 0 : i32
      %dma_start3A_81 = tpu.memref_slice %arg6[%dma_start3A_79, %dma_start3A_80] : memref<8x128xi32, #tpu.memory_space<vmem>> -> memref<1x128xi32, #tpu.memory_space<vmem>>
      %dma_start3A_82 = tpu.memref_squeeze %dma_start3A_81 : memref<1x128xi32, #tpu.memory_space<vmem>> -> memref<128xi32, #tpu.memory_space<vmem>>
      %dma_start3A_83 = arith.constant 0 : i32
      %dma_start3A_84 = arith.constant 0 : i32
      %dma_start3A_85 = tpu.memref_slice %arg2[%dma_start3A_83, %dma_start3A_84] : memref<10000x128xf32, #tpu.memory_space<hbm>> -> memref<10000x128xf32, #tpu.memory_space<hbm>>
      tpu.enqueue_indirect_dma source(%dma_start3A_85 : memref<10000x128xf32, #tpu.memory_space<hbm>>) target(%arg9 : memref<128x128xf32, #tpu.memory_space<vmem>>) offsets(%dma_start3A_82 : memref<128xi32, #tpu.memory_space<vmem>>) semaphore(%arg14 : memref<!tpu.dma_semaphore, #tpu.memory_space<semaphore_mem>>)
      %dma_wait3A_86 = arith.constant 0 : i32
      %dma_wait3A_87 = arith.constant 0 : i32
      %dma_wait3A_88 = tpu.memref_slice %arg6[%dma_wait3A_86, %dma_wait3A_87] : memref<8x128xi32, #tpu.memory_space<vmem>> -> memref<1x128xi32, #tpu.memory_space<vmem>>
      %dma_wait3A_89 = tpu.memref_squeeze %dma_wait3A_88 : memref<1x128xi32, #tpu.memory_space<vmem>> -> memref<128xi32, #tpu.memory_space<vmem>>
      %dma_wait3A_90 = arith.constant 0 : i32
      %dma_wait3A_91 = arith.constant 0 : i32
      %dma_wait3A_92 = tpu.memref_slice %arg2[%dma_wait3A_90, %dma_wait3A_91] : memref<10000x128xf32, #tpu.memory_space<hbm>> -> memref<10000x128xf32, #tpu.memory_space<hbm>>
      tpu.wait_indirect_dma semaphore(%arg13 : memref<!tpu.dma_semaphore, #tpu.memory_space<semaphore_mem>>) src(%dma_wait3A_92 : memref<10000x128xf32, #tpu.memory_space<hbm>>) dst(%arg8 : memref<128x128xf32, #tpu.memory_space<vmem>>)
      %run_scoped3A = arith.constant 4 : i32
      "tpu.region"() ({
        %run_scoped3A_220 = tpu.sem_alloc : memref<!tpu.dma_semaphore, #tpu.memory_space<semaphore_mem>>
        %dma_start3A_221 = arith.constant 0 : i32
        %dma_start3A_222 = tpu.memref_slice %arg6[%run_scoped3A, %dma_start3A_221] : memref<8x128xi32, #tpu.memory_space<vmem>> -> memref<1x128xi32, #tpu.memory_space<vmem>>
        %dma_start3A_223 = tpu.memref_squeeze %dma_start3A_222 : memref<1x128xi32, #tpu.memory_space<vmem>> -> memref<128xi32, #tpu.memory_space<vmem>>
        %dma_start3A_224 = arith.constant 0 : i32
        %dma_start3A_225 = arith.constant 0 : i32
        %dma_start3A_226 = tpu.memref_slice %arg10[%dma_start3A_224, %dma_start3A_225] : memref<10112x128xf32, #tpu.memory_space<vmem_shared>> -> memref<10112x128xf32, #tpu.memory_space<vmem_shared>>
        tpu.enqueue_indirect_dma source(%arg8 : memref<128x128xf32, #tpu.memory_space<vmem>>) target(%dma_start3A_226 : memref<10112x128xf32, #tpu.memory_space<vmem_shared>>) offsets(%dma_start3A_223 : memref<128xi32, #tpu.memory_space<vmem>>) semaphore(%run_scoped3A_220 : memref<!tpu.dma_semaphore, #tpu.memory_space<semaphore_mem>>) {add = true}
        %dma_wait3A_227 = arith.constant 0 : i32
        %dma_wait3A_228 = tpu.memref_slice %arg6[%run_scoped3A, %dma_wait3A_227] : memref<8x128xi32, #tpu.memory_space<vmem>> -> memref<1x128xi32, #tpu.memory_space<vmem>>
        %dma_wait3A_229 = tpu.memref_squeeze %dma_wait3A_228 : memref<1x128xi32, #tpu.memory_space<vmem>> -> memref<128xi32, #tpu.memory_space<vmem>>
        %dma_wait3A_230 = arith.constant 0 : i32
        %dma_wait3A_231 = arith.constant 0 : i32
        %dma_wait3A_232 = tpu.memref_slice %arg10[%dma_wait3A_230, %dma_wait3A_231] : memref<10112x128xf32, #tpu.memory_space<vmem_shared>> -> memref<10112x128xf32, #tpu.memory_space<vmem_shared>>
        tpu.wait_indirect_dma semaphore(%run_scoped3A_220 : memref<!tpu.dma_semaphore, #tpu.memory_space<semaphore_mem>>) src(%arg8 : memref<128x128xf32, #tpu.memory_space<vmem>>) dst(%dma_wait3A_232 : memref<10112x128xf32, #tpu.memory_space<vmem_shared>>)
        tpu.yield
      }) : () -> ()
      %dma_start3A_93 = arith.constant 2 : i32
      %dma_start3A_94 = arith.constant 0 : i32
      %dma_start3A_95 = tpu.memref_slice %arg6[%dma_start3A_93, %dma_start3A_94] : memref<8x128xi32, #tpu.memory_space<vmem>> -> memref<1x128xi32, #tpu.memory_space<vmem>>
      %dma_start3A_96 = tpu.memref_squeeze %dma_start3A_95 : memref<1x128xi32, #tpu.memory_space<vmem>> -> memref<128xi32, #tpu.memory_space<vmem>>
      %dma_start3A_97 = arith.constant 0 : i32
      %dma_start3A_98 = arith.constant 0 : i32
      %dma_start3A_99 = tpu.memref_slice %arg2[%dma_start3A_97, %dma_start3A_98] : memref<10000x128xf32, #tpu.memory_space<hbm>> -> memref<10000x128xf32, #tpu.memory_space<hbm>>
      tpu.enqueue_indirect_dma source(%dma_start3A_99 : memref<10000x128xf32, #tpu.memory_space<hbm>>) target(%arg8 : memref<128x128xf32, #tpu.memory_space<vmem>>) offsets(%dma_start3A_96 : memref<128xi32, #tpu.memory_space<vmem>>) semaphore(%arg13 : memref<!tpu.dma_semaphore, #tpu.memory_space<semaphore_mem>>)
      %dma_wait3A_100 = arith.constant 1 : i32
      %dma_wait3A_101 = arith.constant 0 : i32
      %dma_wait3A_102 = tpu.memref_slice %arg6[%dma_wait3A_100, %dma_wait3A_101] : memref<8x128xi32, #tpu.memory_space<vmem>> -> memref<1x128xi32, #tpu.memory_space<vmem>>
      %dma_wait3A_103 = tpu.memref_squeeze %dma_wait3A_102 : memref<1x128xi32, #tpu.memory_space<vmem>> -> memref<128xi32, #tpu.memory_space<vmem>>
      %dma_wait3A_104 = arith.constant 0 : i32
      %dma_wait3A_105 = arith.constant 0 : i32
      %dma_wait3A_106 = tpu.memref_slice %arg2[%dma_wait3A_104, %dma_wait3A_105] : memref<10000x128xf32, #tpu.memory_space<hbm>> -> memref<10000x128xf32, #tpu.memory_space<hbm>>
      tpu.wait_indirect_dma semaphore(%arg14 : memref<!tpu.dma_semaphore, #tpu.memory_space<semaphore_mem>>) src(%dma_wait3A_106 : memref<10000x128xf32, #tpu.memory_space<hbm>>) dst(%arg9 : memref<128x128xf32, #tpu.memory_space<vmem>>)
      %run_scoped3A_107 = arith.constant 5 : i32
      "tpu.region"() ({
        %run_scoped3A_220 = tpu.sem_alloc : memref<!tpu.dma_semaphore, #tpu.memory_space<semaphore_mem>>
        %dma_start3A_221 = arith.constant 0 : i32
        %dma_start3A_222 = tpu.memref_slice %arg6[%run_scoped3A_107, %dma_start3A_221] : memref<8x128xi32, #tpu.memory_space<vmem>> -> memref<1x128xi32, #tpu.memory_space<vmem>>
        %dma_start3A_223 = tpu.memref_squeeze %dma_start3A_222 : memref<1x128xi32, #tpu.memory_space<vmem>> -> memref<128xi32, #tpu.memory_space<vmem>>
        %dma_start3A_224 = arith.constant 0 : i32
        %dma_start3A_225 = arith.constant 0 : i32
        %dma_start3A_226 = tpu.memref_slice %arg10[%dma_start3A_224, %dma_start3A_225] : memref<10112x128xf32, #tpu.memory_space<vmem_shared>> -> memref<10112x128xf32, #tpu.memory_space<vmem_shared>>
        tpu.enqueue_indirect_dma source(%arg9 : memref<128x128xf32, #tpu.memory_space<vmem>>) target(%dma_start3A_226 : memref<10112x128xf32, #tpu.memory_space<vmem_shared>>) offsets(%dma_start3A_223 : memref<128xi32, #tpu.memory_space<vmem>>) semaphore(%run_scoped3A_220 : memref<!tpu.dma_semaphore, #tpu.memory_space<semaphore_mem>>) {add = true}
        %dma_wait3A_227 = arith.constant 0 : i32
        %dma_wait3A_228 = tpu.memref_slice %arg6[%run_scoped3A_107, %dma_wait3A_227] : memref<8x128xi32, #tpu.memory_space<vmem>> -> memref<1x128xi32, #tpu.memory_space<vmem>>
        %dma_wait3A_229 = tpu.memref_squeeze %dma_wait3A_228 : memref<1x128xi32, #tpu.memory_space<vmem>> -> memref<128xi32, #tpu.memory_space<vmem>>
        %dma_wait3A_230 = arith.constant 0 : i32
        %dma_wait3A_231 = arith.constant 0 : i32
        %dma_wait3A_232 = tpu.memref_slice %arg10[%dma_wait3A_230, %dma_wait3A_231] : memref<10112x128xf32, #tpu.memory_space<vmem_shared>> -> memref<10112x128xf32, #tpu.memory_space<vmem_shared>>
        tpu.wait_indirect_dma semaphore(%run_scoped3A_220 : memref<!tpu.dma_semaphore, #tpu.memory_space<semaphore_mem>>) src(%arg9 : memref<128x128xf32, #tpu.memory_space<vmem>>) dst(%dma_wait3A_232 : memref<10112x128xf32, #tpu.memory_space<vmem_shared>>)
        tpu.yield
      }) : () -> ()
      %dma_start3A_108 = arith.constant 3 : i32
      %dma_start3A_109 = arith.constant 0 : i32
      %dma_start3A_110 = tpu.memref_slice %arg6[%dma_start3A_108, %dma_start3A_109] : memref<8x128xi32, #tpu.memory_space<vmem>> -> memref<1x128xi32, #tpu.memory_space<vmem>>
      %dma_start3A_111 = tpu.memref_squeeze %dma_start3A_110 : memref<1x128xi32, #tpu.memory_space<vmem>> -> memref<128xi32, #tpu.memory_space<vmem>>
      %dma_start3A_112 = arith.constant 0 : i32
      %dma_start3A_113 = arith.constant 0 : i32
      %dma_start3A_114 = tpu.memref_slice %arg2[%dma_start3A_112, %dma_start3A_113] : memref<10000x128xf32, #tpu.memory_space<hbm>> -> memref<10000x128xf32, #tpu.memory_space<hbm>>
      tpu.enqueue_indirect_dma source(%dma_start3A_114 : memref<10000x128xf32, #tpu.memory_space<hbm>>) target(%arg9 : memref<128x128xf32, #tpu.memory_space<vmem>>) offsets(%dma_start3A_111 : memref<128xi32, #tpu.memory_space<vmem>>) semaphore(%arg14 : memref<!tpu.dma_semaphore, #tpu.memory_space<semaphore_mem>>)
      %dma_wait3A_115 = arith.constant 0 : i32
      %dma_wait3A_116 = arith.constant 0 : i32
      %dma_wait3A_117 = arith.constant 0 : i32
      %dma_wait3A_118 = tpu.memref_slice %arg3[%dma_wait3A_115, %dma_wait3A_116, %dma_wait3A_117] : memref<704x8x128xi32, #tpu.memory_space<hbm>> -> memref<1x8x128xi32, #tpu.memory_space<hbm>>
      %dma_wait3A_119 = tpu.memref_squeeze %dma_wait3A_118 : memref<1x8x128xi32, #tpu.memory_space<hbm>> -> memref<8x128xi32, #tpu.memory_space<hbm>>
      %dma_wait3A_120 = arith.constant 0 : i32
      %dma_wait3A_121 = arith.constant 0 : i32
      %dma_wait3A_122 = tpu.memref_slice %arg3[%dma_wait3A_115, %dma_wait3A_120, %dma_wait3A_121] : memref<704x8x128xi32, #tpu.memory_space<hbm>> -> memref<1x8x128xi32, #tpu.memory_space<hbm>>
      %dma_wait3A_123 = tpu.memref_squeeze %dma_wait3A_122 : memref<1x8x128xi32, #tpu.memory_space<hbm>> -> memref<8x128xi32, #tpu.memory_space<hbm>>
      tpu.wait_dma2 semaphore(%arg12 : memref<!tpu.dma_semaphore, #tpu.memory_space<semaphore_mem>>) src(%dma_wait3A_123 : memref<8x128xi32, #tpu.memory_space<hbm>>) dst(%arg7 : memref<8x128xi32, #tpu.memory_space<vmem>>)
      %dma_wait3A_124 = arith.constant 2 : i32
      %dma_wait3A_125 = arith.constant 0 : i32
      %dma_wait3A_126 = tpu.memref_slice %arg6[%dma_wait3A_124, %dma_wait3A_125] : memref<8x128xi32, #tpu.memory_space<vmem>> -> memref<1x128xi32, #tpu.memory_space<vmem>>
      %dma_wait3A_127 = tpu.memref_squeeze %dma_wait3A_126 : memref<1x128xi32, #tpu.memory_space<vmem>> -> memref<128xi32, #tpu.memory_space<vmem>>
      %dma_wait3A_128 = arith.constant 0 : i32
      %dma_wait3A_129 = arith.constant 0 : i32
      %dma_wait3A_130 = tpu.memref_slice %arg2[%dma_wait3A_128, %dma_wait3A_129] : memref<10000x128xf32, #tpu.memory_space<hbm>> -> memref<10000x128xf32, #tpu.memory_space<hbm>>
      tpu.wait_indirect_dma semaphore(%arg13 : memref<!tpu.dma_semaphore, #tpu.memory_space<semaphore_mem>>) src(%dma_wait3A_130 : memref<10000x128xf32, #tpu.memory_space<hbm>>) dst(%arg8 : memref<128x128xf32, #tpu.memory_space<vmem>>)
      %run_scoped3A_131 = arith.constant 6 : i32
      "tpu.region"() ({
        %run_scoped3A_220 = tpu.sem_alloc : memref<!tpu.dma_semaphore, #tpu.memory_space<semaphore_mem>>
        %dma_start3A_221 = arith.constant 0 : i32
        %dma_start3A_222 = tpu.memref_slice %arg6[%run_scoped3A_131, %dma_start3A_221] : memref<8x128xi32, #tpu.memory_space<vmem>> -> memref<1x128xi32, #tpu.memory_space<vmem>>
        %dma_start3A_223 = tpu.memref_squeeze %dma_start3A_222 : memref<1x128xi32, #tpu.memory_space<vmem>> -> memref<128xi32, #tpu.memory_space<vmem>>
        %dma_start3A_224 = arith.constant 0 : i32
        %dma_start3A_225 = arith.constant 0 : i32
        %dma_start3A_226 = tpu.memref_slice %arg10[%dma_start3A_224, %dma_start3A_225] : memref<10112x128xf32, #tpu.memory_space<vmem_shared>> -> memref<10112x128xf32, #tpu.memory_space<vmem_shared>>
        tpu.enqueue_indirect_dma source(%arg8 : memref<128x128xf32, #tpu.memory_space<vmem>>) target(%dma_start3A_226 : memref<10112x128xf32, #tpu.memory_space<vmem_shared>>) offsets(%dma_start3A_223 : memref<128xi32, #tpu.memory_space<vmem>>) semaphore(%run_scoped3A_220 : memref<!tpu.dma_semaphore, #tpu.memory_space<semaphore_mem>>) {add = true}
        %dma_wait3A_227 = arith.constant 0 : i32
        %dma_wait3A_228 = tpu.memref_slice %arg6[%run_scoped3A_131, %dma_wait3A_227] : memref<8x128xi32, #tpu.memory_space<vmem>> -> memref<1x128xi32, #tpu.memory_space<vmem>>
        %dma_wait3A_229 = tpu.memref_squeeze %dma_wait3A_228 : memref<1x128xi32, #tpu.memory_space<vmem>> -> memref<128xi32, #tpu.memory_space<vmem>>
        %dma_wait3A_230 = arith.constant 0 : i32
        %dma_wait3A_231 = arith.constant 0 : i32
        %dma_wait3A_232 = tpu.memref_slice %arg10[%dma_wait3A_230, %dma_wait3A_231] : memref<10112x128xf32, #tpu.memory_space<vmem_shared>> -> memref<10112x128xf32, #tpu.memory_space<vmem_shared>>
        tpu.wait_indirect_dma semaphore(%run_scoped3A_220 : memref<!tpu.dma_semaphore, #tpu.memory_space<semaphore_mem>>) src(%arg8 : memref<128x128xf32, #tpu.memory_space<vmem>>) dst(%dma_wait3A_232 : memref<10112x128xf32, #tpu.memory_space<vmem_shared>>)
        tpu.yield
      }) : () -> ()
      %dma_start3A_132 = arith.constant 0 : i32
      %dma_start3A_133 = arith.constant 0 : i32
      %dma_start3A_134 = tpu.memref_slice %arg7[%dma_start3A_132, %dma_start3A_133] : memref<8x128xi32, #tpu.memory_space<vmem>> -> memref<1x128xi32, #tpu.memory_space<vmem>>
      %dma_start3A_135 = tpu.memref_squeeze %dma_start3A_134 : memref<1x128xi32, #tpu.memory_space<vmem>> -> memref<128xi32, #tpu.memory_space<vmem>>
      %dma_start3A_136 = arith.constant 0 : i32
      %dma_start3A_137 = arith.constant 0 : i32
      %dma_start3A_138 = tpu.memref_slice %arg2[%dma_start3A_136, %dma_start3A_137] : memref<10000x128xf32, #tpu.memory_space<hbm>> -> memref<10000x128xf32, #tpu.memory_space<hbm>>
      tpu.enqueue_indirect_dma source(%dma_start3A_138 : memref<10000x128xf32, #tpu.memory_space<hbm>>) target(%arg8 : memref<128x128xf32, #tpu.memory_space<vmem>>) offsets(%dma_start3A_135 : memref<128xi32, #tpu.memory_space<vmem>>) semaphore(%arg13 : memref<!tpu.dma_semaphore, #tpu.memory_space<semaphore_mem>>)
      %dma_wait3A_139 = arith.constant 3 : i32
      %dma_wait3A_140 = arith.constant 0 : i32
      %dma_wait3A_141 = tpu.memref_slice %arg6[%dma_wait3A_139, %dma_wait3A_140] : memref<8x128xi32, #tpu.memory_space<vmem>> -> memref<1x128xi32, #tpu.memory_space<vmem>>
      %dma_wait3A_142 = tpu.memref_squeeze %dma_wait3A_141 : memref<1x128xi32, #tpu.memory_space<vmem>> -> memref<128xi32, #tpu.memory_space<vmem>>
      %dma_wait3A_143 = arith.constant 0 : i32
      %dma_wait3A_144 = arith.constant 0 : i32
      %dma_wait3A_145 = tpu.memref_slice %arg2[%dma_wait3A_143, %dma_wait3A_144] : memref<10000x128xf32, #tpu.memory_space<hbm>> -> memref<10000x128xf32, #tpu.memory_space<hbm>>
      tpu.wait_indirect_dma semaphore(%arg14 : memref<!tpu.dma_semaphore, #tpu.memory_space<semaphore_mem>>) src(%dma_wait3A_145 : memref<10000x128xf32, #tpu.memory_space<hbm>>) dst(%arg9 : memref<128x128xf32, #tpu.memory_space<vmem>>)
      %run_scoped3A_146 = arith.constant 7 : i32
      "tpu.region"() ({
        %run_scoped3A_220 = tpu.sem_alloc : memref<!tpu.dma_semaphore, #tpu.memory_space<semaphore_mem>>
        %dma_start3A_221 = arith.constant 0 : i32
        %dma_start3A_222 = tpu.memref_slice %arg6[%run_scoped3A_146, %dma_start3A_221] : memref<8x128xi32, #tpu.memory_space<vmem>> -> memref<1x128xi32, #tpu.memory_space<vmem>>
        %dma_start3A_223 = tpu.memref_squeeze %dma_start3A_222 : memref<1x128xi32, #tpu.memory_space<vmem>> -> memref<128xi32, #tpu.memory_space<vmem>>
        %dma_start3A_224 = arith.constant 0 : i32
        %dma_start3A_225 = arith.constant 0 : i32
        %dma_start3A_226 = tpu.memref_slice %arg10[%dma_start3A_224, %dma_start3A_225] : memref<10112x128xf32, #tpu.memory_space<vmem_shared>> -> memref<10112x128xf32, #tpu.memory_space<vmem_shared>>
        tpu.enqueue_indirect_dma source(%arg9 : memref<128x128xf32, #tpu.memory_space<vmem>>) target(%dma_start3A_226 : memref<10112x128xf32, #tpu.memory_space<vmem_shared>>) offsets(%dma_start3A_223 : memref<128xi32, #tpu.memory_space<vmem>>) semaphore(%run_scoped3A_220 : memref<!tpu.dma_semaphore, #tpu.memory_space<semaphore_mem>>) {add = true}
        %dma_wait3A_227 = arith.constant 0 : i32
        %dma_wait3A_228 = tpu.memref_slice %arg6[%run_scoped3A_146, %dma_wait3A_227] : memref<8x128xi32, #tpu.memory_space<vmem>> -> memref<1x128xi32, #tpu.memory_space<vmem>>
        %dma_wait3A_229 = tpu.memref_squeeze %dma_wait3A_228 : memref<1x128xi32, #tpu.memory_space<vmem>> -> memref<128xi32, #tpu.memory_space<vmem>>
        %dma_wait3A_230 = arith.constant 0 : i32
        %dma_wait3A_231 = arith.constant 0 : i32
        %dma_wait3A_232 = tpu.memref_slice %arg10[%dma_wait3A_230, %dma_wait3A_231] : memref<10112x128xf32, #tpu.memory_space<vmem_shared>> -> memref<10112x128xf32, #tpu.memory_space<vmem_shared>>
        tpu.wait_indirect_dma semaphore(%run_scoped3A_220 : memref<!tpu.dma_semaphore, #tpu.memory_space<semaphore_mem>>) src(%arg9 : memref<128x128xf32, #tpu.memory_space<vmem>>) dst(%dma_wait3A_232 : memref<10112x128xf32, #tpu.memory_space<vmem_shared>>)
        tpu.yield
      }) : () -> ()
      %dma_start3A_147 = arith.constant 1 : i32
      %dma_start3A_148 = arith.constant 0 : i32
      %dma_start3A_149 = tpu.memref_slice %arg7[%dma_start3A_147, %dma_start3A_148] : memref<8x128xi32, #tpu.memory_space<vmem>> -> memref<1x128xi32, #tpu.memory_space<vmem>>
      %dma_start3A_150 = tpu.memref_squeeze %dma_start3A_149 : memref<1x128xi32, #tpu.memory_space<vmem>> -> memref<128xi32, #tpu.memory_space<vmem>>
      %dma_start3A_151 = arith.constant 0 : i32
      %dma_start3A_152 = arith.constant 0 : i32
      %dma_start3A_153 = tpu.memref_slice %arg2[%dma_start3A_151, %dma_start3A_152] : memref<10000x128xf32, #tpu.memory_space<hbm>> -> memref<10000x128xf32, #tpu.memory_space<hbm>>
      tpu.enqueue_indirect_dma source(%dma_start3A_153 : memref<10000x128xf32, #tpu.memory_space<hbm>>) target(%arg9 : memref<128x128xf32, #tpu.memory_space<vmem>>) offsets(%dma_start3A_150 : memref<128xi32, #tpu.memory_space<vmem>>) semaphore(%arg14 : memref<!tpu.dma_semaphore, #tpu.memory_space<semaphore_mem>>)
      %add3A_154 = arith.constant 2 : i32
      %add3A_155 = arith.addi %add3A_62, %add3A_154 : i32
      %dma_start3A_156 = arith.constant 0 : i32
      %dma_start3A_157 = arith.constant 0 : i32
      %dma_start3A_158 = tpu.memref_slice %arg3[%add3A_155, %dma_start3A_156, %dma_start3A_157] : memref<704x8x128xi32, #tpu.memory_space<hbm>> -> memref<1x8x128xi32, #tpu.memory_space<hbm>>
      %dma_start3A_159 = tpu.memref_squeeze %dma_start3A_158 : memref<1x8x128xi32, #tpu.memory_space<hbm>> -> memref<8x128xi32, #tpu.memory_space<hbm>>
      %dma_start3A_160 = arith.constant 0 : i32
      %dma_start3A_161 = arith.constant 0 : i32
      %dma_start3A_162 = tpu.memref_slice %arg3[%add3A_155, %dma_start3A_160, %dma_start3A_161] : memref<704x8x128xi32, #tpu.memory_space<hbm>> -> memref<1x8x128xi32, #tpu.memory_space<hbm>>
      %dma_start3A_163 = tpu.memref_squeeze %dma_start3A_162 : memref<1x8x128xi32, #tpu.memory_space<hbm>> -> memref<8x128xi32, #tpu.memory_space<hbm>>
      tpu.enqueue_dma source(%dma_start3A_163 : memref<8x128xi32, #tpu.memory_space<hbm>>) target(%arg6 : memref<8x128xi32, #tpu.memory_space<vmem>>) target_semaphore(%arg11 : memref<!tpu.dma_semaphore, #tpu.memory_space<semaphore_mem>>)
      %dma_wait3A_164 = arith.constant 0 : i32
      %dma_wait3A_165 = arith.constant 0 : i32
      %dma_wait3A_166 = tpu.memref_slice %arg7[%dma_wait3A_164, %dma_wait3A_165] : memref<8x128xi32, #tpu.memory_space<vmem>> -> memref<1x128xi32, #tpu.memory_space<vmem>>
      %dma_wait3A_167 = tpu.memref_squeeze %dma_wait3A_166 : memref<1x128xi32, #tpu.memory_space<vmem>> -> memref<128xi32, #tpu.memory_space<vmem>>
      %dma_wait3A_168 = arith.constant 0 : i32
      %dma_wait3A_169 = arith.constant 0 : i32
      %dma_wait3A_170 = tpu.memref_slice %arg2[%dma_wait3A_168, %dma_wait3A_169] : memref<10000x128xf32, #tpu.memory_space<hbm>> -> memref<10000x128xf32, #tpu.memory_space<hbm>>
      tpu.wait_indirect_dma semaphore(%arg13 : memref<!tpu.dma_semaphore, #tpu.memory_space<semaphore_mem>>) src(%dma_wait3A_170 : memref<10000x128xf32, #tpu.memory_space<hbm>>) dst(%arg8 : memref<128x128xf32, #tpu.memory_space<vmem>>)
      %run_scoped3A_171 = arith.constant 4 : i32
      "tpu.region"() ({
        %run_scoped3A_220 = tpu.sem_alloc : memref<!tpu.dma_semaphore, #tpu.memory_space<semaphore_mem>>
        %dma_start3A_221 = arith.constant 0 : i32
        %dma_start3A_222 = tpu.memref_slice %arg7[%run_scoped3A_171, %dma_start3A_221] : memref<8x128xi32, #tpu.memory_space<vmem>> -> memref<1x128xi32, #tpu.memory_space<vmem>>
        %dma_start3A_223 = tpu.memref_squeeze %dma_start3A_222 : memref<1x128xi32, #tpu.memory_space<vmem>> -> memref<128xi32, #tpu.memory_space<vmem>>
        %dma_start3A_224 = arith.constant 0 : i32
        %dma_start3A_225 = arith.constant 0 : i32
        %dma_start3A_226 = tpu.memref_slice %arg10[%dma_start3A_224, %dma_start3A_225] : memref<10112x128xf32, #tpu.memory_space<vmem_shared>> -> memref<10112x128xf32, #tpu.memory_space<vmem_shared>>
        tpu.enqueue_indirect_dma source(%arg8 : memref<128x128xf32, #tpu.memory_space<vmem>>) target(%dma_start3A_226 : memref<10112x128xf32, #tpu.memory_space<vmem_shared>>) offsets(%dma_start3A_223 : memref<128xi32, #tpu.memory_space<vmem>>) semaphore(%run_scoped3A_220 : memref<!tpu.dma_semaphore, #tpu.memory_space<semaphore_mem>>) {add = true}
        %dma_wait3A_227 = arith.constant 0 : i32
        %dma_wait3A_228 = tpu.memref_slice %arg7[%run_scoped3A_171, %dma_wait3A_227] : memref<8x128xi32, #tpu.memory_space<vmem>> -> memref<1x128xi32, #tpu.memory_space<vmem>>
        %dma_wait3A_229 = tpu.memref_squeeze %dma_wait3A_228 : memref<1x128xi32, #tpu.memory_space<vmem>> -> memref<128xi32, #tpu.memory_space<vmem>>
        %dma_wait3A_230 = arith.constant 0 : i32
        %dma_wait3A_231 = arith.constant 0 : i32
        %dma_wait3A_232 = tpu.memref_slice %arg10[%dma_wait3A_230, %dma_wait3A_231] : memref<10112x128xf32, #tpu.memory_space<vmem_shared>> -> memref<10112x128xf32, #tpu.memory_space<vmem_shared>>
        tpu.wait_indirect_dma semaphore(%run_scoped3A_220 : memref<!tpu.dma_semaphore, #tpu.memory_space<semaphore_mem>>) src(%arg8 : memref<128x128xf32, #tpu.memory_space<vmem>>) dst(%dma_wait3A_232 : memref<10112x128xf32, #tpu.memory_space<vmem_shared>>)
        tpu.yield
      }) : () -> ()
      %dma_start3A_172 = arith.constant 2 : i32
      %dma_start3A_173 = arith.constant 0 : i32
      %dma_start3A_174 = tpu.memref_slice %arg7[%dma_start3A_172, %dma_start3A_173] : memref<8x128xi32, #tpu.memory_space<vmem>> -> memref<1x128xi32, #tpu.memory_space<vmem>>
      %dma_start3A_175 = tpu.memref_squeeze %dma_start3A_174 : memref<1x128xi32, #tpu.memory_space<vmem>> -> memref<128xi32, #tpu.memory_space<vmem>>
      %dma_start3A_176 = arith.constant 0 : i32
      %dma_start3A_177 = arith.constant 0 : i32
      %dma_start3A_178 = tpu.memref_slice %arg2[%dma_start3A_176, %dma_start3A_177] : memref<10000x128xf32, #tpu.memory_space<hbm>> -> memref<10000x128xf32, #tpu.memory_space<hbm>>
      tpu.enqueue_indirect_dma source(%dma_start3A_178 : memref<10000x128xf32, #tpu.memory_space<hbm>>) target(%arg8 : memref<128x128xf32, #tpu.memory_space<vmem>>) offsets(%dma_start3A_175 : memref<128xi32, #tpu.memory_space<vmem>>) semaphore(%arg13 : memref<!tpu.dma_semaphore, #tpu.memory_space<semaphore_mem>>)
      %dma_wait3A_179 = arith.constant 1 : i32
      %dma_wait3A_180 = arith.constant 0 : i32
      %dma_wait3A_181 = tpu.memref_slice %arg7[%dma_wait3A_179, %dma_wait3A_180] : memref<8x128xi32, #tpu.memory_space<vmem>> -> memref<1x128xi32, #tpu.memory_space<vmem>>
      %dma_wait3A_182 = tpu.memref_squeeze %dma_wait3A_181 : memref<1x128xi32, #tpu.memory_space<vmem>> -> memref<128xi32, #tpu.memory_space<vmem>>
      %dma_wait3A_183 = arith.constant 0 : i32
      %dma_wait3A_184 = arith.constant 0 : i32
      %dma_wait3A_185 = tpu.memref_slice %arg2[%dma_wait3A_183, %dma_wait3A_184] : memref<10000x128xf32, #tpu.memory_space<hbm>> -> memref<10000x128xf32, #tpu.memory_space<hbm>>
      tpu.wait_indirect_dma semaphore(%arg14 : memref<!tpu.dma_semaphore, #tpu.memory_space<semaphore_mem>>) src(%dma_wait3A_185 : memref<10000x128xf32, #tpu.memory_space<hbm>>) dst(%arg9 : memref<128x128xf32, #tpu.memory_space<vmem>>)
      %run_scoped3A_186 = arith.constant 5 : i32
      "tpu.region"() ({
        %run_scoped3A_220 = tpu.sem_alloc : memref<!tpu.dma_semaphore, #tpu.memory_space<semaphore_mem>>
        %dma_start3A_221 = arith.constant 0 : i32
        %dma_start3A_222 = tpu.memref_slice %arg7[%run_scoped3A_186, %dma_start3A_221] : memref<8x128xi32, #tpu.memory_space<vmem>> -> memref<1x128xi32, #tpu.memory_space<vmem>>
        %dma_start3A_223 = tpu.memref_squeeze %dma_start3A_222 : memref<1x128xi32, #tpu.memory_space<vmem>> -> memref<128xi32, #tpu.memory_space<vmem>>
        %dma_start3A_224 = arith.constant 0 : i32
        %dma_start3A_225 = arith.constant 0 : i32
        %dma_start3A_226 = tpu.memref_slice %arg10[%dma_start3A_224, %dma_start3A_225] : memref<10112x128xf32, #tpu.memory_space<vmem_shared>> -> memref<10112x128xf32, #tpu.memory_space<vmem_shared>>
        tpu.enqueue_indirect_dma source(%arg9 : memref<128x128xf32, #tpu.memory_space<vmem>>) target(%dma_start3A_226 : memref<10112x128xf32, #tpu.memory_space<vmem_shared>>) offsets(%dma_start3A_223 : memref<128xi32, #tpu.memory_space<vmem>>) semaphore(%run_scoped3A_220 : memref<!tpu.dma_semaphore, #tpu.memory_space<semaphore_mem>>) {add = true}
        %dma_wait3A_227 = arith.constant 0 : i32
        %dma_wait3A_228 = tpu.memref_slice %arg7[%run_scoped3A_186, %dma_wait3A_227] : memref<8x128xi32, #tpu.memory_space<vmem>> -> memref<1x128xi32, #tpu.memory_space<vmem>>
        %dma_wait3A_229 = tpu.memref_squeeze %dma_wait3A_228 : memref<1x128xi32, #tpu.memory_space<vmem>> -> memref<128xi32, #tpu.memory_space<vmem>>
        %dma_wait3A_230 = arith.constant 0 : i32
        %dma_wait3A_231 = arith.constant 0 : i32
        %dma_wait3A_232 = tpu.memref_slice %arg10[%dma_wait3A_230, %dma_wait3A_231] : memref<10112x128xf32, #tpu.memory_space<vmem_shared>> -> memref<10112x128xf32, #tpu.memory_space<vmem_shared>>
        tpu.wait_indirect_dma semaphore(%run_scoped3A_220 : memref<!tpu.dma_semaphore, #tpu.memory_space<semaphore_mem>>) src(%arg9 : memref<128x128xf32, #tpu.memory_space<vmem>>) dst(%dma_wait3A_232 : memref<10112x128xf32, #tpu.memory_space<vmem_shared>>)
        tpu.yield
      }) : () -> ()
      %dma_start3A_187 = arith.constant 3 : i32
      %dma_start3A_188 = arith.constant 0 : i32
      %dma_start3A_189 = tpu.memref_slice %arg7[%dma_start3A_187, %dma_start3A_188] : memref<8x128xi32, #tpu.memory_space<vmem>> -> memref<1x128xi32, #tpu.memory_space<vmem>>
      %dma_start3A_190 = tpu.memref_squeeze %dma_start3A_189 : memref<1x128xi32, #tpu.memory_space<vmem>> -> memref<128xi32, #tpu.memory_space<vmem>>
      %dma_start3A_191 = arith.constant 0 : i32
      %dma_start3A_192 = arith.constant 0 : i32
      %dma_start3A_193 = tpu.memref_slice %arg2[%dma_start3A_191, %dma_start3A_192] : memref<10000x128xf32, #tpu.memory_space<hbm>> -> memref<10000x128xf32, #tpu.memory_space<hbm>>
      tpu.enqueue_indirect_dma source(%dma_start3A_193 : memref<10000x128xf32, #tpu.memory_space<hbm>>) target(%arg9 : memref<128x128xf32, #tpu.memory_space<vmem>>) offsets(%dma_start3A_190 : memref<128xi32, #tpu.memory_space<vmem>>) semaphore(%arg14 : memref<!tpu.dma_semaphore, #tpu.memory_space<semaphore_mem>>)
      %dma_wait3A_194 = arith.constant 2 : i32
      %dma_wait3A_195 = arith.constant 0 : i32
      %dma_wait3A_196 = tpu.memref_slice %arg7[%dma_wait3A_194, %dma_wait3A_195] : memref<8x128xi32, #tpu.memory_space<vmem>> -> memref<1x128xi32, #tpu.memory_space<vmem>>
      %dma_wait3A_197 = tpu.memref_squeeze %dma_wait3A_196 : memref<1x128xi32, #tpu.memory_space<vmem>> -> memref<128xi32, #tpu.memory_space<vmem>>
      %dma_wait3A_198 = arith.constant 0 : i32
      %dma_wait3A_199 = arith.constant 0 : i32
      %dma_wait3A_200 = tpu.memref_slice %arg2[%dma_wait3A_198, %dma_wait3A_199] : memref<10000x128xf32, #tpu.memory_space<hbm>> -> memref<10000x128xf32, #tpu.memory_space<hbm>>
      tpu.wait_indirect_dma semaphore(%arg13 : memref<!tpu.dma_semaphore, #tpu.memory_space<semaphore_mem>>) src(%dma_wait3A_200 : memref<10000x128xf32, #tpu.memory_space<hbm>>) dst(%arg8 : memref<128x128xf32, #tpu.memory_space<vmem>>)
      %run_scoped3A_201 = arith.constant 6 : i32
      "tpu.region"() ({
        %run_scoped3A_220 = tpu.sem_alloc : memref<!tpu.dma_semaphore, #tpu.memory_space<semaphore_mem>>
        %dma_start3A_221 = arith.constant 0 : i32
        %dma_start3A_222 = tpu.memref_slice %arg7[%run_scoped3A_201, %dma_start3A_221] : memref<8x128xi32, #tpu.memory_space<vmem>> -> memref<1x128xi32, #tpu.memory_space<vmem>>
        %dma_start3A_223 = tpu.memref_squeeze %dma_start3A_222 : memref<1x128xi32, #tpu.memory_space<vmem>> -> memref<128xi32, #tpu.memory_space<vmem>>
        %dma_start3A_224 = arith.constant 0 : i32
        %dma_start3A_225 = arith.constant 0 : i32
        %dma_start3A_226 = tpu.memref_slice %arg10[%dma_start3A_224, %dma_start3A_225] : memref<10112x128xf32, #tpu.memory_space<vmem_shared>> -> memref<10112x128xf32, #tpu.memory_space<vmem_shared>>
        tpu.enqueue_indirect_dma source(%arg8 : memref<128x128xf32, #tpu.memory_space<vmem>>) target(%dma_start3A_226 : memref<10112x128xf32, #tpu.memory_space<vmem_shared>>) offsets(%dma_start3A_223 : memref<128xi32, #tpu.memory_space<vmem>>) semaphore(%run_scoped3A_220 : memref<!tpu.dma_semaphore, #tpu.memory_space<semaphore_mem>>) {add = true}
        %dma_wait3A_227 = arith.constant 0 : i32
        %dma_wait3A_228 = tpu.memref_slice %arg7[%run_scoped3A_201, %dma_wait3A_227] : memref<8x128xi32, #tpu.memory_space<vmem>> -> memref<1x128xi32, #tpu.memory_space<vmem>>
        %dma_wait3A_229 = tpu.memref_squeeze %dma_wait3A_228 : memref<1x128xi32, #tpu.memory_space<vmem>> -> memref<128xi32, #tpu.memory_space<vmem>>
        %dma_wait3A_230 = arith.constant 0 : i32
        %dma_wait3A_231 = arith.constant 0 : i32
        %dma_wait3A_232 = tpu.memref_slice %arg10[%dma_wait3A_230, %dma_wait3A_231] : memref<10112x128xf32, #tpu.memory_space<vmem_shared>> -> memref<10112x128xf32, #tpu.memory_space<vmem_shared>>
        tpu.wait_indirect_dma semaphore(%run_scoped3A_220 : memref<!tpu.dma_semaphore, #tpu.memory_space<semaphore_mem>>) src(%arg8 : memref<128x128xf32, #tpu.memory_space<vmem>>) dst(%dma_wait3A_232 : memref<10112x128xf32, #tpu.memory_space<vmem_shared>>)
        tpu.yield
      }) : () -> ()
      %dma_wait3A_202 = arith.constant 3 : i32
      %dma_wait3A_203 = arith.constant 0 : i32
      %dma_wait3A_204 = tpu.memref_slice %arg7[%dma_wait3A_202, %dma_wait3A_203] : memref<8x128xi32, #tpu.memory_space<vmem>> -> memref<1x128xi32, #tpu.memory_space<vmem>>
      %dma_wait3A_205 = tpu.memref_squeeze %dma_wait3A_204 : memref<1x128xi32, #tpu.memory_space<vmem>> -> memref<128xi32, #tpu.memory_space<vmem>>
      %dma_wait3A_206 = arith.constant 0 : i32
      %dma_wait3A_207 = arith.constant 0 : i32
      %dma_wait3A_208 = tpu.memref_slice %arg2[%dma_wait3A_206, %dma_wait3A_207] : memref<10000x128xf32, #tpu.memory_space<hbm>> -> memref<10000x128xf32, #tpu.memory_space<hbm>>
      tpu.wait_indirect_dma semaphore(%arg14 : memref<!tpu.dma_semaphore, #tpu.memory_space<semaphore_mem>>) src(%dma_wait3A_208 : memref<10000x128xf32, #tpu.memory_space<hbm>>) dst(%arg9 : memref<128x128xf32, #tpu.memory_space<vmem>>)
      %run_scoped3A_209 = arith.constant 7 : i32
      "tpu.region"() ({
        %run_scoped3A_220 = tpu.sem_alloc : memref<!tpu.dma_semaphore, #tpu.memory_space<semaphore_mem>>
        %dma_start3A_221 = arith.constant 0 : i32
        %dma_start3A_222 = tpu.memref_slice %arg7[%run_scoped3A_209, %dma_start3A_221] : memref<8x128xi32, #tpu.memory_space<vmem>> -> memref<1x128xi32, #tpu.memory_space<vmem>>
        %dma_start3A_223 = tpu.memref_squeeze %dma_start3A_222 : memref<1x128xi32, #tpu.memory_space<vmem>> -> memref<128xi32, #tpu.memory_space<vmem>>
        %dma_start3A_224 = arith.constant 0 : i32
        %dma_start3A_225 = arith.constant 0 : i32
        %dma_start3A_226 = tpu.memref_slice %arg10[%dma_start3A_224, %dma_start3A_225] : memref<10112x128xf32, #tpu.memory_space<vmem_shared>> -> memref<10112x128xf32, #tpu.memory_space<vmem_shared>>
        tpu.enqueue_indirect_dma source(%arg9 : memref<128x128xf32, #tpu.memory_space<vmem>>) target(%dma_start3A_226 : memref<10112x128xf32, #tpu.memory_space<vmem_shared>>) offsets(%dma_start3A_223 : memref<128xi32, #tpu.memory_space<vmem>>) semaphore(%run_scoped3A_220 : memref<!tpu.dma_semaphore, #tpu.memory_space<semaphore_mem>>) {add = true}
        %dma_wait3A_227 = arith.constant 0 : i32
        %dma_wait3A_228 = tpu.memref_slice %arg7[%run_scoped3A_209, %dma_wait3A_227] : memref<8x128xi32, #tpu.memory_space<vmem>> -> memref<1x128xi32, #tpu.memory_space<vmem>>
        %dma_wait3A_229 = tpu.memref_squeeze %dma_wait3A_228 : memref<1x128xi32, #tpu.memory_space<vmem>> -> memref<128xi32, #tpu.memory_space<vmem>>
        %dma_wait3A_230 = arith.constant 0 : i32
        %dma_wait3A_231 = arith.constant 0 : i32
        %dma_wait3A_232 = tpu.memref_slice %arg10[%dma_wait3A_230, %dma_wait3A_231] : memref<10112x128xf32, #tpu.memory_space<vmem_shared>> -> memref<10112x128xf32, #tpu.memory_space<vmem_shared>>
        tpu.wait_indirect_dma semaphore(%run_scoped3A_220 : memref<!tpu.dma_semaphore, #tpu.memory_space<semaphore_mem>>) src(%arg9 : memref<128x128xf32, #tpu.memory_space<vmem>>) dst(%dma_wait3A_232 : memref<10112x128xf32, #tpu.memory_space<vmem_shared>>)
        tpu.yield
      }) : () -> ()
      %add3A_210 = arith.constant 3 : i32
      %add3A_211 = arith.addi %add3A_62, %add3A_210 : i32
      %dma_start3A_212 = arith.constant 0 : i32
      %dma_start3A_213 = arith.constant 0 : i32
      %dma_start3A_214 = tpu.memref_slice %arg3[%add3A_211, %dma_start3A_212, %dma_start3A_213] : memref<704x8x128xi32, #tpu.memory_space<hbm>> -> memref<1x8x128xi32, #tpu.memory_space<hbm>>
      %dma_start3A_215 = tpu.memref_squeeze %dma_start3A_214 : memref<1x8x128xi32, #tpu.memory_space<hbm>> -> memref<8x128xi32, #tpu.memory_space<hbm>>
      %dma_start3A_216 = arith.constant 0 : i32
      %dma_start3A_217 = arith.constant 0 : i32
      %dma_start3A_218 = tpu.memref_slice %arg3[%add3A_211, %dma_start3A_216, %dma_start3A_217] : memref<704x8x128xi32, #tpu.memory_space<hbm>> -> memref<1x8x128xi32, #tpu.memory_space<hbm>>
      %dma_start3A_219 = tpu.memref_squeeze %dma_start3A_218 : memref<1x8x128xi32, #tpu.memory_space<hbm>> -> memref<8x128xi32, #tpu.memory_space<hbm>>
      tpu.enqueue_dma source(%dma_start3A_219 : memref<8x128xi32, #tpu.memory_space<hbm>>) target(%arg7 : memref<8x128xi32, #tpu.memory_space<vmem>>) target_semaphore(%arg12 : memref<!tpu.dma_semaphore, #tpu.memory_space<semaphore_mem>>)
    }
    %dma_wait3A = arith.constant 0 : i32
    %dma_wait3A_37 = arith.constant 0 : i32
    %dma_wait3A_38 = arith.constant 0 : i32
    %dma_wait3A_39 = tpu.memref_slice %arg3[%dma_wait3A, %dma_wait3A_37, %dma_wait3A_38] : memref<704x8x128xi32, #tpu.memory_space<hbm>> -> memref<1x8x128xi32, #tpu.memory_space<hbm>>
    %dma_wait3A_40 = tpu.memref_squeeze %dma_wait3A_39 : memref<1x8x128xi32, #tpu.memory_space<hbm>> -> memref<8x128xi32, #tpu.memory_space<hbm>>
    %dma_wait3A_41 = arith.constant 0 : i32
    %dma_wait3A_42 = arith.constant 0 : i32
    %dma_wait3A_43 = tpu.memref_slice %arg3[%dma_wait3A, %dma_wait3A_41, %dma_wait3A_42] : memref<704x8x128xi32, #tpu.memory_space<hbm>> -> memref<1x8x128xi32, #tpu.memory_space<hbm>>
    %dma_wait3A_44 = tpu.memref_squeeze %dma_wait3A_43 : memref<1x8x128xi32, #tpu.memory_space<hbm>> -> memref<8x128xi32, #tpu.memory_space<hbm>>
    tpu.wait_dma2 semaphore(%arg11 : memref<!tpu.dma_semaphore, #tpu.memory_space<semaphore_mem>>) src(%dma_wait3A_44 : memref<8x128xi32, #tpu.memory_space<hbm>>) dst(%arg6 : memref<8x128xi32, #tpu.memory_space<vmem>>)
    %dma_wait3A_45 = arith.constant 0 : i32
    %dma_wait3A_46 = arith.constant 0 : i32
    %dma_wait3A_47 = arith.constant 0 : i32
    %dma_wait3A_48 = tpu.memref_slice %arg3[%dma_wait3A_45, %dma_wait3A_46, %dma_wait3A_47] : memref<704x8x128xi32, #tpu.memory_space<hbm>> -> memref<1x8x128xi32, #tpu.memory_space<hbm>>
    %dma_wait3A_49 = tpu.memref_squeeze %dma_wait3A_48 : memref<1x8x128xi32, #tpu.memory_space<hbm>> -> memref<8x128xi32, #tpu.memory_space<hbm>>
    %dma_wait3A_50 = arith.constant 0 : i32
    %dma_wait3A_51 = arith.constant 0 : i32
    %dma_wait3A_52 = tpu.memref_slice %arg3[%dma_wait3A_45, %dma_wait3A_50, %dma_wait3A_51] : memref<704x8x128xi32, #tpu.memory_space<hbm>> -> memref<1x8x128xi32, #tpu.memory_space<hbm>>
    %dma_wait3A_53 = tpu.memref_squeeze %dma_wait3A_52 : memref<1x8x128xi32, #tpu.memory_space<hbm>> -> memref<8x128xi32, #tpu.memory_space<hbm>>
    tpu.wait_dma2 semaphore(%arg12 : memref<!tpu.dma_semaphore, #tpu.memory_space<semaphore_mem>>) src(%dma_wait3A_53 : memref<8x128xi32, #tpu.memory_space<hbm>>) dst(%arg7 : memref<8x128xi32, #tpu.memory_space<vmem>>)
    %barrier3A_54 = arith.constant 0 : index
    tpu.barrier barrier_id(%barrier3A_54)
    %mul3A_55 = arith.constant 632 : i32
    %mul3A_56 = arith.muli %arg1, %mul3A_55 : i32
    %mul3A_57 = arith.constant 632 : i32
    %mul3A_58 = arith.muli %arg1, %mul3A_57 : i32
    "tpu.region"() ({
      %run_scoped3A = tpu.sem_alloc : memref<!tpu.dma_semaphore, #tpu.memory_space<semaphore_mem>>
      %dma_start3A_59 = arith.constant 0 : i32
      %dma_start3A_60 = tpu.memref_slice %arg5[%arg0, %mul3A_58, %dma_start3A_59] : memref<2x10112x128xf32, #tpu.memory_space<hbm>> -> memref<1x632x128xf32, #tpu.memory_space<hbm>>
      %dma_start3A_61 = tpu.memref_squeeze %dma_start3A_60 : memref<1x632x128xf32, #tpu.memory_space<hbm>> -> memref<632x128xf32, #tpu.memory_space<hbm>>
      %dma_start3A_62 = arith.constant 0 : i32
      %dma_start3A_63 = tpu.memref_slice %arg10[%mul3A_56, %dma_start3A_62] : memref<10112x128xf32, #tpu.memory_space<vmem_shared>> -> memref<632x128xf32, #tpu.memory_space<vmem_shared>>
      tpu.enqueue_dma source(%dma_start3A_63 : memref<632x128xf32, #tpu.memory_space<vmem_shared>>) target(%dma_start3A_61 : memref<632x128xf32, #tpu.memory_space<hbm>>) target_semaphore(%run_scoped3A : memref<!tpu.dma_semaphore, #tpu.memory_space<semaphore_mem>>)
      %dma_wait3A_64 = arith.constant 0 : i32
      %dma_wait3A_65 = tpu.memref_slice %arg5[%arg0, %mul3A_58, %dma_wait3A_64] : memref<2x10112x128xf32, #tpu.memory_space<hbm>> -> memref<1x632x128xf32, #tpu.memory_space<hbm>>
      %dma_wait3A_66 = tpu.memref_squeeze %dma_wait3A_65 : memref<1x632x128xf32, #tpu.memory_space<hbm>> -> memref<632x128xf32, #tpu.memory_space<hbm>>
      %dma_wait3A_67 = arith.constant 0 : i32
      %dma_wait3A_68 = tpu.memref_slice %arg10[%mul3A_56, %dma_wait3A_67] : memref<10112x128xf32, #tpu.memory_space<vmem_shared>> -> memref<632x128xf32, #tpu.memory_space<vmem_shared>>
      tpu.wait_dma2 semaphore(%run_scoped3A : memref<!tpu.dma_semaphore, #tpu.memory_space<semaphore_mem>>) src(%dma_wait3A_68 : memref<632x128xf32, #tpu.memory_space<vmem_shared>>) dst(%dma_wait3A_66 : memref<632x128xf32, #tpu.memory_space<hbm>>)
      tpu.yield
    }) : () -> ()
    return
  }
}

module attributes {stable_mosaic.version = 14 : i64} {
  func.func @_mlp_body(%arg0: i32, %arg1: memref<1xf32, #tpu.memory_space<smem>>, %arg2: memref<2000x128xf32, #tpu.memory_space<vmem>>, %arg3: memref<1x2000x128xf32, #tpu.memory_space<vmem>>, %arg4: memref<1x2000x128xf32, #tpu.memory_space<vmem>>, %arg5: memref<128x128xf32, #tpu.memory_space<vmem>>, %arg6: memref<1x128xf32, #tpu.memory_space<vmem>>, %arg7: memref<1x128xf32, #tpu.memory_space<vmem>>, %arg8: memref<1x128xf32, #tpu.memory_space<vmem>>, %arg9: memref<128x128xf32, #tpu.memory_space<vmem>>, %arg10: memref<1x128xf32, #tpu.memory_space<vmem>>, %arg11: memref<2000x128xf32, #tpu.memory_space<vmem>>) attributes {dimension_semantics = [#tpu.dimension_semantics<arbitrary>], iteration_bounds = array<i64: 5>, scalar_prefetch = 0 : i64, scratch_operands = 0 : i64, tpu.core_type = #tpu.core_type<tc>, window_params = [{transform_indices = @transform_0, window_bounds = array<i64: 1>}, {transform_indices = @transform_1, window_bounds = array<i64: 2000, 128>}, {transform_indices = @transform_2, window_bounds = array<i64: 1, 2000, 128>}, {transform_indices = @transform_3, window_bounds = array<i64: 1, 2000, 128>}, {pipeline_mode = #tpu.pipeline_mode<synchronous>, transform_indices = @transform_4, window_bounds = array<i64: 128, 128>}, {pipeline_mode = #tpu.pipeline_mode<synchronous>, transform_indices = @transform_5, window_bounds = array<i64: 1, 128>}, {pipeline_mode = #tpu.pipeline_mode<synchronous>, transform_indices = @transform_6, window_bounds = array<i64: 1, 128>}, {pipeline_mode = #tpu.pipeline_mode<synchronous>, transform_indices = @transform_7, window_bounds = array<i64: 1, 128>}, {pipeline_mode = #tpu.pipeline_mode<synchronous>, transform_indices = @transform_8, window_bounds = array<i64: 128, 128>}, {pipeline_mode = #tpu.pipeline_mode<synchronous>, transform_indices = @transform_9, window_bounds = array<i64: 1, 128>}, {transform_indices = @transform_10, window_bounds = array<i64: 2000, 128>}]} {
    %get3A = arith.constant 0 : index
    %get3A_0 = arith.constant 0 : index
    %get3A_1 = vector.load %arg2[%get3A, %get3A_0] : memref<2000x128xf32, #tpu.memory_space<vmem>>, vector<2000x128xf32>
    %get3A_2 = arith.constant 0 : index
    %get3A_3 = memref.load %arg1[%get3A_2] : memref<1xf32, #tpu.memory_space<smem>>
    %add3A = arith.constant 1.000000e+00 : f32
    %add3A_4 = arith.addf %add3A, %get3A_3 : f32
    %mul3A = vector.broadcast %add3A_4 : f32 to vector<2000x128xf32>
    %mul3A_5 = arith.mulf %get3A_1, %mul3A : vector<2000x128xf32>
    %get3A_6 = arith.constant 0 : index
    %get3A_7 = arith.constant 0 : index
    %get3A_8 = arith.constant 0 : index
    %get3A_9 = vector.load %arg3[%get3A_6, %get3A_7, %get3A_8] : memref<1x2000x128xf32, #tpu.memory_space<vmem>>, vector<1x2000x128xf32>
    %get3A_10 = vector.shape_cast %get3A_9 : vector<1x2000x128xf32> to vector<2000x128xf32>
    %add3A_11 = arith.addf %mul3A_5, %get3A_10 : vector<2000x128xf32>
    %get3A_12 = arith.constant 0 : index
    %get3A_13 = arith.constant 0 : index
    %get3A_14 = arith.constant 0 : index
    %get3A_15 = vector.load %arg4[%get3A_12, %get3A_13, %get3A_14] : memref<1x2000x128xf32, #tpu.memory_space<vmem>>, vector<1x2000x128xf32>
    %get3A_16 = vector.shape_cast %get3A_15 : vector<1x2000x128xf32> to vector<2000x128xf32>
    %add3A_17 = arith.addf %add3A_11, %get3A_16 : vector<2000x128xf32>
    %get3A_18 = arith.constant 0 : index
    %get3A_19 = arith.constant 0 : index
    %get3A_20 = vector.load %arg5[%get3A_18, %get3A_19] : memref<128x128xf32, #tpu.memory_space<vmem>>, vector<128x128xf32>
    %dot_general3A = arith.constant dense<0.000000e+00> : vector<2000x128xf32>
    %dot_general3A_21 = tpu.matmul %add3A_17, %get3A_20, %dot_general3A {dimension_numbers = #tpu.dot_dimension_numbers<[1], [0], [0], [1], [0, 0, 1, 1], [], []>, precision = #tpu.contract_precision<fp32>, transpose_lhs_hint = false} : vector<2000x128xf32>, vector<128x128xf32>, vector<2000x128xf32> -> vector<2000x128xf32>
    %get3A_22 = arith.constant 0 : index
    %get3A_23 = arith.constant 0 : index
    %get3A_24 = vector.load %arg6[%get3A_22, %get3A_23] : memref<1x128xf32, #tpu.memory_space<vmem>>, vector<1x128xf32>
    %add3A_25 = vector.broadcast %get3A_24 : vector<1x128xf32> to vector<2000x128xf32>
    %add3A_26 = arith.addf %dot_general3A_21, %add3A_25 : vector<2000x128xf32>
    %reduce_sum3A = arith.constant dense<0.000000e+00> : vector<2000xf32>
    %reduce_sum3A_27 = vector.multi_reduction <add>, %add3A_26, %reduce_sum3A [1] : vector<2000x128xf32> to vector<2000xf32>
    %broadcast_in_dim3A = vector.shape_cast %reduce_sum3A_27 : vector<2000xf32> to vector<2000x1xf32>
    %div3A = arith.constant 1.280000e+02 : f32
    %div3A_28 = vector.broadcast %div3A : f32 to vector<2000x1xf32>
    %div3A_29 = arith.divf %broadcast_in_dim3A, %div3A_28 : vector<2000x1xf32>
    %sub3A = vector.broadcast %div3A_29 : vector<2000x1xf32> to vector<2000x128xf32>
    %sub3A_30 = arith.subf %add3A_26, %sub3A : vector<2000x128xf32>
    %integer_pow3A = arith.mulf %sub3A_30, %sub3A_30 : vector<2000x128xf32>
    %reduce_sum3A_31 = arith.constant dense<0.000000e+00> : vector<2000xf32>
    %reduce_sum3A_32 = vector.multi_reduction <add>, %integer_pow3A, %reduce_sum3A_31 [1] : vector<2000x128xf32> to vector<2000xf32>
    %broadcast_in_dim3A_33 = vector.shape_cast %reduce_sum3A_32 : vector<2000xf32> to vector<2000x1xf32>
    %div3A_34 = arith.constant 1.280000e+02 : f32
    %div3A_35 = vector.broadcast %div3A_34 : f32 to vector<2000x1xf32>
    %div3A_36 = arith.divf %broadcast_in_dim3A_33, %div3A_35 : vector<2000x1xf32>
    %sub3A_37 = vector.broadcast %div3A_29 : vector<2000x1xf32> to vector<2000x128xf32>
    %sub3A_38 = arith.subf %add3A_26, %sub3A_37 : vector<2000x128xf32>
    %add3A_39 = arith.constant 9.99999974E-6 : f32
    %add3A_40 = vector.broadcast %add3A_39 : f32 to vector<2000x1xf32>
    %add3A_41 = arith.addf %div3A_36, %add3A_40 : vector<2000x1xf32>
    %sqrt3A = math.sqrt %add3A_41 : vector<2000x1xf32>
    %div3A_42 = vector.broadcast %sqrt3A : vector<2000x1xf32> to vector<2000x128xf32>
    %div3A_43 = arith.divf %sub3A_38, %div3A_42 : vector<2000x128xf32>
    %get3A_44 = arith.constant 0 : index
    %get3A_45 = arith.constant 0 : index
    %get3A_46 = vector.load %arg7[%get3A_44, %get3A_45] : memref<1x128xf32, #tpu.memory_space<vmem>>, vector<1x128xf32>
    %mul3A_47 = vector.broadcast %get3A_46 : vector<1x128xf32> to vector<2000x128xf32>
    %mul3A_48 = arith.mulf %div3A_43, %mul3A_47 : vector<2000x128xf32>
    %get3A_49 = arith.constant 0 : index
    %get3A_50 = arith.constant 0 : index
    %get3A_51 = vector.load %arg8[%get3A_49, %get3A_50] : memref<1x128xf32, #tpu.memory_space<vmem>>, vector<1x128xf32>
    %add3A_52 = vector.broadcast %get3A_51 : vector<1x128xf32> to vector<2000x128xf32>
    %add3A_53 = arith.addf %mul3A_48, %add3A_52 : vector<2000x128xf32>
    %gt3A = arith.constant 0.000000e+00 : f32
    %gt3A_54 = vector.broadcast %gt3A : f32 to vector<2000x128xf32>
    %gt3A_55 = arith.cmpf ogt, %add3A_53, %gt3A_54 : vector<2000x128xf32>
    %mul3A_56 = arith.constant 0.00999999977 : f32
    %mul3A_57 = vector.broadcast %mul3A_56 : f32 to vector<2000x128xf32>
    %mul3A_58 = arith.mulf %mul3A_57, %add3A_53 : vector<2000x128xf32>
    %select_n3A = arith.select %gt3A_55, %add3A_53, %mul3A_58 : vector<2000x128xi1>, vector<2000x128xf32>
    %get3A_59 = arith.constant 0 : index
    %get3A_60 = arith.constant 0 : index
    %get3A_61 = vector.load %arg9[%get3A_59, %get3A_60] : memref<128x128xf32, #tpu.memory_space<vmem>>, vector<128x128xf32>
    %dot_general3A_62 = arith.constant dense<0.000000e+00> : vector<2000x128xf32>
    %dot_general3A_63 = tpu.matmul %select_n3A, %get3A_61, %dot_general3A_62 {dimension_numbers = #tpu.dot_dimension_numbers<[1], [0], [0], [1], [0, 0, 1, 1], [], []>, precision = #tpu.contract_precision<fp32>, transpose_lhs_hint = false} : vector<2000x128xf32>, vector<128x128xf32>, vector<2000x128xf32> -> vector<2000x128xf32>
    %get3A_64 = arith.constant 0 : index
    %get3A_65 = arith.constant 0 : index
    %get3A_66 = vector.load %arg10[%get3A_64, %get3A_65] : memref<1x128xf32, #tpu.memory_space<vmem>>, vector<1x128xf32>
    %add3A_67 = vector.broadcast %get3A_66 : vector<1x128xf32> to vector<2000x128xf32>
    %add3A_68 = arith.addf %dot_general3A_63, %add3A_67 : vector<2000x128xf32>
    %mul3A_69 = arith.mulf %add3A_68, %add3A_68 : vector<2000x128xf32>
    %reduce_sum3A_70 = arith.constant dense<0.000000e+00> : vector<2000xf32>
    %reduce_sum3A_71 = vector.multi_reduction <add>, %mul3A_69, %reduce_sum3A_70 [1] : vector<2000x128xf32> to vector<2000xf32>
    %broadcast_in_dim3A_72 = vector.shape_cast %reduce_sum3A_71 : vector<2000xf32> to vector<2000x1xf32>
    %sqrt3A_73 = math.sqrt %broadcast_in_dim3A_72 : vector<2000x1xf32>
    %max3A = arith.constant 9.99999996E-13 : f32
    %max3A_74 = vector.broadcast %max3A : f32 to vector<2000x1xf32>
    %max3A_75 = arith.maximumf %sqrt3A_73, %max3A_74 : vector<2000x1xf32>
    %div3A_76 = vector.broadcast %max3A_75 : vector<2000x1xf32> to vector<2000x128xf32>
    %div3A_77 = arith.divf %add3A_68, %div3A_76 : vector<2000x128xf32>
    %gt3A_78 = arith.constant 0.000000e+00 : f32
    %gt3A_79 = vector.broadcast %gt3A_78 : f32 to vector<2000x128xf32>
    %gt3A_80 = arith.cmpf ogt, %div3A_77, %gt3A_79 : vector<2000x128xf32>
    %mul3A_81 = arith.constant 0.00999999977 : f32
    %mul3A_82 = vector.broadcast %mul3A_81 : f32 to vector<2000x128xf32>
    %mul3A_83 = arith.mulf %mul3A_82, %div3A_77 : vector<2000x128xf32>
    %select_n3A_84 = arith.select %gt3A_80, %div3A_77, %mul3A_83 : vector<2000x128xi1>, vector<2000x128xf32>
    %swap3A = arith.constant 0 : index
    %swap3A_85 = arith.constant 0 : index
    %swap3A_86 = vector.load %arg11[%swap3A, %swap3A_85] : memref<2000x128xf32, #tpu.memory_space<vmem>>, vector<2000x128xf32>
    tpu.vector_store %arg11[%swap3A, %swap3A_85], %select_n3A_84 {strides = array<i32>} : memref<2000x128xf32, #tpu.memory_space<vmem>>, vector<2000x128xf32>,
    return
  }
  func.func @transform_0(%arg0: i32) -> i32 {
    %c0_i32 = arith.constant 0 : i32
    %c0_i32_0 = arith.constant 0 : i32
    return %c0_i32 : i32
  }
  func.func @transform_1(%arg0: i32) -> (i32, i32) {
    %c0_i32 = arith.constant 0 : i32
    %c0_i32_0 = arith.constant 0 : i32
    return %arg0, %c0_i32 : i32, i32
  }
  func.func @transform_2(%arg0: i32) -> (i32, i32, i32) {
    %c0_i32 = arith.constant 0 : i32
    %c0_i32_0 = arith.constant 0 : i32
    %c0_i32_1 = arith.constant 0 : i32
    return %c0_i32, %arg0, %c0_i32_0 : i32, i32, i32
  }
  func.func @transform_3(%arg0: i32) -> (i32, i32, i32) {
    %c1_i32 = arith.constant 1 : i32
    %c0_i32 = arith.constant 0 : i32
    %c0_i32_0 = arith.constant 0 : i32
    return %c1_i32, %arg0, %c0_i32 : i32, i32, i32
  }
  func.func @transform_4(%arg0: i32) -> (i32, i32) {
    %c0_i32 = arith.constant 0 : i32
    %c0_i32_0 = arith.constant 0 : i32
    %c0_i32_1 = arith.constant 0 : i32
    return %c0_i32, %c0_i32_0 : i32, i32
  }
  func.func @transform_5(%arg0: i32) -> (i32, i32) {
    %c0_i32 = arith.constant 0 : i32
    %c0_i32_0 = arith.constant 0 : i32
    %c0_i32_1 = arith.constant 0 : i32
    return %c0_i32, %c0_i32_0 : i32, i32
  }
  func.func @transform_6(%arg0: i32) -> (i32, i32) {
    %c0_i32 = arith.constant 0 : i32
    %c0_i32_0 = arith.constant 0 : i32
    %c0_i32_1 = arith.constant 0 : i32
    return %c0_i32, %c0_i32_0 : i32, i32
  }
  func.func @transform_7(%arg0: i32) -> (i32, i32) {
    %c0_i32 = arith.constant 0 : i32
    %c0_i32_0 = arith.constant 0 : i32
    %c0_i32_1 = arith.constant 0 : i32
    return %c0_i32, %c0_i32_0 : i32, i32
  }
  func.func @transform_8(%arg0: i32) -> (i32, i32) {
    %c0_i32 = arith.constant 0 : i32
    %c0_i32_0 = arith.constant 0 : i32
    %c0_i32_1 = arith.constant 0 : i32
    return %c0_i32, %c0_i32_0 : i32, i32
  }
  func.func @transform_9(%arg0: i32) -> (i32, i32) {
    %c0_i32 = arith.constant 0 : i32
    %c0_i32_0 = arith.constant 0 : i32
    %c0_i32_1 = arith.constant 0 : i32
    return %c0_i32, %c0_i32_0 : i32, i32
  }
  func.func @transform_10(%arg0: i32) -> (i32, i32) {
    %c0_i32 = arith.constant 0 : i32
    %c0_i32_0 = arith.constant 0 : i32
    return %arg0, %c0_i32 : i32, i32
  }
}

module attributes {stable_mosaic.version = 14 : i64} {
  func.func @_mlp_body(%arg0: i32, %arg1: memref<1xf32, #tpu.memory_space<smem>>, %arg2: memref<2000x128xf32, #tpu.memory_space<vmem>>, %arg3: memref<1x2000x128xf32, #tpu.memory_space<vmem>>, %arg4: memref<1x2000x128xf32, #tpu.memory_space<vmem>>, %arg5: memref<128x128xf32, #tpu.memory_space<vmem>>, %arg6: memref<1x128xf32, #tpu.memory_space<vmem>>, %arg7: memref<1x128xf32, #tpu.memory_space<vmem>>, %arg8: memref<1x128xf32, #tpu.memory_space<vmem>>, %arg9: memref<128x128xf32, #tpu.memory_space<vmem>>, %arg10: memref<1x128xf32, #tpu.memory_space<vmem>>, %arg11: memref<2000x128xf32, #tpu.memory_space<vmem>>) attributes {dimension_semantics = [#tpu.dimension_semantics<arbitrary>], iteration_bounds = array<i64: 5>, scalar_prefetch = 0 : i64, scratch_operands = 0 : i64, tpu.core_type = #tpu.core_type<tc>, window_params = [{transform_indices = @transform_0, window_bounds = array<i64: 1>}, {transform_indices = @transform_1, window_bounds = array<i64: 2000, 128>}, {transform_indices = @transform_2, window_bounds = array<i64: 1, 2000, 128>}, {transform_indices = @transform_3, window_bounds = array<i64: 1, 2000, 128>}, {pipeline_mode = #tpu.pipeline_mode<synchronous>, transform_indices = @transform_4, window_bounds = array<i64: 128, 128>}, {pipeline_mode = #tpu.pipeline_mode<synchronous>, transform_indices = @transform_5, window_bounds = array<i64: 1, 128>}, {pipeline_mode = #tpu.pipeline_mode<synchronous>, transform_indices = @transform_6, window_bounds = array<i64: 1, 128>}, {pipeline_mode = #tpu.pipeline_mode<synchronous>, transform_indices = @transform_7, window_bounds = array<i64: 1, 128>}, {pipeline_mode = #tpu.pipeline_mode<synchronous>, transform_indices = @transform_8, window_bounds = array<i64: 128, 128>}, {pipeline_mode = #tpu.pipeline_mode<synchronous>, transform_indices = @transform_9, window_bounds = array<i64: 1, 128>}, {transform_indices = @transform_10, window_bounds = array<i64: 2000, 128>}]} {
    %get3A = arith.constant 0 : index
    %get3A_0 = arith.constant 0 : index
    %get3A_1 = vector.load %arg2[%get3A, %get3A_0] : memref<2000x128xf32, #tpu.memory_space<vmem>>, vector<2000x128xf32>
    %get3A_2 = arith.constant 0 : index
    %get3A_3 = memref.load %arg1[%get3A_2] : memref<1xf32, #tpu.memory_space<smem>>
    %add3A = arith.constant 1.000000e+00 : f32
    %add3A_4 = arith.addf %add3A, %get3A_3 : f32
    %mul3A = vector.broadcast %add3A_4 : f32 to vector<2000x128xf32>
    %mul3A_5 = arith.mulf %get3A_1, %mul3A : vector<2000x128xf32>
    %get3A_6 = arith.constant 0 : index
    %get3A_7 = arith.constant 0 : index
    %get3A_8 = arith.constant 0 : index
    %get3A_9 = vector.load %arg3[%get3A_6, %get3A_7, %get3A_8] : memref<1x2000x128xf32, #tpu.memory_space<vmem>>, vector<1x2000x128xf32>
    %get3A_10 = vector.shape_cast %get3A_9 : vector<1x2000x128xf32> to vector<2000x128xf32>
    %add3A_11 = arith.addf %mul3A_5, %get3A_10 : vector<2000x128xf32>
    %get3A_12 = arith.constant 0 : index
    %get3A_13 = arith.constant 0 : index
    %get3A_14 = arith.constant 0 : index
    %get3A_15 = vector.load %arg4[%get3A_12, %get3A_13, %get3A_14] : memref<1x2000x128xf32, #tpu.memory_space<vmem>>, vector<1x2000x128xf32>
    %get3A_16 = vector.shape_cast %get3A_15 : vector<1x2000x128xf32> to vector<2000x128xf32>
    %add3A_17 = arith.addf %add3A_11, %get3A_16 : vector<2000x128xf32>
    %get3A_18 = arith.constant 0 : index
    %get3A_19 = arith.constant 0 : index
    %get3A_20 = vector.load %arg5[%get3A_18, %get3A_19] : memref<128x128xf32, #tpu.memory_space<vmem>>, vector<128x128xf32>
    %dot_general3A = arith.constant dense<0.000000e+00> : vector<2000x128xf32>
    %dot_general3A_21 = tpu.matmul %add3A_17, %get3A_20, %dot_general3A {dimension_numbers = #tpu.dot_dimension_numbers<[1], [0], [0], [1], [0, 0, 1, 1], [], []>, precision = #tpu.contract_precision<fp32>, transpose_lhs_hint = false} : vector<2000x128xf32>, vector<128x128xf32>, vector<2000x128xf32> -> vector<2000x128xf32>
    %get3A_22 = arith.constant 0 : index
    %get3A_23 = arith.constant 0 : index
    %get3A_24 = vector.load %arg6[%get3A_22, %get3A_23] : memref<1x128xf32, #tpu.memory_space<vmem>>, vector<1x128xf32>
    %add3A_25 = vector.broadcast %get3A_24 : vector<1x128xf32> to vector<2000x128xf32>
    %add3A_26 = arith.addf %dot_general3A_21, %add3A_25 : vector<2000x128xf32>
    %reduce_sum3A = arith.constant dense<0.000000e+00> : vector<2000xf32>
    %reduce_sum3A_27 = vector.multi_reduction <add>, %add3A_26, %reduce_sum3A [1] : vector<2000x128xf32> to vector<2000xf32>
    %broadcast_in_dim3A = vector.shape_cast %reduce_sum3A_27 : vector<2000xf32> to vector<2000x1xf32>
    %div3A = arith.constant 1.280000e+02 : f32
    %div3A_28 = vector.broadcast %div3A : f32 to vector<2000x1xf32>
    %div3A_29 = arith.divf %broadcast_in_dim3A, %div3A_28 : vector<2000x1xf32>
    %sub3A = vector.broadcast %div3A_29 : vector<2000x1xf32> to vector<2000x128xf32>
    %sub3A_30 = arith.subf %add3A_26, %sub3A : vector<2000x128xf32>
    %integer_pow3A = arith.mulf %sub3A_30, %sub3A_30 : vector<2000x128xf32>
    %reduce_sum3A_31 = arith.constant dense<0.000000e+00> : vector<2000xf32>
    %reduce_sum3A_32 = vector.multi_reduction <add>, %integer_pow3A, %reduce_sum3A_31 [1] : vector<2000x128xf32> to vector<2000xf32>
    %broadcast_in_dim3A_33 = vector.shape_cast %reduce_sum3A_32 : vector<2000xf32> to vector<2000x1xf32>
    %div3A_34 = arith.constant 1.280000e+02 : f32
    %div3A_35 = vector.broadcast %div3A_34 : f32 to vector<2000x1xf32>
    %div3A_36 = arith.divf %broadcast_in_dim3A_33, %div3A_35 : vector<2000x1xf32>
    %sub3A_37 = vector.broadcast %div3A_29 : vector<2000x1xf32> to vector<2000x128xf32>
    %sub3A_38 = arith.subf %add3A_26, %sub3A_37 : vector<2000x128xf32>
    %add3A_39 = arith.constant 9.99999974E-6 : f32
    %add3A_40 = vector.broadcast %add3A_39 : f32 to vector<2000x1xf32>
    %add3A_41 = arith.addf %div3A_36, %add3A_40 : vector<2000x1xf32>
    %sqrt3A = math.sqrt %add3A_41 : vector<2000x1xf32>
    %div3A_42 = vector.broadcast %sqrt3A : vector<2000x1xf32> to vector<2000x128xf32>
    %div3A_43 = arith.divf %sub3A_38, %div3A_42 : vector<2000x128xf32>
    %get3A_44 = arith.constant 0 : index
    %get3A_45 = arith.constant 0 : index
    %get3A_46 = vector.load %arg7[%get3A_44, %get3A_45] : memref<1x128xf32, #tpu.memory_space<vmem>>, vector<1x128xf32>
    %mul3A_47 = vector.broadcast %get3A_46 : vector<1x128xf32> to vector<2000x128xf32>
    %mul3A_48 = arith.mulf %div3A_43, %mul3A_47 : vector<2000x128xf32>
    %get3A_49 = arith.constant 0 : index
    %get3A_50 = arith.constant 0 : index
    %get3A_51 = vector.load %arg8[%get3A_49, %get3A_50] : memref<1x128xf32, #tpu.memory_space<vmem>>, vector<1x128xf32>
    %add3A_52 = vector.broadcast %get3A_51 : vector<1x128xf32> to vector<2000x128xf32>
    %add3A_53 = arith.addf %mul3A_48, %add3A_52 : vector<2000x128xf32>
    %gt3A = arith.constant 0.000000e+00 : f32
    %gt3A_54 = vector.broadcast %gt3A : f32 to vector<2000x128xf32>
    %gt3A_55 = arith.cmpf ogt, %add3A_53, %gt3A_54 : vector<2000x128xf32>
    %mul3A_56 = arith.constant 0.00999999977 : f32
    %mul3A_57 = vector.broadcast %mul3A_56 : f32 to vector<2000x128xf32>
    %mul3A_58 = arith.mulf %mul3A_57, %add3A_53 : vector<2000x128xf32>
    %select_n3A = arith.select %gt3A_55, %add3A_53, %mul3A_58 : vector<2000x128xi1>, vector<2000x128xf32>
    %get3A_59 = arith.constant 0 : index
    %get3A_60 = arith.constant 0 : index
    %get3A_61 = vector.load %arg9[%get3A_59, %get3A_60] : memref<128x128xf32, #tpu.memory_space<vmem>>, vector<128x128xf32>
    %dot_general3A_62 = arith.constant dense<0.000000e+00> : vector<2000x128xf32>
    %dot_general3A_63 = tpu.matmul %select_n3A, %get3A_61, %dot_general3A_62 {dimension_numbers = #tpu.dot_dimension_numbers<[1], [0], [0], [1], [0, 0, 1, 1], [], []>, precision = #tpu.contract_precision<fp32>, transpose_lhs_hint = false} : vector<2000x128xf32>, vector<128x128xf32>, vector<2000x128xf32> -> vector<2000x128xf32>
    %get3A_64 = arith.constant 0 : index
    %get3A_65 = arith.constant 0 : index
    %get3A_66 = vector.load %arg10[%get3A_64, %get3A_65] : memref<1x128xf32, #tpu.memory_space<vmem>>, vector<1x128xf32>
    %add3A_67 = vector.broadcast %get3A_66 : vector<1x128xf32> to vector<2000x128xf32>
    %add3A_68 = arith.addf %dot_general3A_63, %add3A_67 : vector<2000x128xf32>
    %mul3A_69 = arith.mulf %add3A_68, %add3A_68 : vector<2000x128xf32>
    %reduce_sum3A_70 = arith.constant dense<0.000000e+00> : vector<2000xf32>
    %reduce_sum3A_71 = vector.multi_reduction <add>, %mul3A_69, %reduce_sum3A_70 [1] : vector<2000x128xf32> to vector<2000xf32>
    %broadcast_in_dim3A_72 = vector.shape_cast %reduce_sum3A_71 : vector<2000xf32> to vector<2000x1xf32>
    %sqrt3A_73 = math.sqrt %broadcast_in_dim3A_72 : vector<2000x1xf32>
    %max3A = arith.constant 9.99999996E-13 : f32
    %max3A_74 = vector.broadcast %max3A : f32 to vector<2000x1xf32>
    %max3A_75 = arith.maximumf %sqrt3A_73, %max3A_74 : vector<2000x1xf32>
    %div3A_76 = vector.broadcast %max3A_75 : vector<2000x1xf32> to vector<2000x128xf32>
    %div3A_77 = arith.divf %add3A_68, %div3A_76 : vector<2000x128xf32>
    %swap3A = arith.constant 0 : index
    %swap3A_78 = arith.constant 0 : index
    %swap3A_79 = vector.load %arg11[%swap3A, %swap3A_78] : memref<2000x128xf32, #tpu.memory_space<vmem>>, vector<2000x128xf32>
    tpu.vector_store %arg11[%swap3A, %swap3A_78], %div3A_77 {strides = array<i32>} : memref<2000x128xf32, #tpu.memory_space<vmem>>, vector<2000x128xf32>,
    return
  }
  func.func @transform_0(%arg0: i32) -> i32 {
    %c0_i32 = arith.constant 0 : i32
    %c0_i32_0 = arith.constant 0 : i32
    return %c0_i32 : i32
  }
  func.func @transform_1(%arg0: i32) -> (i32, i32) {
    %c0_i32 = arith.constant 0 : i32
    %c0_i32_0 = arith.constant 0 : i32
    return %arg0, %c0_i32 : i32, i32
  }
  func.func @transform_2(%arg0: i32) -> (i32, i32, i32) {
    %c0_i32 = arith.constant 0 : i32
    %c0_i32_0 = arith.constant 0 : i32
    %c0_i32_1 = arith.constant 0 : i32
    return %c0_i32, %arg0, %c0_i32_0 : i32, i32, i32
  }
  func.func @transform_3(%arg0: i32) -> (i32, i32, i32) {
    %c1_i32 = arith.constant 1 : i32
    %c0_i32 = arith.constant 0 : i32
    %c0_i32_0 = arith.constant 0 : i32
    return %c1_i32, %arg0, %c0_i32 : i32, i32, i32
  }
  func.func @transform_4(%arg0: i32) -> (i32, i32) {
    %c0_i32 = arith.constant 0 : i32
    %c0_i32_0 = arith.constant 0 : i32
    %c0_i32_1 = arith.constant 0 : i32
    return %c0_i32, %c0_i32_0 : i32, i32
  }
  func.func @transform_5(%arg0: i32) -> (i32, i32) {
    %c0_i32 = arith.constant 0 : i32
    %c0_i32_0 = arith.constant 0 : i32
    %c0_i32_1 = arith.constant 0 : i32
    return %c0_i32, %c0_i32_0 : i32, i32
  }
  func.func @transform_6(%arg0: i32) -> (i32, i32) {
    %c0_i32 = arith.constant 0 : i32
    %c0_i32_0 = arith.constant 0 : i32
    %c0_i32_1 = arith.constant 0 : i32
    return %c0_i32, %c0_i32_0 : i32, i32
  }
  func.func @transform_7(%arg0: i32) -> (i32, i32) {
    %c0_i32 = arith.constant 0 : i32
    %c0_i32_0 = arith.constant 0 : i32
    %c0_i32_1 = arith.constant 0 : i32
    return %c0_i32, %c0_i32_0 : i32, i32
  }
  func.func @transform_8(%arg0: i32) -> (i32, i32) {
    %c0_i32 = arith.constant 0 : i32
    %c0_i32_0 = arith.constant 0 : i32
    %c0_i32_1 = arith.constant 0 : i32
    return %c0_i32, %c0_i32_0 : i32, i32
  }
  func.func @transform_9(%arg0: i32) -> (i32, i32) {
    %c0_i32 = arith.constant 0 : i32
    %c0_i32_0 = arith.constant 0 : i32
    %c0_i32_1 = arith.constant 0 : i32
    return %c0_i32, %c0_i32_0 : i32, i32
  }
  func.func @transform_10(%arg0: i32) -> (i32, i32) {
    %c0_i32 = arith.constant 0 : i32
    %c0_i32_0 = arith.constant 0 : i32
    return %arg0, %c0_i32 : i32, i32
  }
}

</mosaic_0001>

<sc_bundles>
// kernel: kernel.6.cloned.1.call-start
scs
__scs_entry_jumppad:
0x0: {  	(pc) =	sbr.rel $0x88, $3  }
0x1: {  	(tag) =	ssettag $0x0;
	lr =	simm.s32 $0x1  }
0x2: {  	[smem:$0x3F91] =	sst lr;
	_ =	strace $0xD0000000  }
0x3: {  	_ = 	snop  }
0x4: {  	_ = 	snop  }
0x5: {  	_ = 	snop  }
0x6: {  	_ = 	snop  }
0x7: {  	_ = 	snop  }
__scs_overlays_trampoline_lowered:
0x8: {  	[smem:$0x3FA0] =	sst s0  }
0x9: {  	[smem:$0x3FA1] =	sst s1  }
0xa: {  	[smem:$0x3FA2] =	sst s2  }
0xb: {  	[smem:$0x3FA3] =	sst s3  }
0xc: {  	[smem:$0x3FA4] =	sst s4  }
0xd: {  	[smem:$0x3FA5] =	sst s5  }
0xe: {  	[smem:$0x3FA6] =	sst s6  }
0xf: {  	[smem:$0x3FA7] =	sst s7  }
0x10: {  	[smem:$0x3FA8] =	sst s8  }
0x11: {  	[smem:$0x3FA9] =	sst s9;
	s0 =	simm.s32 @!p0 $0x0  }
0x12: {  	s1 =	sld [smem:$0x3F8F];
	s0 =	simm.s32 @p0 $0x1  }
0x13: {  	[smem:$0x3FAA] =	sst s0;
	s0 =	simm.s32 @!p1 $0x0  }
0x14: {  	s2 =	sld [smem:$0x3F8E];
	s0 =	simm.s32 @p1 $0x1  }
0x15: {  	[smem:$0x3FAB] =	sst s0;
	s0 =	simm.s32 @!p2 $0x0  }
0x16: {  	s3 =	sld [smem:$0x3FDB];
	s0 =	simm.s32 @p2 $0x1  }
0x17: {  	s4 =	simm.s32 $0x1BF5;
	[smem:$0x3FAD] =	sst s0  }
0x18: {  	s0 =	sld [smem:$0x3F90];
	_ =	swait.ge [sflag:s4], $0x0  }
0x19: {  	s7 =	sld [smem:$0x3F91]  }
0x1a: {  	s8 =	sadd.s32 $0xFFFFE003, lr  }
0x1b: {  	s9 =	sadd.s32 $0xFFFFFEF7, lr;
	s5 =	simm.s32 $0xFFFFFFFF;
	p2 =	slt.u32 s8, $0xFFFFF086  }
0x1c: {  	p1 =	slt.u32 s9, $0xF7A;
	s5 =	simm.s32 @!p2 $0x0  }
0x1d: {  	s5 =	simm.s32 @p1 $0x1;
	p0 =	seq.s32 s7, s2  }
0x1e: {  	s7 =	smul.u32 @!p0 $0xF7A, s2;
	p2 =	seq.s32 @!p0 s5, $0x0  }
0x1f: {  	s9 =	smul.u32 $0xF7A, s1;
	s8 =	simm.s32 @!p0 $0x1BF5;
	p2 =	por !p2, p0  }
0x20: {  	[sflag:s8] =	ssyncset.s32 @!p0 $0xFFFFF086;
	s6 =	sadd.s32 @!p0 s3, s7;
	s7 =	simm.s32 @!p0 $0x108  }
0x21: {  	s3 =	sadd.s32 s3, s9;
	s6 =	sadd.s32 @!p0 $0x88, s6;
	s7 =	simm.s32 @p2 $0x1082  }
0x22: {  	[simem:s7], [sflag:s8] =	dma.local @!p0 [hbm:s6], $0xF7A  }
0x23: {  	s9 =	sor.u32 $0xD0000000, s2;
	s6 =	simm.s32 $0x108;
	_ =	swait.ge @!p0 [sflag:s8], $0x0  }
0x24: {  	s3 =	sadd.s32 $0x88, s3;
	s6 =	simm.s32 @!p1 $0x1082;
	[sflag:s4] =	ssyncset.s32 $0xFFFFF086  }
0x25: {  	[simem:s6], [sflag:s4] =	dma.local [hbm:s3], $0xF7A  }
0x26: {  	[smem:$0x3F91] =	sst s1;
	(tag) =	ssettag s2;
	_ =	strace s9  }
0x27: {  	s1 =	sld [smem:$0x3FA1]  }
0x28: {  	s2 =	sld [smem:$0x3FA2]  }
0x29: {  	s4 =	sld [smem:$0x3FA4]  }
0x2a: {  	p0 =	seq.s32 s5, $0x0;
	s5 =	sld [smem:$0x3FA5]  }
0x2b: {  	s6 =	sld [smem:$0x3FA6]  }
0x2c: {  	s7 =	sld [smem:$0x3FA7]  }
0x2d: {  	s3 =	simm.s32 $0x108;
	s8 =	sld [smem:$0x3FA8]  }
0x2e: {  	s3 =	simm.s32 @!p0 $0x1082;
	s9 =	sld [smem:$0x3FA9]  }
0x2f: {  	lr =	sadd.s32 s0, s3;
	s0 =	sld [smem:$0x3FA0]  }
0x30: {  	s3 =	sld [smem:$0x3FA3]  }
0x31: {  	[smem:$0x3FAC] =	sst s10  }
0x32: {  	s10 =	sld [smem:$0x3FAA];
	_ =	sdelay $0x3  }
0x33: {  	p0 =	seq.s32 s10, $0x1;
	s10 =	sld [smem:$0x3FAC];
	_ =	sdelay $0x3  }
0x34: {  	[smem:$0x3FAC] =	sst s10  }
0x35: {  	s10 =	sld [smem:$0x3FAB];
	_ =	sdelay $0x3  }
0x36: {  	p1 =	seq.s32 s10, $0x1;
	s10 =	sld [smem:$0x3FAC];
	_ =	sdelay $0x3  }
0x37: {  	[smem:$0x3FAC] =	sst s10  }
0x38: {  	s10 =	sld [smem:$0x3FAD]  }
0x39: {  	_ = 	snop;
	(pc) =	sbr.ind lr, $3  }
0x3a: {  	_ = 	snop  }
0x3b: {  	_ = 	snop  }
0x3c: {  	p2 =	seq.s32 s10, $0x1;
	s10 =	sld [smem:$0x3FAC]  }
0x3d: {  	_ =	shalt  }
0x3e: {  	_ =	shalt  }
0x3f: {  	_ =	shalt  }
0x40: {  	_ =	shalt  }
0x41: {  	_ =	shalt  }
0x42: {  	_ =	shalt  }
0x43: {  	_ =	shalt  }
0x44: {  	_ =	shalt  }
0x45: {  	_ =	shalt  }
0x46: {  	_ =	shalt  }
0x47: {  	_ =	shalt  }
0x48: {  	_ =	shalt  }
0x49: {  	_ =	shalt  }
0x4a: {  	_ =	shalt  }
0x4b: {  	_ =	shalt  }
0x4c: {  	_ =	shalt  }
0x4d: {  	_ =	shalt  }
0x4e: {  	_ =	shalt  }
0x4f: {  	_ =	shalt  }
0x50: {  	_ =	shalt  }
0x51: {  	_ =	shalt  }
0x52: {  	_ =	shalt  }
0x53: {  	_ =	shalt  }
0x54: {  	_ =	shalt  }
0x55: {  	_ =	shalt  }
0x56: {  	_ =	shalt  }
0x57: {  	_ =	shalt  }
0x58: {  	_ =	shalt  }
0x59: {  	_ =	shalt  }
0x5a: {  	_ =	shalt  }
0x5b: {  	_ =	shalt  }
0x5c: {  	_ =	shalt  }
0x5d: {  	_ =	shalt  }
0x5e: {  	_ =	shalt  }
0x5f: {  	_ =	shalt  }
0x60: {  	_ =	shalt  }
0x61: {  	_ =	shalt  }
0x62: {  	_ =	shalt  }
0x63: {  	_ =	shalt  }
0x64: {  	_ =	shalt  }
0x65: {  	_ =	shalt  }
0x66: {  	_ =	shalt  }
0x67: {  	_ =	shalt  }
0x68: {  	_ =	shalt  }
0x69: {  	_ =	shalt  }
0x6a: {  	_ =	shalt  }
0x6b: {  	_ =	shalt  }
0x6c: {  	_ =	shalt  }
0x6d: {  	_ =	shalt  }
0x6e: {  	_ =	shalt  }
0x6f: {  	_ =	shalt  }
0x70: {  	_ =	shalt  }
0x71: {  	_ =	shalt  }
0x72: {  	_ =	shalt  }
0x73: {  	_ =	shalt  }
0x74: {  	_ =	shalt  }
0x75: {  	_ =	shalt  }
0x76: {  	_ =	shalt  }
0x77: {  	_ =	shalt  }
0x78: {  	_ =	shalt  }
0x79: {  	_ =	shalt  }
0x7a: {  	_ =	shalt  }
0x7b: {  	_ =	shalt  }
0x7c: {  	_ =	shalt  }
0x7d: {  	_ =	shalt  }
0x7e: {  	_ =	shalt  }
0x7f: {  	_ =	shalt  }
0x80: {  	_ =	shalt  }
0x81: {  	_ =	shalt  }
0x82: {  	_ =	shalt  }
0x83: {  	_ =	shalt  }
0x84: {  	_ =	shalt  }
0x85: {  	_ =	shalt  }
0x86: {  	_ =	shalt  }
0x87: {  	_ =	shalt  }
.Lfunc_end0:
.L_simem_size_0:
called_computation_lowered:
.L_overlay_start_0:
0x88: {  	s2 =	sld [smem:$0x3FD9]  }
0x89: {  	s3 =	sld [smem:$0x3FFE];
	_ =	sdelay $0x1  }
0x8a: {  	s1 =	srdreg.scid  }
0x8b: {  	s0 =	sand.u32 $0x1, s1  }
0x8c: {  	s17 =	sshll.u32 s0, $0xA;
	s2 =	sadd.s32 s3, s2  }
0x8d: {  	s2 =	sadd.s32 s2, s17  }
0x8e: {  	[smem:$0x3FB8] =	sst s2  }
0x8f: {  	_ = 	snop  }
0x90: {  	s2 =	sld [smem:$0x3FC9];
	(tm) =	ssettm $0x1  }
0x91: {  	s18 =	sld [smem:$0x3FFB];
	_ =	sdelay $0x3  }
0x92: {  	_ =	strace s18  }
0x93: {  	s3 =	sld [smem:$0x3FFC];
	_ =	sdelay $0x3  }
0x94: {  	_ =	strace s3  }
0x95: {  	s3 =	sld [smem:$0x3FFD];
	_ =	sdelay $0x3  }
0x96: {  	_ =	strace s3  }
0x97: {  	_ =	strace $0x8FFFFFFF  }
0x98: {  	s19 =	sld [smem:$0x3FDB];
	_ =	sdelay $0x1  }
0x99: {  	s4 =	simm.s32 $_scs_section_size  }
0x9a: {  	s5 =	simm.s32 $_size__tile_overlayer_lowered;
	s6 =	simm.s32 $_tile_overlayer_lowered  }
0x9b: {  	s22 =	simm.s32 $0x1BFF;
	s21 =	sshll.u32 s6, $0x1;
	s3 =	sadd.s32 s4, s19  }
0x9c: {  	s7 =	simm.s32 $0x0;
	s20 =	sshll.u32 s5, $0x1;
	s5 =	sadd.s32 s21, s3  }
0x9d: {  	[timem:s7], [sflag:s22] =	dma.local [hbm:s5], s20  }
0x9e: {  	_ =	swait.ge [sflag:s22], s20  }
0x9f: {  	s4 =	ssub.s32 $0x0, s20;
	[sflag:s22] =	ssyncset.done $0x0  }
0xa0: {  	[sflag:s22] =	ssyncadd.s32 s4;
	_ =	sdelay $0x1  }
0xa1: {  	s23 =	simm.s32 $0x1B8B  }
0xa2: {  	_ =	swait.ge [sflag:s23], $0x1  }
0xa3: {  	[sflag:s23] =	ssyncset.done $0x0  }
0xa4: {  	s25 =	simm.s32 $0x1B8E;
	s24 =	sld [smem:$0x3FFE];
	[sflag:s23] =	ssyncadd.s32 $0xFFFFFFFF  }
0xa5: {  	s26 =	simm.s32 $execute0_lowered;
	[smem:$0x3FD2] =	sst s25  }
0xa6: {  	s5 =	sshll.u32 s26, $0x1;
	_ =	strace $0x80000046;
	[dreg:$0x1] =	wrdreg $0xFFFFFFFF  }
0xa7: {  	s28 =	simm.s32 $_size_execute0_lowered;
	s3 =	sadd.s32 s3, s5;
	[dreg:$0x0] =	wrdreg $0x0  }
0xa8: {  	s5 =	sshll.u32 s28, $0x1;
	[dreg:$0x2] =	wrdreg s3  }
0xa9: {  	[dreg:$0x3] =	wrdreg s5  }
0xaa: {  	[dreg:$0x4] =	wrdreg $0xC0  }
0xab: {  	_ =	task [dreg:s7], $0x5FFFF  }
0xac: {  	[dreg:$0x1] =	wrdreg $0xFFFFFFFF  }
0xad: {  	[dreg:$0x0] =	wrdreg $0x60  }
0xae: {  	[dreg:$0x2] =	wrdreg s2  }
0xaf: {  	[dreg:$0x3] =	wrdreg s24  }
0xb0: {  	[dreg:$0x4] =	wrdreg $0x88000  }
0xb1: {  	[dreg:$0x5] =	wrdreg $0x9  }
0xb2: {  	_ =	task.clear_ibuf [dreg:s7], $0x6FFFF;
	_ =	strace $0x90000046  }
0xb3: {  	s29 =	simm.s32 $0x9;
	_ =	strace $0x80000048  }
0xb4: {  	_ =	swait.ge [sflag:s29], $0x1  }
0xb5: {  	[sflag:s29] =	ssyncadd.s32 $0xFFFFFFFF  }
0xb6: {  	_ =	strace $0x90000048  }
0xb7: {  	_ =	sfence  }
0xb8: {  	s30 =	sld [smem:$0x0];
	_ =	sdelay $0x2  }
0xb9: {  	s31 =	sshll.u32 s1, $0xD;
	s1 =	sshrl.u32 s1, $0x2  }
0xba: {  	s3 =	sand.u32 $0x4000, s31;
	s1 =	sadd.s32 s1, s30  }
0xbb: {  	s0 =	sor.u32 s3, s0;
	s1 =	sshll.u32 s1, $0x11  }
0xbc: {  	s0 =	sor.u32 s1, s0  }
0xbd: {  	s0 =	sadd.s32 $0x8F2B, s0  }
0xbe: {  	[sflag:s0] =	ssyncadd.remote.s32 $0x1  }
0xbf: {  	_ =	sfence.sel $0xFFFF  }
0xc0: {  	[dreg:$0x0] =	wrdreg $0xFFFFFFFF;
	(pc) =	sbr.abs _section_cstart, $3  }
0xc1: {  	[dreg:$0x1] =	wrdreg $0xFFFFFFFF  }
0xc2: {  	_ =	task.clear_ibuf [dreg:s7], $0x2FFFF;
	_ =	strace $0x9FFFFFFF  }
0xc3: {  	(tm) =	ssettm $0x7FFFFFFF  }
tec
execute0_lowered:
.L_overlay_start_1:
0x0: {  	(tag) =	ssettag $0x1  }
0x1: {  	s2 =	rddreg [dreg:$0x0]  }
0x2: {  	s0 =	rddreg [dreg:$0x1]  }
0x3: {  	s3 =	rddreg [dreg:$0x2]  }
0x4: {  	s8 =	stileid.u32;
	s1 =	srdreg.scid  }
0x5: {  	s14 =	simm.s32 $0x5;
	s15 =	simm.s32 $0x400;
	s16 =	simm.s32 $0x1  }
0x6: {  	s17 =	simm.s32 $0x80;
	s18 =	simm.s32 $0x800;
	s4 =	smul.u32 $0x6, s8  }
0x7: {  	s28 =	simm.s32 $0x300;
	s29 =	simm.s32 $0x380;
	s5 =	smul.u32 $0x26, s8  }
0x8: {  	s30 =	simm.s32 $0x480;
	s31 =	simm.s32 $0x600;
	s19 =	smul.u32 $0x13C00, s8  }
0x9: {  	s10 =	simm.s32 $0x0;
	s1 =	sand.u32 $0x1, s1;
	s20 =	smul.u32 $0x4F000, s8  }
0xa: {  	s9 =	sadd.s32 $0x18E00, s0;
	s23 =	sshll.u32 s8, $0x6;
	s8 =	simm.s32 $0x700  }
0xb: {  	p0 =	seq.s32 s1, $0x0;
	s7 =	smul.u32 $0x13C000, s1;
	s1 =	ssub.s32 $0x2, s1  }
0xc: {  	s11 =	sor.u32 $0x1C05, s23;
	s23 =	simm.s32 $0x4;
	s6 =	sadd.s32 $0x260, s4  }
0xd: {  	s4 =	simm.s32 $0x0;
	s21 =	sshrl.u32 s1, $0x1;
	s22 =	sshrl.u32 s20, $0x2  }
0xe: {  	s20 =	simm.s32 $0x3;
	s6 =	smov.u32 @p0 s5;
	[smem:$0x7FF] =	sst s4  }
0xf: {  	s5 =	sadd.s32 s19, s7;
	s1 =	ssub.s32 s1, s21;
	s7 =	simm.s32 $0x12  }
0x10: {  	s19 =	simm.s32 $0x4800;
	s21 =	simm.s32 $0x200;
	s6 =	sshll.u32 s6, $0x7  }
0x11: {  	_ =	strace $0x80000047;
	s5 =	sshrl.u32 s5, $0x3;
	[dreg:$0x4] =	wrdreg s9  }
0x12: {  	s7 =	simm.s32 @!p0 $0x2;
	s26 =	smax.u32 s1, $0x1;
	s1 =	simm.s32 $0x500  }
0x13: {  	s9 =	simm.s32 $0x780;
	s6 =	sadd.s32 s6, s0;
	[dreg:$0x5] =	wrdreg s7  }
0x14: {  	s0 =	sadd.s32 s5, s0;
	s5 =	sadd.s32 s22, s3;
	[dreg:$0x9] =	wrdreg s26  }
0x15: {  	s22 =	simm.s32 $0x100;
	s26 =	simm.s32 $0x2;
	s24 =	sadd.s32 $0x2E00, s6  }
0x16: {  	s25 =	sadd.s32 $0x2E80, s6;
	s0 =	sadd.s32 $0x1B600, s0;
	[dreg:$0x6] =	wrdreg s24  }
0x17: {  	s12 =	sadd.s32 $0x2F00, s6;
	s13 =	sshrl.u32 s5, $0x3;
	[dreg:$0x7] =	wrdreg s25  }
0x18: {  	s5 =	simm.s32 $0x580;
	[dreg:$0x8] =	wrdreg s0;
	s24 =	simm.s32 $0x280  }
0x19: {  	s25 =	simm.s32 $0x180;
	s0 =	simm.s32 $0x680;
	[dreg:$0xa] =	wrdreg s13  }
.LBB2_1:
0x1a: {  	s6 =	rddreg [dreg:$0x4]  }
0x1b: {  	[spmem:s13], [sflag:s11] =	dma.local [hbm:s6], $0x2780  }
0x1c: {  	_ =	swait.ge [sflag:s14], $0x2780  }
0x1d: {  	[sflag:s14] =	ssyncset.done $0x0  }
0x1e: {  	[sflag:s14] =	ssyncadd.s32 $0xFFFFD880  }
0x1f: {  	[bflag:$0x0] =	sbarrier.arrive $0xFFFF  }
0x20: {  	s13 =	rddreg [dreg:$0x6]  }
0x21: {  	[tilespmem:s4], [sflag:$0x1] =	stream.linear.gather [hbm4b:s13+s4], $0x400, $0x38;
	[tilespmem:$0x1C400] =	vst v63  }
0x22: {  	s7 =	smov.u32 s11;
	s11 =	rddreg [dreg:$0x7]  }
0x23: {  	[tilespmem:s15], [sflag:$0x2] =	stream.linear.gather [hbm4b:s11+s4], $0x400, $0x38;
	[tilespmem:$0x1C400] =	vst v63  }
0x24: {  	_ =	swait.ge [sflag:s16], $0x400  }
0x25: {  	[sflag:s16] =	ssyncset.done $0x0  }
0x26: {  	[sflag:s16] =	ssyncadd.s32 $0xFFFFFC00  }
0x27: {  	[tilespmem:s18], [sflag:$0x3] =	stream.indirect.gather [hbm4b:s2+s17], $0x80, s4, s17, $0xb8;
	[tilespmem:$0x1C400] =	vst v63  }
0x28: {  	_ = 	snop  }
0x29: {  	[tilespmem:s19], [sflag:$0x4] =	stream.indirect.gather [hbm4b:s2+s17], $0x80, s17, s17, $0xb8;
	[tilespmem:$0x1C400] =	vst v63  }
0x2a: {  	_ =	swait.ge [sflag:s20], $0x4000  }
0x2b: {  	[sflag:s20] =	ssyncset.done $0x0  }
0x2c: {  	[sflag:s20] =	ssyncadd.s32 $0xFFFFC000  }
0x2d: {  	[spmem:s3] =	stream.indirect.scatter.add.f32 [tilespmem:s18], [sflag:$0x5], $0x80, s21, s17, $0xb8;
	[tilespmem:$0x1C400] =	vst v63  }
0x2e: {  	_ =	swait.ge [sflag:s14], $0x4000  }
0x2f: {  	[sflag:s14] =	ssyncset.done $0x0  }
0x30: {  	[sflag:s14] =	ssyncadd.s32 $0xFFFFC000  }
0x31: {  	[tilespmem:s18], [sflag:$0x3] =	stream.indirect.gather [hbm4b:s2+s17], $0x80, s22, s17, $0xb8;
	[tilespmem:$0x1C400] =	vst v63  }
0x32: {  	_ =	swait.ge [sflag:s23], $0x4000  }
0x33: {  	[sflag:s23] =	ssyncset.done $0x0  }
0x34: {  	[sflag:s23] =	ssyncadd.s32 $0xFFFFC000  }
0x35: {  	[spmem:s3] =	stream.indirect.scatter.add.f32 [tilespmem:s19], [sflag:$0x5], $0x80, s24, s17, $0xb8;
	[tilespmem:$0x1C400] =	vst v63  }
0x36: {  	_ =	swait.ge [sflag:s14], $0x4000  }
0x37: {  	[sflag:s14] =	ssyncset.done $0x0  }
0x38: {  	[sflag:s14] =	ssyncadd.s32 $0xFFFFC000  }
0x39: {  	[tilespmem:s19], [sflag:$0x4] =	stream.indirect.gather [hbm4b:s2+s17], $0x80, s25, s17, $0xb8;
	[tilespmem:$0x1C400] =	vst v63  }
0x3a: {  	_ =	swait.ge [sflag:s26], $0x400  }
0x3b: {  	[sflag:s26] =	ssyncset.done $0x0  }
0x3c: {  	[sflag:s26] =	ssyncadd.s32 $0xFFFFFC00  }
0x3d: {  	_ =	swait.ge [sflag:s20], $0x4000  }
0x3e: {  	[sflag:s20] =	ssyncset.done $0x0  }
0x3f: {  	[sflag:s20] =	ssyncadd.s32 $0xFFFFC000  }
0x40: {  	[spmem:s3] =	stream.indirect.scatter.add.f32 [tilespmem:s18], [sflag:$0x5], $0x80, s28, s17, $0xb8;
	[tilespmem:$0x1C400] =	vst v63  }
0x41: {  	_ =	swait.ge [sflag:s14], $0x4000  }
0x42: {  	[sflag:s14] =	ssyncset.done $0x0  }
0x43: {  	[sflag:s14] =	ssyncadd.s32 $0xFFFFC000  }
0x44: {  	[tilespmem:s18], [sflag:$0x3] =	stream.indirect.gather [hbm4b:s2+s17], $0x80, s15, s17, $0xb8;
	[tilespmem:$0x1C400] =	vst v63  }
0x45: {  	_ =	swait.ge [sflag:s23], $0x4000  }
0x46: {  	[sflag:s23] =	ssyncset.done $0x0  }
0x47: {  	[sflag:s23] =	ssyncadd.s32 $0xFFFFC000  }
0x48: {  	[spmem:s3] =	stream.indirect.scatter.add.f32 [tilespmem:s19], [sflag:$0x5], $0x80, s29, s17, $0xb8;
	[tilespmem:$0x1C400] =	vst v63  }
0x49: {  	_ =	swait.ge [sflag:s14], $0x4000  }
0x4a: {  	[sflag:s14] =	ssyncset.done $0x0  }
0x4b: {  	[sflag:s14] =	ssyncadd.s32 $0xFFFFC000  }
0x4c: {  	[tilespmem:s19], [sflag:$0x4] =	stream.indirect.gather [hbm4b:s2+s17], $0x80, s30, s17, $0xb8;
	[tilespmem:$0x1C400] =	vst v63  }
0x4d: {  	_ = 	snop  }
0x4e: {  	[tilespmem:s4], [sflag:$0x1] =	stream.linear.gather [hbm4b:s12+s4], $0x400, $0x38;
	[tilespmem:$0x1C400] =	vst v63  }
0x4f: {  	_ =	swait.ge [sflag:s20], $0x4000  }
0x50: {  	[sflag:s20] =	ssyncset.done $0x0  }
0x51: {  	[sflag:s20] =	ssyncadd.s32 $0xFFFFC000  }
0x52: {  	[spmem:s3] =	stream.indirect.scatter.add.f32 [tilespmem:s18], [sflag:$0x5], $0x80, s31, s17, $0xb8;
	[tilespmem:$0x1C400] =	vst v63  }
0x53: {  	_ =	swait.ge [sflag:s14], $0x4000  }
0x54: {  	[sflag:s14] =	ssyncset.done $0x0  }
0x55: {  	[sflag:s14] =	ssyncadd.s32 $0xFFFFC000  }
0x56: {  	[tilespmem:s18], [sflag:$0x3] =	stream.indirect.gather [hbm4b:s2+s17], $0x80, s1, s17, $0xb8;
	[tilespmem:$0x1C400] =	vst v63  }
0x57: {  	_ =	swait.ge [sflag:s23], $0x4000  }
0x58: {  	[sflag:s23] =	ssyncset.done $0x0  }
0x59: {  	[sflag:s23] =	ssyncadd.s32 $0xFFFFC000  }
0x5a: {  	[spmem:s3] =	stream.indirect.scatter.add.f32 [tilespmem:s19], [sflag:$0x5], $0x80, s0, s17, $0xb8;
	[tilespmem:$0x1C400] =	vst v63  }
0x5b: {  	_ =	swait.ge [sflag:s14], $0x4000  }
0x5c: {  	[sflag:s14] =	ssyncset.done $0x0  }
0x5d: {  	[sflag:s14] =	ssyncadd.s32 $0xFFFFC000  }
0x5e: {  	[tilespmem:s19], [sflag:$0x4] =	stream.indirect.gather [hbm4b:s2+s17], $0x80, s5, s17, $0xb8;
	[tilespmem:$0x1C400] =	vst v63  }
0x5f: {  	_ =	swait.ge [sflag:s20], $0x4000  }
0x60: {  	[sflag:s20] =	ssyncset.done $0x0  }
0x61: {  	[sflag:s20] =	ssyncadd.s32 $0xFFFFC000  }
0x62: {  	[spmem:s3] =	stream.indirect.scatter.add.f32 [tilespmem:s18], [sflag:$0x5], $0x80, s8, s17, $0xb8;
	[tilespmem:$0x1C400] =	vst v63  }
0x63: {  	_ =	swait.ge [sflag:s14], $0x4000  }
0x64: {  	[sflag:s14] =	ssyncset.done $0x0  }
0x65: {  	[sflag:s14] =	ssyncadd.s32 $0xFFFFC000  }
0x66: {  	_ =	swait.ge [sflag:s23], $0x4000  }
0x67: {  	[sflag:s23] =	ssyncset.done $0x0  }
0x68: {  	[sflag:s23] =	ssyncadd.s32 $0xFFFFC000  }
0x69: {  	[spmem:s3] =	stream.indirect.scatter.add.f32 [tilespmem:s19], [sflag:$0x5], $0x80, s9, s17, $0xb8;
	[tilespmem:$0x1C400] =	vst v63  }
0x6a: {  	_ =	swait.ge [sflag:s14], $0x4000  }
0x6b: {  	s13 =	rddreg [dreg:$0x5]  }
0x6c: {  	p0 =	sne.s32 s13, $0x1  }
.Ltmp0:
0x6d: {  	_ = 	snop;
	(pc) =	sbr.rel @!p0 .LBB2_3-.Ltmp0, $3  }
0x6e: {  	_ =	sdelay $0x1  }
0x6f: {  	s6 =	sadd.s32 $0x100, s12;
	[sflag:s14] =	ssyncset.done $0x0  }
0x70: {  	s11 =	sadd.s32 $0xFFFFFFFF, s13;
	[sflag:s14] =	ssyncadd.s32 $0xFFFFC000;
	s13 =	sadd.s32 $0x80, s12  }
.LBB2_2:
0x71: {  	[tilespmem:s15], [sflag:$0x2] =	stream.linear.gather [hbm4b:s13+s4], $0x400, $0x38;
	[tilespmem:$0x1C400] =	vst v63  }
0x72: {  	p0 =	sne.s32 s11, $0x1;
	s11 =	sadd.s32 $0xFFFFFFFF, s11;
	_ =	swait.ge [sflag:s16], $0x400  }
0x73: {  	[sflag:s16] =	ssyncset.done $0x0  }
0x74: {  	[sflag:s16] =	ssyncadd.s32 $0xFFFFFC00  }
0x75: {  	[tilespmem:s18], [sflag:$0x3] =	stream.indirect.gather [hbm4b:s2+s17], $0x80, s4, s17, $0xb8;
	[tilespmem:$0x1C400] =	vst v63  }
0x76: {  	_ = 	snop  }
0x77: {  	[tilespmem:s19], [sflag:$0x4] =	stream.indirect.gather [hbm4b:s2+s17], $0x80, s17, s17, $0xb8;
	[tilespmem:$0x1C400] =	vst v63  }
0x78: {  	_ =	swait.ge [sflag:s20], $0x4000  }
0x79: {  	[sflag:s20] =	ssyncset.done $0x0  }
0x7a: {  	[sflag:s20] =	ssyncadd.s32 $0xFFFFC000  }
0x7b: {  	[spmem:s3] =	stream.indirect.scatter.add.f32 [tilespmem:s18], [sflag:$0x5], $0x80, s21, s17, $0xb8;
	[tilespmem:$0x1C400] =	vst v63  }
0x7c: {  	_ =	swait.ge [sflag:s14], $0x4000  }
0x7d: {  	[sflag:s14] =	ssyncset.done $0x0  }
0x7e: {  	[sflag:s14] =	ssyncadd.s32 $0xFFFFC000  }
0x7f: {  	[tilespmem:s18], [sflag:$0x3] =	stream.indirect.gather [hbm4b:s2+s17], $0x80, s22, s17, $0xb8;
	[tilespmem:$0x1C400] =	vst v63  }
0x80: {  	_ =	swait.ge [sflag:s23], $0x4000  }
0x81: {  	[sflag:s23] =	ssyncset.done $0x0  }
0x82: {  	[sflag:s23] =	ssyncadd.s32 $0xFFFFC000  }
0x83: {  	[spmem:s3] =	stream.indirect.scatter.add.f32 [tilespmem:s19], [sflag:$0x5], $0x80, s24, s17, $0xb8;
	[tilespmem:$0x1C400] =	vst v63  }
0x84: {  	_ =	swait.ge [sflag:s14], $0x4000  }
0x85: {  	[sflag:s14] =	ssyncset.done $0x0  }
0x86: {  	[sflag:s14] =	ssyncadd.s32 $0xFFFFC000  }
0x87: {  	[tilespmem:s19], [sflag:$0x4] =	stream.indirect.gather [hbm4b:s2+s17], $0x80, s25, s17, $0xb8;
	[tilespmem:$0x1C400] =	vst v63  }
0x88: {  	_ =	swait.ge [sflag:s26], $0x400  }
0x89: {  	[sflag:s26] =	ssyncset.done $0x0  }
0x8a: {  	[sflag:s26] =	ssyncadd.s32 $0xFFFFFC00  }
0x8b: {  	_ =	swait.ge [sflag:s20], $0x4000  }
0x8c: {  	[sflag:s20] =	ssyncset.done $0x0  }
0x8d: {  	[sflag:s20] =	ssyncadd.s32 $0xFFFFC000  }
0x8e: {  	[spmem:s3] =	stream.indirect.scatter.add.f32 [tilespmem:s18], [sflag:$0x5], $0x80, s28, s17, $0xb8;
	[tilespmem:$0x1C400] =	vst v63  }
0x8f: {  	_ =	swait.ge [sflag:s14], $0x4000  }
0x90: {  	[sflag:s14] =	ssyncset.done $0x0  }
0x91: {  	[sflag:s14] =	ssyncadd.s32 $0xFFFFC000  }
0x92: {  	[tilespmem:s18], [sflag:$0x3] =	stream.indirect.gather [hbm4b:s2+s17], $0x80, s15, s17, $0xb8;
	[tilespmem:$0x1C400] =	vst v63  }
0x93: {  	_ =	swait.ge [sflag:s23], $0x4000  }
0x94: {  	[sflag:s23] =	ssyncset.done $0x0  }
0x95: {  	[sflag:s23] =	ssyncadd.s32 $0xFFFFC000  }
0x96: {  	[spmem:s3] =	stream.indirect.scatter.add.f32 [tilespmem:s19], [sflag:$0x5], $0x80, s29, s17, $0xb8;
	[tilespmem:$0x1C400] =	vst v63  }
0x97: {  	_ =	swait.ge [sflag:s14], $0x4000  }
0x98: {  	[sflag:s14] =	ssyncset.done $0x0  }
0x99: {  	[sflag:s14] =	ssyncadd.s32 $0xFFFFC000  }
0x9a: {  	[tilespmem:s19], [sflag:$0x4] =	stream.indirect.gather [hbm4b:s2+s17], $0x80, s30, s17, $0xb8;
	[tilespmem:$0x1C400] =	vst v63  }
0x9b: {  	_ = 	snop  }
0x9c: {  	[tilespmem:s4], [sflag:$0x1] =	stream.linear.gather [hbm4b:s6+s4], $0x400, $0x38;
	[tilespmem:$0x1C400] =	vst v63  }
0x9d: {  	_ =	swait.ge [sflag:s20], $0x4000  }
0x9e: {  	[sflag:s20] =	ssyncset.done $0x0  }
0x9f: {  	[sflag:s20] =	ssyncadd.s32 $0xFFFFC000  }
0xa0: {  	[spmem:s3] =	stream.indirect.scatter.add.f32 [tilespmem:s18], [sflag:$0x5], $0x80, s31, s17, $0xb8;
	[tilespmem:$0x1C400] =	vst v63  }
0xa1: {  	_ =	swait.ge [sflag:s14], $0x4000  }
0xa2: {  	[sflag:s14] =	ssyncset.done $0x0  }
0xa3: {  	[sflag:s14] =	ssyncadd.s32 $0xFFFFC000  }
0xa4: {  	[tilespmem:s18], [sflag:$0x3] =	stream.indirect.gather [hbm4b:s2+s17], $0x80, s1, s17, $0xb8;
	[tilespmem:$0x1C400] =	vst v63  }
0xa5: {  	_ =	swait.ge [sflag:s23], $0x4000  }
0xa6: {  	[sflag:s23] =	ssyncset.done $0x0  }
0xa7: {  	[sflag:s23] =	ssyncadd.s32 $0xFFFFC000  }
0xa8: {  	[spmem:s3] =	stream.indirect.scatter.add.f32 [tilespmem:s19], [sflag:$0x5], $0x80, s0, s17, $0xb8;
	[tilespmem:$0x1C400] =	vst v63  }
0xa9: {  	_ =	swait.ge [sflag:s14], $0x4000  }
0xaa: {  	[sflag:s14] =	ssyncset.done $0x0  }
0xab: {  	[sflag:s14] =	ssyncadd.s32 $0xFFFFC000  }
0xac: {  	[tilespmem:s19], [sflag:$0x4] =	stream.indirect.gather [hbm4b:s2+s17], $0x80, s5, s17, $0xb8;
	[tilespmem:$0x1C400] =	vst v63  }
0xad: {  	_ =	swait.ge [sflag:s20], $0x4000  }
0xae: {  	[sflag:s20] =	ssyncset.done $0x0  }
0xaf: {  	[sflag:s20] =	ssyncadd.s32 $0xFFFFC000  }
0xb0: {  	[spmem:s3] =	stream.indirect.scatter.add.f32 [tilespmem:s18], [sflag:$0x5], $0x80, s8, s17, $0xb8;
	[tilespmem:$0x1C400] =	vst v63  }
0xb1: {  	_ =	swait.ge [sflag:s14], $0x4000  }
0xb2: {  	[sflag:s14] =	ssyncset.done $0x0  }
0xb3: {  	[sflag:s14] =	ssyncadd.s32 $0xFFFFC000  }
0xb4: {  	_ =	swait.ge [sflag:s23], $0x4000  }
0xb5: {  	[sflag:s23] =	ssyncset.done $0x0  }
.Ltmp1:
0xb6: {  	[sflag:s23] =	ssyncadd.s32 $0xFFFFC000;
	(pc) =	sbr.rel @p0 .LBB2_2-.Ltmp1, $4  }
0xb7: {  	[spmem:s3] =	stream.indirect.scatter.add.f32 [tilespmem:s19], [sflag:$0x5], $0x80, s9, s17, $0xb8;
	[tilespmem:$0x1C400] =	vst v63  }
0xb8: {  	_ =	swait.ge [sflag:s14], $0x4000  }
0xb9: {  	[sflag:s14] =	ssyncset.done $0x0  }
0xba: {  	s13 =	sadd.s32 $0x80, s6;
	s6 =	sadd.s32 $0x100, s6;
	[sflag:s14] =	ssyncadd.s32 $0xFFFFC000  }
.LBB2_3:
0xbb: {  	[tilespmem:s15], [sflag:$0x2] =	stream.linear.gather [hbm4b:s13+s4], $0x400, $0x38;
	[tilespmem:$0x1C400] =	vst v63  }
0xbc: {  	_ =	swait.ge [sflag:s16], $0x400  }
0xbd: {  	[sflag:s16] =	ssyncset.done $0x0  }
0xbe: {  	[sflag:s16] =	ssyncadd.s32 $0xFFFFFC00  }
0xbf: {  	_ =	swait.ge [sflag:s26], $0x400  }
0xc0: {  	[sflag:s26] =	ssyncset.done $0x0  }
0xc1: {  	[sflag:s26] =	ssyncadd.s32 $0xFFFFFC00  }
0xc2: {  	[bflag:$0x0] =	sbarrier.arrive $0xFFFF  }
0xc3: {  	s6 =	rddreg [dreg:$0x8]  }
0xc4: {  	s13 =	rddreg [dreg:$0xa]  }
0xc5: {  	[hbm:s6], [sflag:s7] =	dma.local [spmem:s13], $0x2780  }
0xc6: {  	_ =	swait.ge [sflag:s14], $0x2780  }
0xc7: {  	s11 =	smov.u32 s7;
	s10 =	sadd.s32 $0x1, s10;
	s7 =	rddreg [dreg:$0x9]  }
0xc8: {  	p0 =	sne.s32 s10, s7  }
.Ltmp2:
0xc9: {  	_ = 	snop;
	(pc) =	sbr.rel @p0 .LBB2_1-.Ltmp2, $3  }
0xca: {  	_ =	sdelay $0x1  }
0xcb: {  	[sflag:s14] =	ssyncset.done $0x0  }
0xcc: {  	[sflag:s14] =	ssyncadd.s32 $0xFFFFD880  }
0xcd: {  	_ =	sfence.sel $0x180000  }
0xce: {  	[bflag:$0x0] =	sbarrier.arrive $0xFFFF  }
0xcf: {  	_ =	strace $0x90000047  }
0xd0: {  	s0 =	stileid.u32;
	[bflag:$0x2] =	sbarrier.arrive $0xFFFF  }
0xd1: {  	p0 =	sne.s32 s0, $0x0;
	s0 =	rddreg [dreg:$0x3]  }
0xd2: {  	s0 =	sadd.s32 @!p0 $0x100000, s0  }
0xd3: {  	[sflag:s0] =	ssyncadd.tile.s32 @!p0 $0x1;
	_ =	shalt  }
.Lfunc_end2:
_tile_overlayer_lowered:
.L_overlay_start_2:
0xd4: {  	(tag) =	ssettag $0x2  }
0xd5: {  	s0 =	rddreg [dreg:$0x0];
	s2 =	stileid.u32  }
0xd6: {  	s1 =	rddreg [dreg:$0x1];
	p0 =	sne.s32 s2, $0x0  }
0xd7: {  	s3 =	rddreg [dreg:$0x2];
	[bflag:$0x3] =	sbarrier.arrive $0xFFFF;
	s2 =	simm.s32 @!p0 $0x1C05  }
0xd8: {  	[timem:s3], [sflag:s2] =	dma.local @!p0 [hbm:s0], s1  }
0xd9: {  	s0 =	simm.s32 @!p0 $0x5  }
0xda: {  	_ =	swait.ge @!p0 [sflag:s0], s1  }
0xdb: {  	s1 =	ssub.s32 @!p0 $0x0, s1;
	[sflag:s0] =	ssyncset.done @!p0 $0x0  }
0xdc: {  	[sflag:s0] =	ssyncadd.s32 @!p0 s1  }
0xdd: {  	[bflag:$0x3] =	sbarrier.arrive $0xFFFF  }
0xde: {  	_ =	shalt  }

// kernel: kernel.9.cloned.1.call-start
scs
__scs_entry_jumppad:
0x0: {  	(pc) =	sbr.rel $0x88, $3  }
0x1: {  	(tag) =	ssettag $0x0;
	lr =	simm.s32 $0x1  }
0x2: {  	[smem:$0x3F91] =	sst lr;
	_ =	strace $0xD0000000  }
0x3: {  	_ = 	snop  }
0x4: {  	_ = 	snop  }
0x5: {  	_ = 	snop  }
0x6: {  	_ = 	snop  }
0x7: {  	_ = 	snop  }
__scs_overlays_trampoline_lowered:
0x8: {  	[smem:$0x3FA0] =	sst s0  }
0x9: {  	[smem:$0x3FA1] =	sst s1  }
0xa: {  	[smem:$0x3FA2] =	sst s2  }
0xb: {  	[smem:$0x3FA3] =	sst s3  }
0xc: {  	[smem:$0x3FA4] =	sst s4  }
0xd: {  	[smem:$0x3FA5] =	sst s5  }
0xe: {  	[smem:$0x3FA6] =	sst s6  }
0xf: {  	[smem:$0x3FA7] =	sst s7  }
0x10: {  	[smem:$0x3FA8] =	sst s8  }
0x11: {  	[smem:$0x3FA9] =	sst s9;
	s0 =	simm.s32 @!p0 $0x0  }
0x12: {  	s1 =	sld [smem:$0x3F8F];
	s0 =	simm.s32 @p0 $0x1  }
0x13: {  	[smem:$0x3FAA] =	sst s0;
	s0 =	simm.s32 @!p1 $0x0  }
0x14: {  	s2 =	sld [smem:$0x3F8E];
	s0 =	simm.s32 @p1 $0x1  }
0x15: {  	[smem:$0x3FAB] =	sst s0;
	s0 =	simm.s32 @!p2 $0x0  }
0x16: {  	s3 =	sld [smem:$0x3FDB];
	s0 =	simm.s32 @p2 $0x1  }
0x17: {  	s4 =	simm.s32 $0x1BF5;
	[smem:$0x3FAD] =	sst s0  }
0x18: {  	s0 =	sld [smem:$0x3F90];
	_ =	swait.ge [sflag:s4], $0x0  }
0x19: {  	s7 =	sld [smem:$0x3F91]  }
0x1a: {  	s8 =	sadd.s32 $0xFFFFE003, lr  }
0x1b: {  	s9 =	sadd.s32 $0xFFFFFEF7, lr;
	s5 =	simm.s32 $0xFFFFFFFF;
	p2 =	slt.u32 s8, $0xFFFFF086  }
0x1c: {  	p1 =	slt.u32 s9, $0xF7A;
	s5 =	simm.s32 @!p2 $0x0  }
0x1d: {  	s5 =	simm.s32 @p1 $0x1;
	p0 =	seq.s32 s7, s2  }
0x1e: {  	s7 =	smul.u32 @!p0 $0xF7A, s2;
	p2 =	seq.s32 @!p0 s5, $0x0  }
0x1f: {  	s9 =	smul.u32 $0xF7A, s1;
	s8 =	simm.s32 @!p0 $0x1BF5;
	p2 =	por !p2, p0  }
0x20: {  	[sflag:s8] =	ssyncset.s32 @!p0 $0xFFFFF086;
	s6 =	sadd.s32 @!p0 s3, s7;
	s7 =	simm.s32 @!p0 $0x108  }
0x21: {  	s3 =	sadd.s32 s3, s9;
	s6 =	sadd.s32 @!p0 $0x88, s6;
	s7 =	simm.s32 @p2 $0x1082  }
0x22: {  	[simem:s7], [sflag:s8] =	dma.local @!p0 [hbm:s6], $0xF7A  }
0x23: {  	s9 =	sor.u32 $0xD0000000, s2;
	s6 =	simm.s32 $0x108;
	_ =	swait.ge @!p0 [sflag:s8], $0x0  }
0x24: {  	s3 =	sadd.s32 $0x88, s3;
	s6 =	simm.s32 @!p1 $0x1082;
	[sflag:s4] =	ssyncset.s32 $0xFFFFF086  }
0x25: {  	[simem:s6], [sflag:s4] =	dma.local [hbm:s3], $0xF7A  }
0x26: {  	[smem:$0x3F91] =	sst s1;
	(tag) =	ssettag s2;
	_ =	strace s9  }
0x27: {  	s1 =	sld [smem:$0x3FA1]  }
0x28: {  	s2 =	sld [smem:$0x3FA2]  }
0x29: {  	s4 =	sld [smem:$0x3FA4]  }
0x2a: {  	p0 =	seq.s32 s5, $0x0;
	s5 =	sld [smem:$0x3FA5]  }
0x2b: {  	s6 =	sld [smem:$0x3FA6]  }
0x2c: {  	s7 =	sld [smem:$0x3FA7]  }
0x2d: {  	s3 =	simm.s32 $0x108;
	s8 =	sld [smem:$0x3FA8]  }
0x2e: {  	s3 =	simm.s32 @!p0 $0x1082;
	s9 =	sld [smem:$0x3FA9]  }
0x2f: {  	lr =	sadd.s32 s0, s3;
	s0 =	sld [smem:$0x3FA0]  }
0x30: {  	s3 =	sld [smem:$0x3FA3]  }
0x31: {  	[smem:$0x3FAC] =	sst s10  }
0x32: {  	s10 =	sld [smem:$0x3FAA];
	_ =	sdelay $0x3  }
0x33: {  	p0 =	seq.s32 s10, $0x1;
	s10 =	sld [smem:$0x3FAC];
	_ =	sdelay $0x3  }
0x34: {  	[smem:$0x3FAC] =	sst s10  }
0x35: {  	s10 =	sld [smem:$0x3FAB];
	_ =	sdelay $0x3  }
0x36: {  	p1 =	seq.s32 s10, $0x1;
	s10 =	sld [smem:$0x3FAC];
	_ =	sdelay $0x3  }
0x37: {  	[smem:$0x3FAC] =	sst s10  }
0x38: {  	s10 =	sld [smem:$0x3FAD]  }
0x39: {  	_ = 	snop;
	(pc) =	sbr.ind lr, $3  }
0x3a: {  	_ = 	snop  }
0x3b: {  	_ = 	snop  }
0x3c: {  	p2 =	seq.s32 s10, $0x1;
	s10 =	sld [smem:$0x3FAC]  }
0x3d: {  	_ =	shalt  }
0x3e: {  	_ =	shalt  }
0x3f: {  	_ =	shalt  }
0x40: {  	_ =	shalt  }
0x41: {  	_ =	shalt  }
0x42: {  	_ =	shalt  }
0x43: {  	_ =	shalt  }
0x44: {  	_ =	shalt  }
0x45: {  	_ =	shalt  }
0x46: {  	_ =	shalt  }
0x47: {  	_ =	shalt  }
0x48: {  	_ =	shalt  }
0x49: {  	_ =	shalt  }
0x4a: {  	_ =	shalt  }
0x4b: {  	_ =	shalt  }
0x4c: {  	_ =	shalt  }
0x4d: {  	_ =	shalt  }
0x4e: {  	_ =	shalt  }
0x4f: {  	_ =	shalt  }
0x50: {  	_ =	shalt  }
0x51: {  	_ =	shalt  }
0x52: {  	_ =	shalt  }
0x53: {  	_ =	shalt  }
0x54: {  	_ =	shalt  }
0x55: {  	_ =	shalt  }
0x56: {  	_ =	shalt  }
0x57: {  	_ =	shalt  }
0x58: {  	_ =	shalt  }
0x59: {  	_ =	shalt  }
0x5a: {  	_ =	shalt  }
0x5b: {  	_ =	shalt  }
0x5c: {  	_ =	shalt  }
0x5d: {  	_ =	shalt  }
0x5e: {  	_ =	shalt  }
0x5f: {  	_ =	shalt  }
0x60: {  	_ =	shalt  }
0x61: {  	_ =	shalt  }
0x62: {  	_ =	shalt  }
0x63: {  	_ =	shalt  }
0x64: {  	_ =	shalt  }
0x65: {  	_ =	shalt  }
0x66: {  	_ =	shalt  }
0x67: {  	_ =	shalt  }
0x68: {  	_ =	shalt  }
0x69: {  	_ =	shalt  }
0x6a: {  	_ =	shalt  }
0x6b: {  	_ =	shalt  }
0x6c: {  	_ =	shalt  }
0x6d: {  	_ =	shalt  }
0x6e: {  	_ =	shalt  }
0x6f: {  	_ =	shalt  }
0x70: {  	_ =	shalt  }
0x71: {  	_ =	shalt  }
0x72: {  	_ =	shalt  }
0x73: {  	_ =	shalt  }
0x74: {  	_ =	shalt  }
0x75: {  	_ =	shalt  }
0x76: {  	_ =	shalt  }
0x77: {  	_ =	shalt  }
0x78: {  	_ =	shalt  }
0x79: {  	_ =	shalt  }
0x7a: {  	_ =	shalt  }
0x7b: {  	_ =	shalt  }
0x7c: {  	_ =	shalt  }
0x7d: {  	_ =	shalt  }
0x7e: {  	_ =	shalt  }
0x7f: {  	_ =	shalt  }
0x80: {  	_ =	shalt  }
0x81: {  	_ =	shalt  }
0x82: {  	_ =	shalt  }
0x83: {  	_ =	shalt  }
0x84: {  	_ =	shalt  }
0x85: {  	_ =	shalt  }
0x86: {  	_ =	shalt  }
0x87: {  	_ =	shalt  }
.Lfunc_end0:
.L_simem_size_0:
called_computation.1_lowered:
.L_overlay_start_0:
0x88: {  	s2 =	sld [smem:$0x3FD9]  }
0x89: {  	s3 =	sld [smem:$0x3FFE];
	_ =	sdelay $0x1  }
0x8a: {  	s1 =	srdreg.scid  }
0x8b: {  	s0 =	sand.u32 $0x1, s1  }
0x8c: {  	s17 =	sshll.u32 s0, $0xA;
	s2 =	sadd.s32 s3, s2  }
0x8d: {  	s2 =	sadd.s32 s2, s17  }
0x8e: {  	[smem:$0x3FB8] =	sst s2  }
0x8f: {  	_ = 	snop  }
0x90: {  	s2 =	sld [smem:$0x3FD0];
	(tm) =	ssettm $0x1  }
0x91: {  	s18 =	sld [smem:$0x3FFB];
	_ =	sdelay $0x3  }
0x92: {  	_ =	strace s18  }
0x93: {  	s3 =	sld [smem:$0x3FFC];
	_ =	sdelay $0x3  }
0x94: {  	_ =	strace s3  }
0x95: {  	s3 =	sld [smem:$0x3FFD];
	_ =	sdelay $0x3  }
0x96: {  	_ =	strace s3  }
0x97: {  	_ =	strace $0x8FFFFFFF  }
0x98: {  	s19 =	sld [smem:$0x3FDB];
	_ =	sdelay $0x1  }
0x99: {  	s4 =	simm.s32 $_scs_section_size  }
0x9a: {  	s5 =	simm.s32 $_size__tile_overlayer_lowered;
	s6 =	simm.s32 $_tile_overlayer_lowered  }
0x9b: {  	s22 =	simm.s32 $0x1BFF;
	s21 =	sshll.u32 s6, $0x1;
	s3 =	sadd.s32 s4, s19  }
0x9c: {  	s7 =	simm.s32 $0x0;
	s20 =	sshll.u32 s5, $0x1;
	s5 =	sadd.s32 s21, s3  }
0x9d: {  	[timem:s7], [sflag:s22] =	dma.local [hbm:s5], s20  }
0x9e: {  	_ =	swait.ge [sflag:s22], s20  }
0x9f: {  	s4 =	ssub.s32 $0x0, s20;
	[sflag:s22] =	ssyncset.done $0x0  }
0xa0: {  	[sflag:s22] =	ssyncadd.s32 s4;
	_ =	sdelay $0x1  }
0xa1: {  	s23 =	simm.s32 $0x1B8B  }
0xa2: {  	_ =	swait.ge [sflag:s23], $0x1  }
0xa3: {  	[sflag:s23] =	ssyncset.done $0x0  }
0xa4: {  	s25 =	simm.s32 $0x1B8E;
	s24 =	sld [smem:$0x3FFE];
	[sflag:s23] =	ssyncadd.s32 $0xFFFFFFFF  }
0xa5: {  	s26 =	simm.s32 $execute0_lowered;
	[smem:$0x3FD2] =	sst s25  }
0xa6: {  	s5 =	sshll.u32 s26, $0x1;
	_ =	strace $0x80000049;
	[dreg:$0x1] =	wrdreg $0xFFFFFFFF  }
0xa7: {  	s28 =	simm.s32 $_size_execute0_lowered;
	s3 =	sadd.s32 s3, s5;
	[dreg:$0x0] =	wrdreg $0x0  }
0xa8: {  	s5 =	sshll.u32 s28, $0x1;
	[dreg:$0x2] =	wrdreg s3  }
0xa9: {  	[dreg:$0x3] =	wrdreg s5  }
0xaa: {  	[dreg:$0x4] =	wrdreg $0xC0  }
0xab: {  	_ =	task [dreg:s7], $0x5FFFF  }
0xac: {  	[dreg:$0x1] =	wrdreg $0xFFFFFFFF  }
0xad: {  	[dreg:$0x0] =	wrdreg $0x60  }
0xae: {  	[dreg:$0x2] =	wrdreg s2  }
0xaf: {  	[dreg:$0x3] =	wrdreg s24  }
0xb0: {  	[dreg:$0x4] =	wrdreg $0x88000  }
0xb1: {  	[dreg:$0x5] =	wrdreg $0x9  }
0xb2: {  	_ =	task.clear_ibuf [dreg:s7], $0x6FFFF;
	_ =	strace $0x90000049  }
0xb3: {  	s29 =	simm.s32 $0x9;
	_ =	strace $0x8000004B  }
0xb4: {  	_ =	swait.ge [sflag:s29], $0x1  }
0xb5: {  	[sflag:s29] =	ssyncadd.s32 $0xFFFFFFFF  }
0xb6: {  	_ =	strace $0x9000004B  }
0xb7: {  	_ =	sfence  }
0xb8: {  	s30 =	sld [smem:$0x0];
	_ =	sdelay $0x2  }
0xb9: {  	s31 =	sshll.u32 s1, $0xD;
	s1 =	sshrl.u32 s1, $0x2  }
0xba: {  	s3 =	sand.u32 $0x4000, s31;
	s1 =	sadd.s32 s1, s30  }
0xbb: {  	s0 =	sor.u32 s3, s0;
	s1 =	sshll.u32 s1, $0x11  }
0xbc: {  	s0 =	sor.u32 s1, s0  }
0xbd: {  	s0 =	sadd.s32 $0x8F2B, s0  }
0xbe: {  	[sflag:s0] =	ssyncadd.remote.s32 $0x1  }
0xbf: {  	_ =	sfence.sel $0xFFFF  }
0xc0: {  	[dreg:$0x0] =	wrdreg $0xFFFFFFFF;
	(pc) =	sbr.abs _section_cstart, $3  }
0xc1: {  	[dreg:$0x1] =	wrdreg $0xFFFFFFFF  }
0xc2: {  	_ =	task.clear_ibuf [dreg:s7], $0x2FFFF;
	_ =	strace $0x9FFFFFFF  }
0xc3: {  	(tm) =	ssettm $0x7FFFFFFF  }
tec
execute0_lowered:
.L_overlay_start_1:
0x0: {  	(tag) =	ssettag $0x1  }
0x1: {  	s2 =	rddreg [dreg:$0x0]  }
0x2: {  	s0 =	rddreg [dreg:$0x1]  }
0x3: {  	s3 =	rddreg [dreg:$0x2]  }
0x4: {  	s8 =	stileid.u32;
	s1 =	srdreg.scid  }
0x5: {  	s14 =	simm.s32 $0x5;
	s15 =	simm.s32 $0x400;
	s16 =	simm.s32 $0x1  }
0x6: {  	s17 =	simm.s32 $0x80;
	s18 =	simm.s32 $0x800;
	s4 =	smul.u32 $0x6, s8  }
0x7: {  	s28 =	simm.s32 $0x300;
	s29 =	simm.s32 $0x380;
	s5 =	smul.u32 $0x26, s8  }
0x8: {  	s30 =	simm.s32 $0x480;
	s31 =	simm.s32 $0x600;
	s19 =	smul.u32 $0x13C00, s8  }
0x9: {  	s10 =	simm.s32 $0x0;
	s1 =	sand.u32 $0x1, s1;
	s20 =	smul.u32 $0x4F000, s8  }
0xa: {  	s9 =	sadd.s32 $0x18E00, s0;
	s23 =	sshll.u32 s8, $0x6;
	s8 =	simm.s32 $0x700  }
0xb: {  	p0 =	seq.s32 s1, $0x0;
	s7 =	smul.u32 $0x13C000, s1;
	s1 =	ssub.s32 $0x2, s1  }
0xc: {  	s11 =	sor.u32 $0x1C05, s23;
	s23 =	simm.s32 $0x4;
	s6 =	sadd.s32 $0x260, s4  }
0xd: {  	s4 =	simm.s32 $0x0;
	s21 =	sshrl.u32 s1, $0x1;
	s22 =	sshrl.u32 s20, $0x2  }
0xe: {  	s20 =	simm.s32 $0x3;
	s6 =	smov.u32 @p0 s5;
	[smem:$0x7FF] =	sst s4  }
0xf: {  	s5 =	sadd.s32 s19, s7;
	s1 =	ssub.s32 s1, s21;
	s7 =	simm.s32 $0x12  }
0x10: {  	s19 =	simm.s32 $0x4800;
	s21 =	simm.s32 $0x200;
	s6 =	sshll.u32 s6, $0x7  }
0x11: {  	_ =	strace $0x8000004A;
	s5 =	sshrl.u32 s5, $0x3;
	[dreg:$0x4] =	wrdreg s9  }
0x12: {  	s7 =	simm.s32 @!p0 $0x2;
	s26 =	smax.u32 s1, $0x1;
	s1 =	simm.s32 $0x500  }
0x13: {  	s9 =	simm.s32 $0x780;
	s6 =	sadd.s32 s6, s0;
	[dreg:$0x5] =	wrdreg s7  }
0x14: {  	s0 =	sadd.s32 s5, s0;
	s5 =	sadd.s32 s22, s3;
	[dreg:$0x9] =	wrdreg s26  }
0x15: {  	s22 =	simm.s32 $0x100;
	s26 =	simm.s32 $0x2;
	s24 =	sadd.s32 $0x2E00, s6  }
0x16: {  	s25 =	sadd.s32 $0x2E80, s6;
	s0 =	sadd.s32 $0x1B600, s0;
	[dreg:$0x6] =	wrdreg s24  }
0x17: {  	s12 =	sadd.s32 $0x2F00, s6;
	s13 =	sshrl.u32 s5, $0x3;
	[dreg:$0x7] =	wrdreg s25  }
0x18: {  	s5 =	simm.s32 $0x580;
	[dreg:$0x8] =	wrdreg s0;
	s24 =	simm.s32 $0x280  }
0x19: {  	s25 =	simm.s32 $0x180;
	s0 =	simm.s32 $0x680;
	[dreg:$0xa] =	wrdreg s13  }
.LBB2_1:
0x1a: {  	s6 =	rddreg [dreg:$0x4]  }
0x1b: {  	[spmem:s13], [sflag:s11] =	dma.local [hbm:s6], $0x2780  }
0x1c: {  	_ =	swait.ge [sflag:s14], $0x2780  }
0x1d: {  	[sflag:s14] =	ssyncset.done $0x0  }
0x1e: {  	[sflag:s14] =	ssyncadd.s32 $0xFFFFD880  }
0x1f: {  	[bflag:$0x0] =	sbarrier.arrive $0xFFFF  }
0x20: {  	s13 =	rddreg [dreg:$0x6]  }
0x21: {  	[tilespmem:s4], [sflag:$0x1] =	stream.linear.gather [hbm4b:s13+s4], $0x400, $0x38;
	[tilespmem:$0x1C400] =	vst v63  }
0x22: {  	s7 =	smov.u32 s11;
	s11 =	rddreg [dreg:$0x7]  }
0x23: {  	[tilespmem:s15], [sflag:$0x2] =	stream.linear.gather [hbm4b:s11+s4], $0x400, $0x38;
	[tilespmem:$0x1C400] =	vst v63  }
0x24: {  	_ =	swait.ge [sflag:s16], $0x400  }
0x25: {  	[sflag:s16] =	ssyncset.done $0x0  }
0x26: {  	[sflag:s16] =	ssyncadd.s32 $0xFFFFFC00  }
0x27: {  	[tilespmem:s18], [sflag:$0x3] =	stream.indirect.gather [hbm4b:s2+s17], $0x80, s4, s17, $0xb8;
	[tilespmem:$0x1C400] =	vst v63  }
0x28: {  	_ = 	snop  }
0x29: {  	[tilespmem:s19], [sflag:$0x4] =	stream.indirect.gather [hbm4b:s2+s17], $0x80, s17, s17, $0xb8;
	[tilespmem:$0x1C400] =	vst v63  }
0x2a: {  	_ =	swait.ge [sflag:s20], $0x4000  }
0x2b: {  	[sflag:s20] =	ssyncset.done $0x0  }
0x2c: {  	[sflag:s20] =	ssyncadd.s32 $0xFFFFC000  }
0x2d: {  	[spmem:s3] =	stream.indirect.scatter.add.f32 [tilespmem:s18], [sflag:$0x5], $0x80, s21, s17, $0xb8;
	[tilespmem:$0x1C400] =	vst v63  }
0x2e: {  	_ =	swait.ge [sflag:s14], $0x4000  }
0x2f: {  	[sflag:s14] =	ssyncset.done $0x0  }
0x30: {  	[sflag:s14] =	ssyncadd.s32 $0xFFFFC000  }
0x31: {  	[tilespmem:s18], [sflag:$0x3] =	stream.indirect.gather [hbm4b:s2+s17], $0x80, s22, s17, $0xb8;
	[tilespmem:$0x1C400] =	vst v63  }
0x32: {  	_ =	swait.ge [sflag:s23], $0x4000  }
0x33: {  	[sflag:s23] =	ssyncset.done $0x0  }
0x34: {  	[sflag:s23] =	ssyncadd.s32 $0xFFFFC000  }
0x35: {  	[spmem:s3] =	stream.indirect.scatter.add.f32 [tilespmem:s19], [sflag:$0x5], $0x80, s24, s17, $0xb8;
	[tilespmem:$0x1C400] =	vst v63  }
0x36: {  	_ =	swait.ge [sflag:s14], $0x4000  }
0x37: {  	[sflag:s14] =	ssyncset.done $0x0  }
0x38: {  	[sflag:s14] =	ssyncadd.s32 $0xFFFFC000  }
0x39: {  	[tilespmem:s19], [sflag:$0x4] =	stream.indirect.gather [hbm4b:s2+s17], $0x80, s25, s17, $0xb8;
	[tilespmem:$0x1C400] =	vst v63  }
0x3a: {  	_ =	swait.ge [sflag:s26], $0x400  }
0x3b: {  	[sflag:s26] =	ssyncset.done $0x0  }
0x3c: {  	[sflag:s26] =	ssyncadd.s32 $0xFFFFFC00  }
0x3d: {  	_ =	swait.ge [sflag:s20], $0x4000  }
0x3e: {  	[sflag:s20] =	ssyncset.done $0x0  }
0x3f: {  	[sflag:s20] =	ssyncadd.s32 $0xFFFFC000  }
0x40: {  	[spmem:s3] =	stream.indirect.scatter.add.f32 [tilespmem:s18], [sflag:$0x5], $0x80, s28, s17, $0xb8;
	[tilespmem:$0x1C400] =	vst v63  }
0x41: {  	_ =	swait.ge [sflag:s14], $0x4000  }
0x42: {  	[sflag:s14] =	ssyncset.done $0x0  }
0x43: {  	[sflag:s14] =	ssyncadd.s32 $0xFFFFC000  }
0x44: {  	[tilespmem:s18], [sflag:$0x3] =	stream.indirect.gather [hbm4b:s2+s17], $0x80, s15, s17, $0xb8;
	[tilespmem:$0x1C400] =	vst v63  }
0x45: {  	_ =	swait.ge [sflag:s23], $0x4000  }
0x46: {  	[sflag:s23] =	ssyncset.done $0x0  }
0x47: {  	[sflag:s23] =	ssyncadd.s32 $0xFFFFC000  }
0x48: {  	[spmem:s3] =	stream.indirect.scatter.add.f32 [tilespmem:s19], [sflag:$0x5], $0x80, s29, s17, $0xb8;
	[tilespmem:$0x1C400] =	vst v63  }
0x49: {  	_ =	swait.ge [sflag:s14], $0x4000  }
0x4a: {  	[sflag:s14] =	ssyncset.done $0x0  }
0x4b: {  	[sflag:s14] =	ssyncadd.s32 $0xFFFFC000  }
0x4c: {  	[tilespmem:s19], [sflag:$0x4] =	stream.indirect.gather [hbm4b:s2+s17], $0x80, s30, s17, $0xb8;
	[tilespmem:$0x1C400] =	vst v63  }
0x4d: {  	_ = 	snop  }
0x4e: {  	[tilespmem:s4], [sflag:$0x1] =	stream.linear.gather [hbm4b:s12+s4], $0x400, $0x38;
	[tilespmem:$0x1C400] =	vst v63  }
0x4f: {  	_ =	swait.ge [sflag:s20], $0x4000  }
0x50: {  	[sflag:s20] =	ssyncset.done $0x0  }
0x51: {  	[sflag:s20] =	ssyncadd.s32 $0xFFFFC000  }
0x52: {  	[spmem:s3] =	stream.indirect.scatter.add.f32 [tilespmem:s18], [sflag:$0x5], $0x80, s31, s17, $0xb8;
	[tilespmem:$0x1C400] =	vst v63  }
0x53: {  	_ =	swait.ge [sflag:s14], $0x4000  }
0x54: {  	[sflag:s14] =	ssyncset.done $0x0  }
0x55: {  	[sflag:s14] =	ssyncadd.s32 $0xFFFFC000  }
0x56: {  	[tilespmem:s18], [sflag:$0x3] =	stream.indirect.gather [hbm4b:s2+s17], $0x80, s1, s17, $0xb8;
	[tilespmem:$0x1C400] =	vst v63  }
0x57: {  	_ =	swait.ge [sflag:s23], $0x4000  }
0x58: {  	[sflag:s23] =	ssyncset.done $0x0  }
0x59: {  	[sflag:s23] =	ssyncadd.s32 $0xFFFFC000  }
0x5a: {  	[spmem:s3] =	stream.indirect.scatter.add.f32 [tilespmem:s19], [sflag:$0x5], $0x80, s0, s17, $0xb8;
	[tilespmem:$0x1C400] =	vst v63  }
0x5b: {  	_ =	swait.ge [sflag:s14], $0x4000  }
0x5c: {  	[sflag:s14] =	ssyncset.done $0x0  }
0x5d: {  	[sflag:s14] =	ssyncadd.s32 $0xFFFFC000  }
0x5e: {  	[tilespmem:s19], [sflag:$0x4] =	stream.indirect.gather [hbm4b:s2+s17], $0x80, s5, s17, $0xb8;
	[tilespmem:$0x1C400] =	vst v63  }
0x5f: {  	_ =	swait.ge [sflag:s20], $0x4000  }
0x60: {  	[sflag:s20] =	ssyncset.done $0x0  }
0x61: {  	[sflag:s20] =	ssyncadd.s32 $0xFFFFC000  }
0x62: {  	[spmem:s3] =	stream.indirect.scatter.add.f32 [tilespmem:s18], [sflag:$0x5], $0x80, s8, s17, $0xb8;
	[tilespmem:$0x1C400] =	vst v63  }
0x63: {  	_ =	swait.ge [sflag:s14], $0x4000  }
0x64: {  	[sflag:s14] =	ssyncset.done $0x0  }
0x65: {  	[sflag:s14] =	ssyncadd.s32 $0xFFFFC000  }
0x66: {  	_ =	swait.ge [sflag:s23], $0x4000  }
0x67: {  	[sflag:s23] =	ssyncset.done $0x0  }
0x68: {  	[sflag:s23] =	ssyncadd.s32 $0xFFFFC000  }
0x69: {  	[spmem:s3] =	stream.indirect.scatter.add.f32 [tilespmem:s19], [sflag:$0x5], $0x80, s9, s17, $0xb8;
	[tilespmem:$0x1C400] =	vst v63  }
0x6a: {  	_ =	swait.ge [sflag:s14], $0x4000  }
0x6b: {  	s13 =	rddreg [dreg:$0x5]  }
0x6c: {  	p0 =	sne.s32 s13, $0x1  }
.Ltmp0:
0x6d: {  	_ = 	snop;
	(pc) =	sbr.rel @!p0 .LBB2_3-.Ltmp0, $3  }
0x6e: {  	_ =	sdelay $0x1  }
0x6f: {  	s6 =	sadd.s32 $0x100, s12;
	[sflag:s14] =	ssyncset.done $0x0  }
0x70: {  	s11 =	sadd.s32 $0xFFFFFFFF, s13;
	[sflag:s14] =	ssyncadd.s32 $0xFFFFC000;
	s13 =	sadd.s32 $0x80, s12  }
.LBB2_2:
0x71: {  	[tilespmem:s15], [sflag:$0x2] =	stream.linear.gather [hbm4b:s13+s4], $0x400, $0x38;
	[tilespmem:$0x1C400] =	vst v63  }
0x72: {  	p0 =	sne.s32 s11, $0x1;
	s11 =	sadd.s32 $0xFFFFFFFF, s11;
	_ =	swait.ge [sflag:s16], $0x400  }
0x73: {  	[sflag:s16] =	ssyncset.done $0x0  }
0x74: {  	[sflag:s16] =	ssyncadd.s32 $0xFFFFFC00  }
0x75: {  	[tilespmem:s18], [sflag:$0x3] =	stream.indirect.gather [hbm4b:s2+s17], $0x80, s4, s17, $0xb8;
	[tilespmem:$0x1C400] =	vst v63  }
0x76: {  	_ = 	snop  }
0x77: {  	[tilespmem:s19], [sflag:$0x4] =	stream.indirect.gather [hbm4b:s2+s17], $0x80, s17, s17, $0xb8;
	[tilespmem:$0x1C400] =	vst v63  }
0x78: {  	_ =	swait.ge [sflag:s20], $0x4000  }
0x79: {  	[sflag:s20] =	ssyncset.done $0x0  }
0x7a: {  	[sflag:s20] =	ssyncadd.s32 $0xFFFFC000  }
0x7b: {  	[spmem:s3] =	stream.indirect.scatter.add.f32 [tilespmem:s18], [sflag:$0x5], $0x80, s21, s17, $0xb8;
	[tilespmem:$0x1C400] =	vst v63  }
0x7c: {  	_ =	swait.ge [sflag:s14], $0x4000  }
0x7d: {  	[sflag:s14] =	ssyncset.done $0x0  }
0x7e: {  	[sflag:s14] =	ssyncadd.s32 $0xFFFFC000  }
0x7f: {  	[tilespmem:s18], [sflag:$0x3] =	stream.indirect.gather [hbm4b:s2+s17], $0x80, s22, s17, $0xb8;
	[tilespmem:$0x1C400] =	vst v63  }
0x80: {  	_ =	swait.ge [sflag:s23], $0x4000  }
0x81: {  	[sflag:s23] =	ssyncset.done $0x0  }
0x82: {  	[sflag:s23] =	ssyncadd.s32 $0xFFFFC000  }
0x83: {  	[spmem:s3] =	stream.indirect.scatter.add.f32 [tilespmem:s19], [sflag:$0x5], $0x80, s24, s17, $0xb8;
	[tilespmem:$0x1C400] =	vst v63  }
0x84: {  	_ =	swait.ge [sflag:s14], $0x4000  }
0x85: {  	[sflag:s14] =	ssyncset.done $0x0  }
0x86: {  	[sflag:s14] =	ssyncadd.s32 $0xFFFFC000  }
0x87: {  	[tilespmem:s19], [sflag:$0x4] =	stream.indirect.gather [hbm4b:s2+s17], $0x80, s25, s17, $0xb8;
	[tilespmem:$0x1C400] =	vst v63  }
0x88: {  	_ =	swait.ge [sflag:s26], $0x400  }
0x89: {  	[sflag:s26] =	ssyncset.done $0x0  }
0x8a: {  	[sflag:s26] =	ssyncadd.s32 $0xFFFFFC00  }
0x8b: {  	_ =	swait.ge [sflag:s20], $0x4000  }
0x8c: {  	[sflag:s20] =	ssyncset.done $0x0  }
0x8d: {  	[sflag:s20] =	ssyncadd.s32 $0xFFFFC000  }
0x8e: {  	[spmem:s3] =	stream.indirect.scatter.add.f32 [tilespmem:s18], [sflag:$0x5], $0x80, s28, s17, $0xb8;
	[tilespmem:$0x1C400] =	vst v63  }
0x8f: {  	_ =	swait.ge [sflag:s14], $0x4000  }
0x90: {  	[sflag:s14] =	ssyncset.done $0x0  }
0x91: {  	[sflag:s14] =	ssyncadd.s32 $0xFFFFC000  }
0x92: {  	[tilespmem:s18], [sflag:$0x3] =	stream.indirect.gather [hbm4b:s2+s17], $0x80, s15, s17, $0xb8;
	[tilespmem:$0x1C400] =	vst v63  }
0x93: {  	_ =	swait.ge [sflag:s23], $0x4000  }
0x94: {  	[sflag:s23] =	ssyncset.done $0x0  }
0x95: {  	[sflag:s23] =	ssyncadd.s32 $0xFFFFC000  }
0x96: {  	[spmem:s3] =	stream.indirect.scatter.add.f32 [tilespmem:s19], [sflag:$0x5], $0x80, s29, s17, $0xb8;
	[tilespmem:$0x1C400] =	vst v63  }
0x97: {  	_ =	swait.ge [sflag:s14], $0x4000  }
0x98: {  	[sflag:s14] =	ssyncset.done $0x0  }
0x99: {  	[sflag:s14] =	ssyncadd.s32 $0xFFFFC000  }
0x9a: {  	[tilespmem:s19], [sflag:$0x4] =	stream.indirect.gather [hbm4b:s2+s17], $0x80, s30, s17, $0xb8;
	[tilespmem:$0x1C400] =	vst v63  }
0x9b: {  	_ = 	snop  }
0x9c: {  	[tilespmem:s4], [sflag:$0x1] =	stream.linear.gather [hbm4b:s6+s4], $0x400, $0x38;
	[tilespmem:$0x1C400] =	vst v63  }
0x9d: {  	_ =	swait.ge [sflag:s20], $0x4000  }
0x9e: {  	[sflag:s20] =	ssyncset.done $0x0  }
0x9f: {  	[sflag:s20] =	ssyncadd.s32 $0xFFFFC000  }
0xa0: {  	[spmem:s3] =	stream.indirect.scatter.add.f32 [tilespmem:s18], [sflag:$0x5], $0x80, s31, s17, $0xb8;
	[tilespmem:$0x1C400] =	vst v63  }
0xa1: {  	_ =	swait.ge [sflag:s14], $0x4000  }
0xa2: {  	[sflag:s14] =	ssyncset.done $0x0  }
0xa3: {  	[sflag:s14] =	ssyncadd.s32 $0xFFFFC000  }
0xa4: {  	[tilespmem:s18], [sflag:$0x3] =	stream.indirect.gather [hbm4b:s2+s17], $0x80, s1, s17, $0xb8;
	[tilespmem:$0x1C400] =	vst v63  }
0xa5: {  	_ =	swait.ge [sflag:s23], $0x4000  }
0xa6: {  	[sflag:s23] =	ssyncset.done $0x0  }
0xa7: {  	[sflag:s23] =	ssyncadd.s32 $0xFFFFC000  }
0xa8: {  	[spmem:s3] =	stream.indirect.scatter.add.f32 [tilespmem:s19], [sflag:$0x5], $0x80, s0, s17, $0xb8;
	[tilespmem:$0x1C400] =	vst v63  }
0xa9: {  	_ =	swait.ge [sflag:s14], $0x4000  }
0xaa: {  	[sflag:s14] =	ssyncset.done $0x0  }
0xab: {  	[sflag:s14] =	ssyncadd.s32 $0xFFFFC000  }
0xac: {  	[tilespmem:s19], [sflag:$0x4] =	stream.indirect.gather [hbm4b:s2+s17], $0x80, s5, s17, $0xb8;
	[tilespmem:$0x1C400] =	vst v63  }
0xad: {  	_ =	swait.ge [sflag:s20], $0x4000  }
0xae: {  	[sflag:s20] =	ssyncset.done $0x0  }
0xaf: {  	[sflag:s20] =	ssyncadd.s32 $0xFFFFC000  }
0xb0: {  	[spmem:s3] =	stream.indirect.scatter.add.f32 [tilespmem:s18], [sflag:$0x5], $0x80, s8, s17, $0xb8;
	[tilespmem:$0x1C400] =	vst v63  }
0xb1: {  	_ =	swait.ge [sflag:s14], $0x4000  }
0xb2: {  	[sflag:s14] =	ssyncset.done $0x0  }
0xb3: {  	[sflag:s14] =	ssyncadd.s32 $0xFFFFC000  }
0xb4: {  	_ =	swait.ge [sflag:s23], $0x4000  }
0xb5: {  	[sflag:s23] =	ssyncset.done $0x0  }
.Ltmp1:
0xb6: {  	[sflag:s23] =	ssyncadd.s32 $0xFFFFC000;
	(pc) =	sbr.rel @p0 .LBB2_2-.Ltmp1, $4  }
0xb7: {  	[spmem:s3] =	stream.indirect.scatter.add.f32 [tilespmem:s19], [sflag:$0x5], $0x80, s9, s17, $0xb8;
	[tilespmem:$0x1C400] =	vst v63  }
0xb8: {  	_ =	swait.ge [sflag:s14], $0x4000  }
0xb9: {  	[sflag:s14] =	ssyncset.done $0x0  }
0xba: {  	s13 =	sadd.s32 $0x80, s6;
	s6 =	sadd.s32 $0x100, s6;
	[sflag:s14] =	ssyncadd.s32 $0xFFFFC000  }
.LBB2_3:
0xbb: {  	[tilespmem:s15], [sflag:$0x2] =	stream.linear.gather [hbm4b:s13+s4], $0x400, $0x38;
	[tilespmem:$0x1C400] =	vst v63  }
0xbc: {  	_ =	swait.ge [sflag:s16], $0x400  }
0xbd: {  	[sflag:s16] =	ssyncset.done $0x0  }
0xbe: {  	[sflag:s16] =	ssyncadd.s32 $0xFFFFFC00  }
0xbf: {  	_ =	swait.ge [sflag:s26], $0x400  }
0xc0: {  	[sflag:s26] =	ssyncset.done $0x0  }
0xc1: {  	[sflag:s26] =	ssyncadd.s32 $0xFFFFFC00  }
0xc2: {  	[bflag:$0x0] =	sbarrier.arrive $0xFFFF  }
0xc3: {  	s6 =	rddreg [dreg:$0x8]  }
0xc4: {  	s13 =	rddreg [dreg:$0xa]  }
0xc5: {  	[hbm:s6], [sflag:s7] =	dma.local [spmem:s13], $0x2780  }
0xc6: {  	_ =	swait.ge [sflag:s14], $0x2780  }
0xc7: {  	s11 =	smov.u32 s7;
	s10 =	sadd.s32 $0x1, s10;
	s7 =	rddreg [dreg:$0x9]  }
0xc8: {  	p0 =	sne.s32 s10, s7  }
.Ltmp2:
0xc9: {  	_ = 	snop;
	(pc) =	sbr.rel @p0 .LBB2_1-.Ltmp2, $3  }
0xca: {  	_ =	sdelay $0x1  }
0xcb: {  	[sflag:s14] =	ssyncset.done $0x0  }
0xcc: {  	[sflag:s14] =	ssyncadd.s32 $0xFFFFD880  }
0xcd: {  	_ =	sfence.sel $0x180000  }
0xce: {  	[bflag:$0x0] =	sbarrier.arrive $0xFFFF  }
0xcf: {  	_ =	strace $0x9000004A  }
0xd0: {  	s0 =	stileid.u32;
	[bflag:$0x2] =	sbarrier.arrive $0xFFFF  }
0xd1: {  	p0 =	sne.s32 s0, $0x0;
	s0 =	rddreg [dreg:$0x3]  }
0xd2: {  	s0 =	sadd.s32 @!p0 $0x100000, s0  }
0xd3: {  	[sflag:s0] =	ssyncadd.tile.s32 @!p0 $0x1;
	_ =	shalt  }
.Lfunc_end2:
_tile_overlayer_lowered:
.L_overlay_start_2:
0xd4: {  	(tag) =	ssettag $0x2  }
0xd5: {  	s0 =	rddreg [dreg:$0x0];
	s2 =	stileid.u32  }
0xd6: {  	s1 =	rddreg [dreg:$0x1];
	p0 =	sne.s32 s2, $0x0  }
0xd7: {  	s3 =	rddreg [dreg:$0x2];
	[bflag:$0x3] =	sbarrier.arrive $0xFFFF;
	s2 =	simm.s32 @!p0 $0x1C05  }
0xd8: {  	[timem:s3], [sflag:s2] =	dma.local @!p0 [hbm:s0], s1  }
0xd9: {  	s0 =	simm.s32 @!p0 $0x5  }
0xda: {  	_ =	swait.ge @!p0 [sflag:s0], s1  }
0xdb: {  	s1 =	ssub.s32 @!p0 $0x0, s1;
	[sflag:s0] =	ssyncset.done @!p0 $0x0  }
0xdc: {  	[sflag:s0] =	ssyncadd.s32 @!p0 s1  }
0xdd: {  	[bflag:$0x3] =	sbarrier.arrive $0xFFFF  }
0xde: {  	_ =	shalt  }

</sc_bundles>
